<compile_context>
chip_gen: v7x
topology: tpu7x:2x2x1
jax: 0.10.2.dev20260603
libtpu: 0.0.44.dev20260713+nightly
codegen_flags: <defaults>
</compile_context>

<pallas_src>
import functools

import jax
import jax.numpy as jnp
from jax import lax
from jax.experimental import pallas as pl
from jax.experimental.pallas import tpu as pltpu
from jax.experimental.pallas import tpu_sc as plsc

N = 10000
D = 128
E = 320000

NC = 2
NS = 16
NW = NC * NS

C = 128
NB = 2

NCH0 = 124
NCH1 = 36
EP0 = NCH0 * C
EP1 = NCH1 * C
EPAD = NS * (EP0 + EP1)
NROW1 = NS * NCH0

NCHD = EPAD // (NW * C)
EPD = NCHD * C

NP = 10240
ZR = NP // NS

_mesh = plsc.VectorSubcoreMesh(core_axis_name="c", subcore_axis_name="s")
_sc_params = pltpu.CompilerParams(use_tc_tiling_on_sc=False)


def _fill(ref, nrows, ncols, value):
    v = jnp.full((16,), value, jnp.float32)

    def body(i, carry):
        for c in range(ncols // 16):
            ref[i, pl.ds(c * 16, 16)] = v
        return carry

    lax.fori_loop(0, nrows, body, 0)


@functools.partial(
    pl.kernel,
    out_type=jax.ShapeDtypeStruct((NC, NP, 16), jnp.float32),
    mesh=_mesh,
    scratch_types=[
        pltpu.VMEM((NCHD, C), jnp.int32),
        pltpu.VMEM((C, 16), jnp.float32),
        pltpu.VMEM_SHARED((NP, 16), jnp.float32),
    ],
    compiler_params=_sc_params,
)
def _sc_deg(dst_hbm, out_hbm, didx, ones_v, acc):
    cid = lax.axis_index("c")
    sid = lax.axis_index("s")
    wid = cid * NS + sid

    _fill(ones_v, C, 16, 0.0)
    zbase = sid * ZR
    for k in range(ZR // C):
        pltpu.sync_copy(ones_v, acc.at[pl.ds(zbase + k * C, C)])
    _fill(ones_v, C, 16, 1.0)
    pltpu.sync_copy(dst_hbm.at[pl.ds(wid * NCHD, NCHD)], didx)
    plsc.subcore_barrier()

    def chunk(i, carry):
        pltpu.sync_copy(ones_v, acc.at[didx.at[i]], add=True)
        return carry

    lax.fori_loop(0, NCHD, chunk, 0)
    plsc.subcore_barrier()

    pltpu.sync_copy(acc.at[pl.ds(zbase, ZR)],
                    out_hbm.at[cid, pl.ds(zbase, ZR)])


@functools.partial(
    pl.kernel,
    out_type=jax.ShapeDtypeStruct((NC, NP, D), jnp.float32),
    mesh=_mesh,
    scratch_types=[
        pltpu.VMEM((EP0,), jnp.int32),
        [pltpu.VMEM((1, C), jnp.int32) for _ in range(NB)],
        [pltpu.VMEM((C, D), jnp.float32) for _ in range(NB)],
        pltpu.VMEM_SHARED((NP, D), jnp.float32),
        [pltpu.SemaphoreType.DMA for _ in range(NB)],
        [pltpu.SemaphoreType.DMA for _ in range(NB)],
    ],
    compiler_params=_sc_params,
)
def _sc_agg(g_hbm, src_hbm, dst_hbm, out_hbm, sidx, didxs, rows,
            acc, sems, dsems):
    cid = lax.axis_index("c")
    sid = lax.axis_index("s")

    _fill(rows[0], C, D, 0.0)
    zbase = sid * ZR
    for k in range(ZR // C):
        pltpu.sync_copy(rows[0], acc.at[pl.ds(zbase + k * C, C)])

    @pl.when(cid == 0)
    def _():
        pltpu.sync_copy(src_hbm.at[pl.ds(sid * EP0, EP0)], sidx)

    @pl.when(cid == 1)
    def _():
        pltpu.sync_copy(src_hbm.at[pl.ds(NS * EP0 + sid * EP1, EP1)],
                        sidx.at[pl.ds(0, EP1)])

    plsc.subcore_barrier()

    nch = jnp.where(cid == 0, NCH0, NCH1)
    drow = jnp.where(cid == 0, sid * NCH0, NROW1 + sid * NCH1)

    def gather(c, q):
        pltpu.async_copy(g_hbm.at[sidx.at[pl.ds(c * C, C)]], rows[q], sems[q])

    def gather_wait(c, q):
        pltpu.make_async_copy(g_hbm.at[sidx.at[pl.ds(c * C, C)]], rows[q],
                              sems[q]).wait()

    def didx_load(c, q):
        pltpu.async_copy(dst_hbm.at[drow + c], didxs[q].at[0], dsems[q])

    def didx_wait(c, q):
        pltpu.make_async_copy(dst_hbm.at[drow + c], didxs[q].at[0],
                              dsems[q]).wait()

    for q in range(NB):
        didx_load(q, q)
        gather(q, q)

    def rounds(p, carry):
        c0 = NB * p
        for q in range(NB):
            c = c0 + q
            gather_wait(c, q)
            didx_wait(c, q)
            pltpu.sync_copy(rows[q], acc.at[didxs[q].at[0]], add=True)
            didx_load(c + NB, q)
            gather(c + NB, q)
        return carry

    lax.fori_loop(0, nch // NB - 1, rounds, 0)
    for q in range(NB):
        c = nch - NB + q
        gather_wait(c, q)
        didx_wait(c, q)
        pltpu.sync_copy(rows[q], acc.at[didxs[q].at[0]], add=True)
    plsc.subcore_barrier()

    pltpu.sync_copy(acc.at[pl.ds(zbase, ZR)],
                    out_hbm.at[cid, pl.ds(zbase, ZR)])


_RB = 1000


def _dis_of(dref):
    deg = dref[0, :, 0:1] + dref[1, :, 0:1] + 1.0
    return lax.rsqrt(deg)


def _tc1_body(x_ref, w_ref, d_ref, o_ref):
    dis = _dis_of(d_ref)
    h = jnp.dot(x_ref[...], w_ref[...], preferred_element_type=jnp.float32)
    o_ref[...] = h * dis


def _tc2_body(a_ref, g_ref, d_ref, w_ref, b_ref, o_ref):
    dis = _dis_of(d_ref)
    s = a_ref[0] + a_ref[1] + g_ref[...]
    r = jnp.maximum(s * dis + b_ref[...], 0.0)
    o_ref[...] = jnp.dot(r, w_ref[...], preferred_element_type=jnp.float32) * dis


def _tc3_body(a_ref, g_ref, d_ref, b_ref, o_ref):
    dis = _dis_of(d_ref)
    s = a_ref[0] + a_ref[1] + g_ref[...]
    o_ref[...] = s * dis + b_ref[...]


def _row_spec(i):
    return (i, 0)


_spec_rows = pl.BlockSpec((_RB, D), _row_spec)
_spec_acc = pl.BlockSpec((NC, _RB, D), lambda i: (0, i, 0))
_spec_deg = pl.BlockSpec((NC, _RB, 16), lambda i: (0, i, 0))
_spec_w = pl.BlockSpec((D, D), lambda i: (0, 0))
_spec_b = pl.BlockSpec((1, D), lambda i: (0, 0))

_GRID = (N // _RB,)
_out_rows = jax.ShapeDtypeStruct((N, D), jnp.float32)

_tc1 = pl.pallas_call(
    _tc1_body, grid=_GRID,
    in_specs=[_spec_rows, _spec_w, _spec_deg],
    out_specs=_spec_rows, out_shape=_out_rows)

_tc2 = pl.pallas_call(
    _tc2_body, grid=_GRID,
    in_specs=[_spec_acc, _spec_rows, _spec_deg, _spec_w, _spec_b],
    out_specs=_spec_rows, out_shape=_out_rows)

_tc3 = pl.pallas_call(
    _tc3_body, grid=_GRID,
    in_specs=[_spec_acc, _spec_rows, _spec_deg, _spec_b],
    out_specs=_spec_rows, out_shape=_out_rows)


def kernel(x, edge_index, W1, b1, W2, b2):
    ei = edge_index.astype(jnp.int32)
    pad = EPAD - E
    e0 = NS * EP0 - pad
    dummy = N + (jnp.arange(pad, dtype=jnp.int32) % (NP - N))
    zpad = jnp.zeros((pad,), jnp.int32)
    src = jnp.concatenate([ei[0, :e0], zpad, ei[0, e0:]])
    dst = jnp.concatenate([ei[1, :e0], dummy, ei[1, e0:]])
    dst2 = dst.reshape(EPAD // C, C)
    b1r = b1.reshape(1, D)
    b2r = b2.reshape(1, D)

    degp = _sc_deg(dst2)
    g1 = _tc1(x, W1, degp)
    acc1 = _sc_agg(g1, src, dst2)
    g2 = _tc2(acc1, g1, degp, W2, b1r)
    acc2 = _sc_agg(g2, src, dst2)
    return _tc3(acc2, g2, degp, b2r)

# --- scband reference (transcript-rebuilt; emitter-appended) ---
"""Pipeline reference for scband-simple-gnn-57088705298765 (READ-ONLY COPY).

The authoritative reference and input builder live on the scoring server;
editing this copy changes nothing except your own understanding.
"""

import jax, jax.numpy as jnp
import numpy as np

N_NODES = 10000
D_IN = 128
D_HID = 128
N_EDGES = 320000


def setup_inputs(seed: int = 0) -> dict:
    key = jax.random.key(seed)
    k1, k2, k3, k4, k5, k6 = jax.random.split(key, 6)
    x = jax.random.normal(k1, (N_NODES, D_IN), dtype=jnp.float32)
    edge_index = jax.random.randint(k2, (2, N_EDGES), 0, N_NODES, dtype=jnp.int64)
    # GCNConv layer 1 params (glorot-ish init)
    W1 = jax.random.normal(k3, (D_IN, D_HID), dtype=jnp.float32) * (1.0 / np.sqrt(D_IN))
    b1 = jnp.zeros((D_HID,), dtype=jnp.float32)
    # GCNConv layer 2 params
    W2 = jax.random.normal(k4, (D_HID, D_HID), dtype=jnp.float32) * (1.0 / np.sqrt(D_HID))
    b2 = jnp.zeros((D_HID,), dtype=jnp.float32)
    return {"x": x, "edge_index": edge_index, "W1": W1, "b1": b1, "W2": W2, "b2": b2}


def _gcn_conv(x, edge_index, W, b):
    # Faithful PyG GCNConv: linear transform, gcn_norm with added self-loops,
    # symmetric D^{-1/2} A_hat D^{-1/2} aggregation, then bias.
    N = x.shape[0]
    loop = jnp.arange(N, dtype=edge_index.dtype)
    src = jnp.concatenate([edge_index[0], loop])
    dst = jnp.concatenate([edge_index[1], loop])
    deg = jnp.zeros((N,), dtype=x.dtype).at[dst].add(1.0)
    deg_inv_sqrt = jnp.where(deg > 0, 1.0 / jnp.sqrt(deg), 0.0)
    norm = deg_inv_sqrt[src] * deg_inv_sqrt[dst]
    h = x @ W
    msg = h[src] * norm[:, None]
    out = jnp.zeros((N, h.shape[1]), dtype=x.dtype).at[dst].add(msg)
    return out + b


def reference(x, edge_index, W1, b1, W2, b2):
    h = _gcn_conv(x, edge_index, W1, b1)
    h = jax.nn.relu(h)
    out = _gcn_conv(h, edge_index, W2, b2)
    return out

if __name__ == "__main__":
    import jax
    _d = setup_inputs()
    print(jax.jit(kernel)(*tuple(_d.values())))

</pallas_src>

<mosaic_0001>
#map = affine_map<(d0, d1) -> (0, 0)>
#map1 = affine_map<(d0, d1) -> (0)>
#map2 = affine_map<(d0, d1) -> (0, 0, 0)>
module attributes {stable_mosaic.version = 14 : i64} {
  func.func @_sc_agg(%arg0: i32, %arg1: i32, %arg2: memref<10000x128xf32, #tpu.memory_space<hbm>>, %arg3: memref<327680xi32, #tpu.memory_space<hbm>>, %arg4: memref<2560x128xi32, #tpu.memory_space<hbm>>, %arg5: memref<2x10240x128xf32, #tpu.memory_space<hbm>>, %arg6: memref<15872xi32, #tpu.memory_space<vmem>>, %arg7: memref<1x128xi32, #tpu.memory_space<vmem>>, %arg8: memref<1x128xi32, #tpu.memory_space<vmem>>, %arg9: memref<128x128xf32, #tpu.memory_space<vmem>>, %arg10: memref<128x128xf32, #tpu.memory_space<vmem>>, %arg11: memref<10240x128xf32, #tpu.memory_space<vmem_shared>>, %arg12: memref<!tpu.dma_semaphore, #tpu.memory_space<semaphore_mem>>, %arg13: memref<!tpu.dma_semaphore, #tpu.memory_space<semaphore_mem>>, %arg14: memref<!tpu.dma_semaphore, #tpu.memory_space<semaphore_mem>>, %arg15: memref<!tpu.dma_semaphore, #tpu.memory_space<semaphore_mem>>) attributes {dimension_semantics = [#tpu.dimension_semantics<core_parallel>, #tpu.dimension_semantics<subcore_parallel>], iteration_bounds = array<i64: 2, 16>, scalar_prefetch = 0 : i64, scratch_operands = 10 : i64, tpu.core_type = #tpu.core_type<sc_vector_subcore>, window_params = [{transform_indices = #map}, {transform_indices = #map1}, {transform_indices = #map}, {transform_indices = #map2}]} {
    %broadcast_in_dim3A = arith.constant 0.000000e+00 : f32
    %broadcast_in_dim3A_0 = vector.broadcast %broadcast_in_dim3A : f32 to vector<16xf32>
    %scan3A = arith.constant 0 : i32
    %scan3A_1 = arith.constant 0 : i32
    %scan3A_2 = arith.constant 128 : i32
    %scan3A_3 = arith.addi %scan3A_1, %scan3A_2 : i32
    %scan3A_4 = arith.constant 1 : i32
    scf.for %scan3A_152 = %scan3A_1 to %scan3A_3 step %scan3A_4  : i32 {
      %swap3A = arith.index_cast %scan3A_152 : i32 to index
      %swap3A_153 = arith.constant 0 : index
      %swap3A_154 = tpu.vector_load %arg9[%swap3A, %swap3A_153] {strides = array<i32>} : memref<128x128xf32, #tpu.memory_space<vmem>>, vector<1x16xf32>,
      %swap3A_155 = vector.shape_cast %swap3A_154 : vector<1x16xf32> to vector<16xf32>
      %swap3A_156 = vector.shape_cast %broadcast_in_dim3A_0 : vector<16xf32> to vector<1x16xf32>
      tpu.vector_store %arg9[%swap3A, %swap3A_153], %swap3A_156 {strides = array<i32>} : memref<128x128xf32, #tpu.memory_space<vmem>>, vector<1x16xf32>,
      %swap3A_157 = arith.index_cast %scan3A_152 : i32 to index
      %swap3A_158 = arith.constant 16 : index
      %swap3A_159 = tpu.vector_load %arg9[%swap3A_157, %swap3A_158] {strides = array<i32>} : memref<128x128xf32, #tpu.memory_space<vmem>>, vector<1x16xf32>,
      %swap3A_160 = vector.shape_cast %swap3A_159 : vector<1x16xf32> to vector<16xf32>
      %swap3A_161 = vector.shape_cast %broadcast_in_dim3A_0 : vector<16xf32> to vector<1x16xf32>
      tpu.vector_store %arg9[%swap3A_157, %swap3A_158], %swap3A_161 {strides = array<i32>} : memref<128x128xf32, #tpu.memory_space<vmem>>, vector<1x16xf32>,
      %swap3A_162 = arith.index_cast %scan3A_152 : i32 to index
      %swap3A_163 = arith.constant 32 : index
      %swap3A_164 = tpu.vector_load %arg9[%swap3A_162, %swap3A_163] {strides = array<i32>} : memref<128x128xf32, #tpu.memory_space<vmem>>, vector<1x16xf32>,
      %swap3A_165 = vector.shape_cast %swap3A_164 : vector<1x16xf32> to vector<16xf32>
      %swap3A_166 = vector.shape_cast %broadcast_in_dim3A_0 : vector<16xf32> to vector<1x16xf32>
      tpu.vector_store %arg9[%swap3A_162, %swap3A_163], %swap3A_166 {strides = array<i32>} : memref<128x128xf32, #tpu.memory_space<vmem>>, vector<1x16xf32>,
      %swap3A_167 = arith.index_cast %scan3A_152 : i32 to index
      %swap3A_168 = arith.constant 48 : index
      %swap3A_169 = tpu.vector_load %arg9[%swap3A_167, %swap3A_168] {strides = array<i32>} : memref<128x128xf32, #tpu.memory_space<vmem>>, vector<1x16xf32>,
      %swap3A_170 = vector.shape_cast %swap3A_169 : vector<1x16xf32> to vector<16xf32>
      %swap3A_171 = vector.shape_cast %broadcast_in_dim3A_0 : vector<16xf32> to vector<1x16xf32>
      tpu.vector_store %arg9[%swap3A_167, %swap3A_168], %swap3A_171 {strides = array<i32>} : memref<128x128xf32, #tpu.memory_space<vmem>>, vector<1x16xf32>,
      %swap3A_172 = arith.index_cast %scan3A_152 : i32 to index
      %swap3A_173 = arith.constant 64 : index
      %swap3A_174 = tpu.vector_load %arg9[%swap3A_172, %swap3A_173] {strides = array<i32>} : memref<128x128xf32, #tpu.memory_space<vmem>>, vector<1x16xf32>,
      %swap3A_175 = vector.shape_cast %swap3A_174 : vector<1x16xf32> to vector<16xf32>
      %swap3A_176 = vector.shape_cast %broadcast_in_dim3A_0 : vector<16xf32> to vector<1x16xf32>
      tpu.vector_store %arg9[%swap3A_172, %swap3A_173], %swap3A_176 {strides = array<i32>} : memref<128x128xf32, #tpu.memory_space<vmem>>, vector<1x16xf32>,
      %swap3A_177 = arith.index_cast %scan3A_152 : i32 to index
      %swap3A_178 = arith.constant 80 : index
      %swap3A_179 = tpu.vector_load %arg9[%swap3A_177, %swap3A_178] {strides = array<i32>} : memref<128x128xf32, #tpu.memory_space<vmem>>, vector<1x16xf32>,
      %swap3A_180 = vector.shape_cast %swap3A_179 : vector<1x16xf32> to vector<16xf32>
      %swap3A_181 = vector.shape_cast %broadcast_in_dim3A_0 : vector<16xf32> to vector<1x16xf32>
      tpu.vector_store %arg9[%swap3A_177, %swap3A_178], %swap3A_181 {strides = array<i32>} : memref<128x128xf32, #tpu.memory_space<vmem>>, vector<1x16xf32>,
      %swap3A_182 = arith.index_cast %scan3A_152 : i32 to index
      %swap3A_183 = arith.constant 96 : index
      %swap3A_184 = tpu.vector_load %arg9[%swap3A_182, %swap3A_183] {strides = array<i32>} : memref<128x128xf32, #tpu.memory_space<vmem>>, vector<1x16xf32>,
      %swap3A_185 = vector.shape_cast %swap3A_184 : vector<1x16xf32> to vector<16xf32>
      %swap3A_186 = vector.shape_cast %broadcast_in_dim3A_0 : vector<16xf32> to vector<1x16xf32>
      tpu.vector_store %arg9[%swap3A_182, %swap3A_183], %swap3A_186 {strides = array<i32>} : memref<128x128xf32, #tpu.memory_space<vmem>>, vector<1x16xf32>,
      %swap3A_187 = arith.index_cast %scan3A_152 : i32 to index
      %swap3A_188 = arith.constant 112 : index
      %swap3A_189 = tpu.vector_load %arg9[%swap3A_187, %swap3A_188] {strides = array<i32>} : memref<128x128xf32, #tpu.memory_space<vmem>>, vector<1x16xf32>,
      %swap3A_190 = vector.shape_cast %swap3A_189 : vector<1x16xf32> to vector<16xf32>
      %swap3A_191 = vector.shape_cast %broadcast_in_dim3A_0 : vector<16xf32> to vector<1x16xf32>
      tpu.vector_store %arg9[%swap3A_187, %swap3A_188], %swap3A_191 {strides = array<i32>} : memref<128x128xf32, #tpu.memory_space<vmem>>, vector<1x16xf32>,
    }
    %scan3A_5 = arith.constant 128 : i32
    %mul3A = arith.constant 640 : i32
    %mul3A_6 = arith.muli %arg1, %mul3A : i32
    %add3A = arith.constant 0 : i32
    %add3A_7 = arith.addi %mul3A_6, %add3A : i32
    "tpu.region"() ({
      %run_scoped3A_152 = tpu.sem_alloc : memref<!tpu.dma_semaphore, #tpu.memory_space<semaphore_mem>>
      %dma_start3A_153 = arith.constant 0 : i32
      %dma_start3A_154 = tpu.memref_slice %arg11[%add3A_7, %dma_start3A_153] : memref<10240x128xf32, #tpu.memory_space<vmem_shared>> -> memref<128x128xf32, #tpu.memory_space<vmem_shared>>
      %dma_start3A_155 = arith.constant 0 : i32
      %dma_start3A_156 = tpu.memref_slice %arg11[%add3A_7, %dma_start3A_155] : memref<10240x128xf32, #tpu.memory_space<vmem_shared>> -> memref<128x128xf32, #tpu.memory_space<vmem_shared>>
      tpu.enqueue_dma source(%arg9 : memref<128x128xf32, #tpu.memory_space<vmem>>) target(%dma_start3A_156 : memref<128x128xf32, #tpu.memory_space<vmem_shared>>) target_semaphore(%run_scoped3A_152 : memref<!tpu.dma_semaphore, #tpu.memory_space<semaphore_mem>>)
      %dma_wait3A_157 = arith.constant 0 : i32
      %dma_wait3A_158 = tpu.memref_slice %arg11[%add3A_7, %dma_wait3A_157] : memref<10240x128xf32, #tpu.memory_space<vmem_shared>> -> memref<128x128xf32, #tpu.memory_space<vmem_shared>>
      %dma_wait3A_159 = arith.constant 0 : i32
      %dma_wait3A_160 = tpu.memref_slice %arg11[%add3A_7, %dma_wait3A_159] : memref<10240x128xf32, #tpu.memory_space<vmem_shared>> -> memref<128x128xf32, #tpu.memory_space<vmem_shared>>
      tpu.wait_dma2 semaphore(%run_scoped3A_152 : memref<!tpu.dma_semaphore, #tpu.memory_space<semaphore_mem>>) src(%arg9 : memref<128x128xf32, #tpu.memory_space<vmem>>) dst(%dma_wait3A_160 : memref<128x128xf32, #tpu.memory_space<vmem_shared>>)
      tpu.yield
    }) : () -> ()
    %add3A_8 = arith.constant 128 : i32
    %add3A_9 = arith.addi %mul3A_6, %add3A_8 : i32
    "tpu.region"() ({
      %run_scoped3A_152 = tpu.sem_alloc : memref<!tpu.dma_semaphore, #tpu.memory_space<semaphore_mem>>
      %dma_start3A_153 = arith.constant 0 : i32
      %dma_start3A_154 = tpu.memref_slice %arg11[%add3A_9, %dma_start3A_153] : memref<10240x128xf32, #tpu.memory_space<vmem_shared>> -> memref<128x128xf32, #tpu.memory_space<vmem_shared>>
      %dma_start3A_155 = arith.constant 0 : i32
      %dma_start3A_156 = tpu.memref_slice %arg11[%add3A_9, %dma_start3A_155] : memref<10240x128xf32, #tpu.memory_space<vmem_shared>> -> memref<128x128xf32, #tpu.memory_space<vmem_shared>>
      tpu.enqueue_dma source(%arg9 : memref<128x128xf32, #tpu.memory_space<vmem>>) target(%dma_start3A_156 : memref<128x128xf32, #tpu.memory_space<vmem_shared>>) target_semaphore(%run_scoped3A_152 : memref<!tpu.dma_semaphore, #tpu.memory_space<semaphore_mem>>)
      %dma_wait3A_157 = arith.constant 0 : i32
      %dma_wait3A_158 = tpu.memref_slice %arg11[%add3A_9, %dma_wait3A_157] : memref<10240x128xf32, #tpu.memory_space<vmem_shared>> -> memref<128x128xf32, #tpu.memory_space<vmem_shared>>
      %dma_wait3A_159 = arith.constant 0 : i32
      %dma_wait3A_160 = tpu.memref_slice %arg11[%add3A_9, %dma_wait3A_159] : memref<10240x128xf32, #tpu.memory_space<vmem_shared>> -> memref<128x128xf32, #tpu.memory_space<vmem_shared>>
      tpu.wait_dma2 semaphore(%run_scoped3A_152 : memref<!tpu.dma_semaphore, #tpu.memory_space<semaphore_mem>>) src(%arg9 : memref<128x128xf32, #tpu.memory_space<vmem>>) dst(%dma_wait3A_160 : memref<128x128xf32, #tpu.memory_space<vmem_shared>>)
      tpu.yield
    }) : () -> ()
    %add3A_10 = arith.constant 256 : i32
    %add3A_11 = arith.addi %mul3A_6, %add3A_10 : i32
    "tpu.region"() ({
      %run_scoped3A_152 = tpu.sem_alloc : memref<!tpu.dma_semaphore, #tpu.memory_space<semaphore_mem>>
      %dma_start3A_153 = arith.constant 0 : i32
      %dma_start3A_154 = tpu.memref_slice %arg11[%add3A_11, %dma_start3A_153] : memref<10240x128xf32, #tpu.memory_space<vmem_shared>> -> memref<128x128xf32, #tpu.memory_space<vmem_shared>>
      %dma_start3A_155 = arith.constant 0 : i32
      %dma_start3A_156 = tpu.memref_slice %arg11[%add3A_11, %dma_start3A_155] : memref<10240x128xf32, #tpu.memory_space<vmem_shared>> -> memref<128x128xf32, #tpu.memory_space<vmem_shared>>
      tpu.enqueue_dma source(%arg9 : memref<128x128xf32, #tpu.memory_space<vmem>>) target(%dma_start3A_156 : memref<128x128xf32, #tpu.memory_space<vmem_shared>>) target_semaphore(%run_scoped3A_152 : memref<!tpu.dma_semaphore, #tpu.memory_space<semaphore_mem>>)
      %dma_wait3A_157 = arith.constant 0 : i32
      %dma_wait3A_158 = tpu.memref_slice %arg11[%add3A_11, %dma_wait3A_157] : memref<10240x128xf32, #tpu.memory_space<vmem_shared>> -> memref<128x128xf32, #tpu.memory_space<vmem_shared>>
      %dma_wait3A_159 = arith.constant 0 : i32
      %dma_wait3A_160 = tpu.memref_slice %arg11[%add3A_11, %dma_wait3A_159] : memref<10240x128xf32, #tpu.memory_space<vmem_shared>> -> memref<128x128xf32, #tpu.memory_space<vmem_shared>>
      tpu.wait_dma2 semaphore(%run_scoped3A_152 : memref<!tpu.dma_semaphore, #tpu.memory_space<semaphore_mem>>) src(%arg9 : memref<128x128xf32, #tpu.memory_space<vmem>>) dst(%dma_wait3A_160 : memref<128x128xf32, #tpu.memory_space<vmem_shared>>)
      tpu.yield
    }) : () -> ()
    %add3A_12 = arith.constant 384 : i32
    %add3A_13 = arith.addi %mul3A_6, %add3A_12 : i32
    "tpu.region"() ({
      %run_scoped3A_152 = tpu.sem_alloc : memref<!tpu.dma_semaphore, #tpu.memory_space<semaphore_mem>>
      %dma_start3A_153 = arith.constant 0 : i32
      %dma_start3A_154 = tpu.memref_slice %arg11[%add3A_13, %dma_start3A_153] : memref<10240x128xf32, #tpu.memory_space<vmem_shared>> -> memref<128x128xf32, #tpu.memory_space<vmem_shared>>
      %dma_start3A_155 = arith.constant 0 : i32
      %dma_start3A_156 = tpu.memref_slice %arg11[%add3A_13, %dma_start3A_155] : memref<10240x128xf32, #tpu.memory_space<vmem_shared>> -> memref<128x128xf32, #tpu.memory_space<vmem_shared>>
      tpu.enqueue_dma source(%arg9 : memref<128x128xf32, #tpu.memory_space<vmem>>) target(%dma_start3A_156 : memref<128x128xf32, #tpu.memory_space<vmem_shared>>) target_semaphore(%run_scoped3A_152 : memref<!tpu.dma_semaphore, #tpu.memory_space<semaphore_mem>>)
      %dma_wait3A_157 = arith.constant 0 : i32
      %dma_wait3A_158 = tpu.memref_slice %arg11[%add3A_13, %dma_wait3A_157] : memref<10240x128xf32, #tpu.memory_space<vmem_shared>> -> memref<128x128xf32, #tpu.memory_space<vmem_shared>>
      %dma_wait3A_159 = arith.constant 0 : i32
      %dma_wait3A_160 = tpu.memref_slice %arg11[%add3A_13, %dma_wait3A_159] : memref<10240x128xf32, #tpu.memory_space<vmem_shared>> -> memref<128x128xf32, #tpu.memory_space<vmem_shared>>
      tpu.wait_dma2 semaphore(%run_scoped3A_152 : memref<!tpu.dma_semaphore, #tpu.memory_space<semaphore_mem>>) src(%arg9 : memref<128x128xf32, #tpu.memory_space<vmem>>) dst(%dma_wait3A_160 : memref<128x128xf32, #tpu.memory_space<vmem_shared>>)
      tpu.yield
    }) : () -> ()
    %add3A_14 = arith.constant 512 : i32
    %add3A_15 = arith.addi %mul3A_6, %add3A_14 : i32
    "tpu.region"() ({
      %run_scoped3A_152 = tpu.sem_alloc : memref<!tpu.dma_semaphore, #tpu.memory_space<semaphore_mem>>
      %dma_start3A_153 = arith.constant 0 : i32
      %dma_start3A_154 = tpu.memref_slice %arg11[%add3A_15, %dma_start3A_153] : memref<10240x128xf32, #tpu.memory_space<vmem_shared>> -> memref<128x128xf32, #tpu.memory_space<vmem_shared>>
      %dma_start3A_155 = arith.constant 0 : i32
      %dma_start3A_156 = tpu.memref_slice %arg11[%add3A_15, %dma_start3A_155] : memref<10240x128xf32, #tpu.memory_space<vmem_shared>> -> memref<128x128xf32, #tpu.memory_space<vmem_shared>>
      tpu.enqueue_dma source(%arg9 : memref<128x128xf32, #tpu.memory_space<vmem>>) target(%dma_start3A_156 : memref<128x128xf32, #tpu.memory_space<vmem_shared>>) target_semaphore(%run_scoped3A_152 : memref<!tpu.dma_semaphore, #tpu.memory_space<semaphore_mem>>)
      %dma_wait3A_157 = arith.constant 0 : i32
      %dma_wait3A_158 = tpu.memref_slice %arg11[%add3A_15, %dma_wait3A_157] : memref<10240x128xf32, #tpu.memory_space<vmem_shared>> -> memref<128x128xf32, #tpu.memory_space<vmem_shared>>
      %dma_wait3A_159 = arith.constant 0 : i32
      %dma_wait3A_160 = tpu.memref_slice %arg11[%add3A_15, %dma_wait3A_159] : memref<10240x128xf32, #tpu.memory_space<vmem_shared>> -> memref<128x128xf32, #tpu.memory_space<vmem_shared>>
      tpu.wait_dma2 semaphore(%run_scoped3A_152 : memref<!tpu.dma_semaphore, #tpu.memory_space<semaphore_mem>>) src(%arg9 : memref<128x128xf32, #tpu.memory_space<vmem>>) dst(%dma_wait3A_160 : memref<128x128xf32, #tpu.memory_space<vmem_shared>>)
      tpu.yield
    }) : () -> ()
    %eq3A = arith.constant 0 : i32
    %eq3A_16 = arith.cmpi eq, %arg0, %eq3A : i32
    %convert_element_type3A = arith.extui %eq3A_16 : i1 to i32
    %cond3A = arith.constant 0 : i32
    %cond3A_17 = arith.cmpi ne, %convert_element_type3A, %cond3A : i32
    scf.if %cond3A_17 {
      %mul3A_152 = arith.constant 15872 : i32
      %mul3A_153 = arith.muli %arg1, %mul3A_152 : i32
      "tpu.region"() ({
        %run_scoped3A_154 = tpu.sem_alloc : memref<!tpu.dma_semaphore, #tpu.memory_space<semaphore_mem>>
        %dma_start3A_155 = tpu.memref_slice %arg3[%mul3A_153] : memref<327680xi32, #tpu.memory_space<hbm>> -> memref<15872xi32, #tpu.memory_space<hbm>>
        %dma_start3A_156 = tpu.memref_slice %arg3[%mul3A_153] : memref<327680xi32, #tpu.memory_space<hbm>> -> memref<15872xi32, #tpu.memory_space<hbm>>
        tpu.enqueue_dma source(%dma_start3A_156 : memref<15872xi32, #tpu.memory_space<hbm>>) target(%arg6 : memref<15872xi32, #tpu.memory_space<vmem>>) target_semaphore(%run_scoped3A_154 : memref<!tpu.dma_semaphore, #tpu.memory_space<semaphore_mem>>)
        %dma_wait3A_157 = tpu.memref_slice %arg3[%mul3A_153] : memref<327680xi32, #tpu.memory_space<hbm>> -> memref<15872xi32, #tpu.memory_space<hbm>>
        %dma_wait3A_158 = tpu.memref_slice %arg3[%mul3A_153] : memref<327680xi32, #tpu.memory_space<hbm>> -> memref<15872xi32, #tpu.memory_space<hbm>>
        tpu.wait_dma2 semaphore(%run_scoped3A_154 : memref<!tpu.dma_semaphore, #tpu.memory_space<semaphore_mem>>) src(%dma_wait3A_158 : memref<15872xi32, #tpu.memory_space<hbm>>) dst(%arg6 : memref<15872xi32, #tpu.memory_space<vmem>>)
        tpu.yield
      }) : () -> ()
    } else {
    }
    %eq3A_18 = arith.constant 1 : i32
    %eq3A_19 = arith.cmpi eq, %arg0, %eq3A_18 : i32
    %convert_element_type3A_20 = arith.extui %eq3A_19 : i1 to i32
    %cond3A_21 = arith.constant 0 : i32
    %cond3A_22 = arith.cmpi ne, %convert_element_type3A_20, %cond3A_21 : i32
    scf.if %cond3A_22 {
      %mul3A_152 = arith.constant 4608 : i32
      %mul3A_153 = arith.muli %arg1, %mul3A_152 : i32
      %add3A_154 = arith.constant 253952 : i32
      %add3A_155 = arith.addi %add3A_154, %mul3A_153 : i32
      "tpu.region"() ({
        %run_scoped3A_156 = tpu.sem_alloc : memref<!tpu.dma_semaphore, #tpu.memory_space<semaphore_mem>>
        %dma_start3A_157 = arith.constant 0 : i32
        %dma_start3A_158 = tpu.memref_slice %arg6[%dma_start3A_157] : memref<15872xi32, #tpu.memory_space<vmem>> -> memref<4608xi32, #tpu.memory_space<vmem>>
        %dma_start3A_159 = tpu.memref_slice %arg3[%add3A_155] : memref<327680xi32, #tpu.memory_space<hbm>> -> memref<4608xi32, #tpu.memory_space<hbm>>
        %dma_start3A_160 = arith.constant 0 : i32
        %dma_start3A_161 = tpu.memref_slice %arg6[%dma_start3A_160] : memref<15872xi32, #tpu.memory_space<vmem>> -> memref<4608xi32, #tpu.memory_space<vmem>>
        %dma_start3A_162 = tpu.memref_slice %arg3[%add3A_155] : memref<327680xi32, #tpu.memory_space<hbm>> -> memref<4608xi32, #tpu.memory_space<hbm>>
        tpu.enqueue_dma source(%dma_start3A_162 : memref<4608xi32, #tpu.memory_space<hbm>>) target(%dma_start3A_161 : memref<4608xi32, #tpu.memory_space<vmem>>) target_semaphore(%run_scoped3A_156 : memref<!tpu.dma_semaphore, #tpu.memory_space<semaphore_mem>>)
        %dma_wait3A_163 = arith.constant 0 : i32
        %dma_wait3A_164 = tpu.memref_slice %arg6[%dma_wait3A_163] : memref<15872xi32, #tpu.memory_space<vmem>> -> memref<4608xi32, #tpu.memory_space<vmem>>
        %dma_wait3A_165 = tpu.memref_slice %arg3[%add3A_155] : memref<327680xi32, #tpu.memory_space<hbm>> -> memref<4608xi32, #tpu.memory_space<hbm>>
        %dma_wait3A_166 = arith.constant 0 : i32
        %dma_wait3A_167 = tpu.memref_slice %arg6[%dma_wait3A_166] : memref<15872xi32, #tpu.memory_space<vmem>> -> memref<4608xi32, #tpu.memory_space<vmem>>
        %dma_wait3A_168 = tpu.memref_slice %arg3[%add3A_155] : memref<327680xi32, #tpu.memory_space<hbm>> -> memref<4608xi32, #tpu.memory_space<hbm>>
        tpu.wait_dma2 semaphore(%run_scoped3A_156 : memref<!tpu.dma_semaphore, #tpu.memory_space<semaphore_mem>>) src(%dma_wait3A_168 : memref<4608xi32, #tpu.memory_space<hbm>>) dst(%dma_wait3A_167 : memref<4608xi32, #tpu.memory_space<vmem>>)
        tpu.yield
      }) : () -> ()
    } else {
    }
    %barrier3A = arith.constant 0 : index
    tpu.barrier barrier_id(%barrier3A)
    %eq3A_23 = arith.constant 0 : i32
    %eq3A_24 = arith.cmpi eq, %arg0, %eq3A_23 : i32
    %jit3A = arith.constant 124 : i32
    %jit3A_25 = arith.constant 36 : i32
    %select_n3A = arith.select %eq3A_24, %jit3A, %jit3A_25 : i32
    %eq3A_26 = arith.constant 0 : i32
    %eq3A_27 = arith.cmpi eq, %arg0, %eq3A_26 : i32
    %mul3A_28 = arith.constant 124 : i32
    %mul3A_29 = arith.muli %arg1, %mul3A_28 : i32
    %mul3A_30 = arith.constant 36 : i32
    %mul3A_31 = arith.muli %arg1, %mul3A_30 : i32
    %add3A_32 = arith.constant 1984 : i32
    %add3A_33 = arith.addi %add3A_32, %mul3A_31 : i32
    %select_n3A_34 = arith.select %eq3A_27, %mul3A_29, %add3A_33 : i32
    %add3A_35 = arith.constant 0 : i32
    %add3A_36 = arith.addi %select_n3A_34, %add3A_35 : i32
    %dma_start3A = arith.constant 0 : i32
    %dma_start3A_37 = arith.constant 0 : i32
    %dma_start3A_38 = tpu.memref_slice %arg7[%dma_start3A, %dma_start3A_37] : memref<1x128xi32, #tpu.memory_space<vmem>> -> memref<1x128xi32, #tpu.memory_space<vmem>>
    %dma_start3A_39 = tpu.memref_squeeze %dma_start3A_38 : memref<1x128xi32, #tpu.memory_space<vmem>> -> memref<128xi32, #tpu.memory_space<vmem>>
    %dma_start3A_40 = arith.constant 0 : i32
    %dma_start3A_41 = tpu.memref_slice %arg4[%add3A_36, %dma_start3A_40] : memref<2560x128xi32, #tpu.memory_space<hbm>> -> memref<1x128xi32, #tpu.memory_space<hbm>>
    %dma_start3A_42 = tpu.memref_squeeze %dma_start3A_41 : memref<1x128xi32, #tpu.memory_space<hbm>> -> memref<128xi32, #tpu.memory_space<hbm>>
    %dma_start3A_43 = arith.constant 0 : i32
    %dma_start3A_44 = tpu.memref_slice %arg7[%dma_start3A, %dma_start3A_43] : memref<1x128xi32, #tpu.memory_space<vmem>> -> memref<1x128xi32, #tpu.memory_space<vmem>>
    %dma_start3A_45 = tpu.memref_squeeze %dma_start3A_44 : memref<1x128xi32, #tpu.memory_space<vmem>> -> memref<128xi32, #tpu.memory_space<vmem>>
    %dma_start3A_46 = arith.constant 0 : i32
    %dma_start3A_47 = tpu.memref_slice %arg4[%add3A_36, %dma_start3A_46] : memref<2560x128xi32, #tpu.memory_space<hbm>> -> memref<1x128xi32, #tpu.memory_space<hbm>>
    %dma_start3A_48 = tpu.memref_squeeze %dma_start3A_47 : memref<1x128xi32, #tpu.memory_space<hbm>> -> memref<128xi32, #tpu.memory_space<hbm>>
    tpu.enqueue_dma source(%dma_start3A_48 : memref<128xi32, #tpu.memory_space<hbm>>) target(%dma_start3A_45 : memref<128xi32, #tpu.memory_space<vmem>>) target_semaphore(%arg14 : memref<!tpu.dma_semaphore, #tpu.memory_space<semaphore_mem>>)
    %dma_start3A_49 = arith.constant 0 : i32
    %dma_start3A_50 = tpu.memref_slice %arg6[%dma_start3A_49] : memref<15872xi32, #tpu.memory_space<vmem>> -> memref<128xi32, #tpu.memory_space<vmem>>
    %dma_start3A_51 = arith.constant 0 : i32
    %dma_start3A_52 = arith.constant 0 : i32
    %dma_start3A_53 = tpu.memref_slice %arg2[%dma_start3A_51, %dma_start3A_52] : memref<10000x128xf32, #tpu.memory_space<hbm>> -> memref<10000x128xf32, #tpu.memory_space<hbm>>
    tpu.enqueue_indirect_dma source(%dma_start3A_53 : memref<10000x128xf32, #tpu.memory_space<hbm>>) target(%arg9 : memref<128x128xf32, #tpu.memory_space<vmem>>) offsets(%dma_start3A_50 : memref<128xi32, #tpu.memory_space<vmem>>) semaphore(%arg12 : memref<!tpu.dma_semaphore, #tpu.memory_space<semaphore_mem>>)
    %add3A_54 = arith.constant 1 : i32
    %add3A_55 = arith.addi %select_n3A_34, %add3A_54 : i32
    %dma_start3A_56 = arith.constant 0 : i32
    %dma_start3A_57 = arith.constant 0 : i32
    %dma_start3A_58 = tpu.memref_slice %arg8[%dma_start3A_56, %dma_start3A_57] : memref<1x128xi32, #tpu.memory_space<vmem>> -> memref<1x128xi32, #tpu.memory_space<vmem>>
    %dma_start3A_59 = tpu.memref_squeeze %dma_start3A_58 : memref<1x128xi32, #tpu.memory_space<vmem>> -> memref<128xi32, #tpu.memory_space<vmem>>
    %dma_start3A_60 = arith.constant 0 : i32
    %dma_start3A_61 = tpu.memref_slice %arg4[%add3A_55, %dma_start3A_60] : memref<2560x128xi32, #tpu.memory_space<hbm>> -> memref<1x128xi32, #tpu.memory_space<hbm>>
    %dma_start3A_62 = tpu.memref_squeeze %dma_start3A_61 : memref<1x128xi32, #tpu.memory_space<hbm>> -> memref<128xi32, #tpu.memory_space<hbm>>
    %dma_start3A_63 = arith.constant 0 : i32
    %dma_start3A_64 = tpu.memref_slice %arg8[%dma_start3A_56, %dma_start3A_63] : memref<1x128xi32, #tpu.memory_space<vmem>> -> memref<1x128xi32, #tpu.memory_space<vmem>>
    %dma_start3A_65 = tpu.memref_squeeze %dma_start3A_64 : memref<1x128xi32, #tpu.memory_space<vmem>> -> memref<128xi32, #tpu.memory_space<vmem>>
    %dma_start3A_66 = arith.constant 0 : i32
    %dma_start3A_67 = tpu.memref_slice %arg4[%add3A_55, %dma_start3A_66] : memref<2560x128xi32, #tpu.memory_space<hbm>> -> memref<1x128xi32, #tpu.memory_space<hbm>>
    %dma_start3A_68 = tpu.memref_squeeze %dma_start3A_67 : memref<1x128xi32, #tpu.memory_space<hbm>> -> memref<128xi32, #tpu.memory_space<hbm>>
    tpu.enqueue_dma source(%dma_start3A_68 : memref<128xi32, #tpu.memory_space<hbm>>) target(%dma_start3A_65 : memref<128xi32, #tpu.memory_space<vmem>>) target_semaphore(%arg15 : memref<!tpu.dma_semaphore, #tpu.memory_space<semaphore_mem>>)
    %dma_start3A_69 = arith.constant 128 : i32
    %dma_start3A_70 = tpu.memref_slice %arg6[%dma_start3A_69] : memref<15872xi32, #tpu.memory_space<vmem>> -> memref<128xi32, #tpu.memory_space<vmem>>
    %dma_start3A_71 = arith.constant 0 : i32
    %dma_start3A_72 = arith.constant 0 : i32
    %dma_start3A_73 = tpu.memref_slice %arg2[%dma_start3A_71, %dma_start3A_72] : memref<10000x128xf32, #tpu.memory_space<hbm>> -> memref<10000x128xf32, #tpu.memory_space<hbm>>
    tpu.enqueue_indirect_dma source(%dma_start3A_73 : memref<10000x128xf32, #tpu.memory_space<hbm>>) target(%arg10 : memref<128x128xf32, #tpu.memory_space<vmem>>) offsets(%dma_start3A_70 : memref<128xi32, #tpu.memory_space<vmem>>) semaphore(%arg13 : memref<!tpu.dma_semaphore, #tpu.memory_space<semaphore_mem>>)
    %jit3A_74 = arith.constant 2 : i32
    %div3A = arith.divsi %select_n3A, %jit3A_74 : i32
    %sign3A = arith.constant 0 : i32
    %sign3A_75 = arith.cmpi sgt, %select_n3A, %sign3A : i32
    %sign3A_76 = arith.extui %sign3A_75 : i1 to i32
    %sign3A_77 = arith.constant 0 : i32
    %sign3A_78 = arith.cmpi slt, %select_n3A, %sign3A_77 : i32
    %sign3A_79 = arith.extui %sign3A_78 : i1 to i32
    %sign3A_80 = arith.subi %sign3A_76, %sign3A_79 : i32
    %sign3A_81 = arith.constant 0 : i32
    %sign3A_82 = arith.cmpi sgt, %jit3A_74, %sign3A_81 : i32
    %sign3A_83 = arith.extui %sign3A_82 : i1 to i32
    %sign3A_84 = arith.constant 0 : i32
    %sign3A_85 = arith.cmpi slt, %jit3A_74, %sign3A_84 : i32
    %sign3A_86 = arith.extui %sign3A_85 : i1 to i32
    %sign3A_87 = arith.subi %sign3A_83, %sign3A_86 : i32
    %ne3A = arith.cmpi ne, %sign3A_80, %sign3A_87 : i32
    %rem3A = arith.remsi %select_n3A, %jit3A_74 : i32
    %ne3A_88 = arith.constant 0 : i32
    %ne3A_89 = arith.cmpi ne, %rem3A, %ne3A_88 : i32
    %and3A = arith.andi %ne3A, %ne3A_89 : i1
    %sub3A = arith.constant 1 : i32
    %sub3A_90 = arith.subi %div3A, %sub3A : i32
    %select_n3A_91 = arith.select %and3A, %sub3A_90, %div3A : i32
    %sub3A_92 = arith.constant 1 : i32
    %sub3A_93 = arith.subi %select_n3A_91, %sub3A_92 : i32
    %while3A = arith.constant 0 : i32
    %while3A_94 = arith.constant 0 : i32
    %while3A_95 = arith.subi %sub3A_93, %while3A_94 : i32
    %while3A_96 = arith.addi %while3A_94, %while3A_95 : i32
    %while3A_97 = arith.constant 1 : i32
    %while3A_98 = arith.divsi %while3A_95, %while3A_97 : i32
    %while3A_99 = arith.muli %while3A_98, %while3A_97 : i32
    %while3A_100 = arith.addi %while3A_94, %while3A_99 : i32
    %while3A_101 = arith.constant 1 : i32
    scf.for %while3A_152 = %while3A_94 to %while3A_100 step %while3A_101  : i32 {
      %mul3A_153 = arith.constant 2 : i32
      %mul3A_154 = arith.muli %mul3A_153, %while3A_152 : i32
      %add3A_155 = arith.constant 0 : i32
      %add3A_156 = arith.addi %mul3A_154, %add3A_155 : i32
      %mul3A_157 = arith.constant 128 : i32
      %mul3A_158 = arith.muli %add3A_156, %mul3A_157 : i32
      %dma_wait3A_159 = tpu.memref_slice %arg6[%mul3A_158] : memref<15872xi32, #tpu.memory_space<vmem>> -> memref<128xi32, #tpu.memory_space<vmem>>
      %dma_wait3A_160 = arith.constant 0 : i32
      %dma_wait3A_161 = arith.constant 0 : i32
      %dma_wait3A_162 = tpu.memref_slice %arg2[%dma_wait3A_160, %dma_wait3A_161] : memref<10000x128xf32, #tpu.memory_space<hbm>> -> memref<10000x128xf32, #tpu.memory_space<hbm>>
      tpu.wait_indirect_dma semaphore(%arg12 : memref<!tpu.dma_semaphore, #tpu.memory_space<semaphore_mem>>) src(%dma_wait3A_162 : memref<10000x128xf32, #tpu.memory_space<hbm>>) dst(%arg9 : memref<128x128xf32, #tpu.memory_space<vmem>>)
      %add3A_163 = arith.addi %select_n3A_34, %add3A_156 : i32
      %dma_wait3A_164 = arith.constant 0 : i32
      %dma_wait3A_165 = arith.constant 0 : i32
      %dma_wait3A_166 = tpu.memref_slice %arg7[%dma_wait3A_164, %dma_wait3A_165] : memref<1x128xi32, #tpu.memory_space<vmem>> -> memref<1x128xi32, #tpu.memory_space<vmem>>
      %dma_wait3A_167 = tpu.memref_squeeze %dma_wait3A_166 : memref<1x128xi32, #tpu.memory_space<vmem>> -> memref<128xi32, #tpu.memory_space<vmem>>
      %dma_wait3A_168 = arith.constant 0 : i32
      %dma_wait3A_169 = tpu.memref_slice %arg4[%add3A_163, %dma_wait3A_168] : memref<2560x128xi32, #tpu.memory_space<hbm>> -> memref<1x128xi32, #tpu.memory_space<hbm>>
      %dma_wait3A_170 = tpu.memref_squeeze %dma_wait3A_169 : memref<1x128xi32, #tpu.memory_space<hbm>> -> memref<128xi32, #tpu.memory_space<hbm>>
      %dma_wait3A_171 = arith.constant 0 : i32
      %dma_wait3A_172 = tpu.memref_slice %arg7[%dma_wait3A_164, %dma_wait3A_171] : memref<1x128xi32, #tpu.memory_space<vmem>> -> memref<1x128xi32, #tpu.memory_space<vmem>>
      %dma_wait3A_173 = tpu.memref_squeeze %dma_wait3A_172 : memref<1x128xi32, #tpu.memory_space<vmem>> -> memref<128xi32, #tpu.memory_space<vmem>>
      %dma_wait3A_174 = arith.constant 0 : i32
      %dma_wait3A_175 = tpu.memref_slice %arg4[%add3A_163, %dma_wait3A_174] : memref<2560x128xi32, #tpu.memory_space<hbm>> -> memref<1x128xi32, #tpu.memory_space<hbm>>
      %dma_wait3A_176 = tpu.memref_squeeze %dma_wait3A_175 : memref<1x128xi32, #tpu.memory_space<hbm>> -> memref<128xi32, #tpu.memory_space<hbm>>
      tpu.wait_dma2 semaphore(%arg14 : memref<!tpu.dma_semaphore, #tpu.memory_space<semaphore_mem>>) src(%dma_wait3A_176 : memref<128xi32, #tpu.memory_space<hbm>>) dst(%dma_wait3A_173 : memref<128xi32, #tpu.memory_space<vmem>>)
      %run_scoped3A_177 = arith.constant 0 : i32
      "tpu.region"() ({
        %run_scoped3A_249 = tpu.sem_alloc : memref<!tpu.dma_semaphore, #tpu.memory_space<semaphore_mem>>
        %dma_start3A_250 = arith.constant 0 : i32
        %dma_start3A_251 = tpu.memref_slice %arg7[%run_scoped3A_177, %dma_start3A_250] : memref<1x128xi32, #tpu.memory_space<vmem>> -> memref<1x128xi32, #tpu.memory_space<vmem>>
        %dma_start3A_252 = tpu.memref_squeeze %dma_start3A_251 : memref<1x128xi32, #tpu.memory_space<vmem>> -> memref<128xi32, #tpu.memory_space<vmem>>
        %dma_start3A_253 = arith.constant 0 : i32
        %dma_start3A_254 = arith.constant 0 : i32
        %dma_start3A_255 = tpu.memref_slice %arg11[%dma_start3A_253, %dma_start3A_254] : memref<10240x128xf32, #tpu.memory_space<vmem_shared>> -> memref<10240x128xf32, #tpu.memory_space<vmem_shared>>
        tpu.enqueue_indirect_dma source(%arg9 : memref<128x128xf32, #tpu.memory_space<vmem>>) target(%dma_start3A_255 : memref<10240x128xf32, #tpu.memory_space<vmem_shared>>) offsets(%dma_start3A_252 : memref<128xi32, #tpu.memory_space<vmem>>) semaphore(%run_scoped3A_249 : memref<!tpu.dma_semaphore, #tpu.memory_space<semaphore_mem>>) {add = true}
        %dma_wait3A_256 = arith.constant 0 : i32
        %dma_wait3A_257 = tpu.memref_slice %arg7[%run_scoped3A_177, %dma_wait3A_256] : memref<1x128xi32, #tpu.memory_space<vmem>> -> memref<1x128xi32, #tpu.memory_space<vmem>>
        %dma_wait3A_258 = tpu.memref_squeeze %dma_wait3A_257 : memref<1x128xi32, #tpu.memory_space<vmem>> -> memref<128xi32, #tpu.memory_space<vmem>>
        %dma_wait3A_259 = arith.constant 0 : i32
        %dma_wait3A_260 = arith.constant 0 : i32
        %dma_wait3A_261 = tpu.memref_slice %arg11[%dma_wait3A_259, %dma_wait3A_260] : memref<10240x128xf32, #tpu.memory_space<vmem_shared>> -> memref<10240x128xf32, #tpu.memory_space<vmem_shared>>
        tpu.wait_indirect_dma semaphore(%run_scoped3A_249 : memref<!tpu.dma_semaphore, #tpu.memory_space<semaphore_mem>>) src(%arg9 : memref<128x128xf32, #tpu.memory_space<vmem>>) dst(%dma_wait3A_261 : memref<10240x128xf32, #tpu.memory_space<vmem_shared>>)
        tpu.yield
      }) : () -> ()
      %add3A_178 = arith.constant 2 : i32
      %add3A_179 = arith.addi %add3A_156, %add3A_178 : i32
      %add3A_180 = arith.addi %select_n3A_34, %add3A_179 : i32
      %dma_start3A_181 = arith.constant 0 : i32
      %dma_start3A_182 = arith.constant 0 : i32
      %dma_start3A_183 = tpu.memref_slice %arg7[%dma_start3A_181, %dma_start3A_182] : memref<1x128xi32, #tpu.memory_space<vmem>> -> memref<1x128xi32, #tpu.memory_space<vmem>>
      %dma_start3A_184 = tpu.memref_squeeze %dma_start3A_183 : memref<1x128xi32, #tpu.memory_space<vmem>> -> memref<128xi32, #tpu.memory_space<vmem>>
      %dma_start3A_185 = arith.constant 0 : i32
      %dma_start3A_186 = tpu.memref_slice %arg4[%add3A_180, %dma_start3A_185] : memref<2560x128xi32, #tpu.memory_space<hbm>> -> memref<1x128xi32, #tpu.memory_space<hbm>>
      %dma_start3A_187 = tpu.memref_squeeze %dma_start3A_186 : memref<1x128xi32, #tpu.memory_space<hbm>> -> memref<128xi32, #tpu.memory_space<hbm>>
      %dma_start3A_188 = arith.constant 0 : i32
      %dma_start3A_189 = tpu.memref_slice %arg7[%dma_start3A_181, %dma_start3A_188] : memref<1x128xi32, #tpu.memory_space<vmem>> -> memref<1x128xi32, #tpu.memory_space<vmem>>
      %dma_start3A_190 = tpu.memref_squeeze %dma_start3A_189 : memref<1x128xi32, #tpu.memory_space<vmem>> -> memref<128xi32, #tpu.memory_space<vmem>>
      %dma_start3A_191 = arith.constant 0 : i32
      %dma_start3A_192 = tpu.memref_slice %arg4[%add3A_180, %dma_start3A_191] : memref<2560x128xi32, #tpu.memory_space<hbm>> -> memref<1x128xi32, #tpu.memory_space<hbm>>
      %dma_start3A_193 = tpu.memref_squeeze %dma_start3A_192 : memref<1x128xi32, #tpu.memory_space<hbm>> -> memref<128xi32, #tpu.memory_space<hbm>>
      tpu.enqueue_dma source(%dma_start3A_193 : memref<128xi32, #tpu.memory_space<hbm>>) target(%dma_start3A_190 : memref<128xi32, #tpu.memory_space<vmem>>) target_semaphore(%arg14 : memref<!tpu.dma_semaphore, #tpu.memory_space<semaphore_mem>>)
      %add3A_194 = arith.constant 2 : i32
      %add3A_195 = arith.addi %add3A_156, %add3A_194 : i32
      %mul3A_196 = arith.constant 128 : i32
      %mul3A_197 = arith.muli %add3A_195, %mul3A_196 : i32
      %dma_start3A_198 = tpu.memref_slice %arg6[%mul3A_197] : memref<15872xi32, #tpu.memory_space<vmem>> -> memref<128xi32, #tpu.memory_space<vmem>>
      %dma_start3A_199 = arith.constant 0 : i32
      %dma_start3A_200 = arith.constant 0 : i32
      %dma_start3A_201 = tpu.memref_slice %arg2[%dma_start3A_199, %dma_start3A_200] : memref<10000x128xf32, #tpu.memory_space<hbm>> -> memref<10000x128xf32, #tpu.memory_space<hbm>>
      tpu.enqueue_indirect_dma source(%dma_start3A_201 : memref<10000x128xf32, #tpu.memory_space<hbm>>) target(%arg9 : memref<128x128xf32, #tpu.memory_space<vmem>>) offsets(%dma_start3A_198 : memref<128xi32, #tpu.memory_space<vmem>>) semaphore(%arg12 : memref<!tpu.dma_semaphore, #tpu.memory_space<semaphore_mem>>)
      %add3A_202 = arith.constant 1 : i32
      %add3A_203 = arith.addi %mul3A_154, %add3A_202 : i32
      %mul3A_204 = arith.constant 128 : i32
      %mul3A_205 = arith.muli %add3A_203, %mul3A_204 : i32
      %dma_wait3A_206 = tpu.memref_slice %arg6[%mul3A_205] : memref<15872xi32, #tpu.memory_space<vmem>> -> memref<128xi32, #tpu.memory_space<vmem>>
      %dma_wait3A_207 = arith.constant 0 : i32
      %dma_wait3A_208 = arith.constant 0 : i32
      %dma_wait3A_209 = tpu.memref_slice %arg2[%dma_wait3A_207, %dma_wait3A_208] : memref<10000x128xf32, #tpu.memory_space<hbm>> -> memref<10000x128xf32, #tpu.memory_space<hbm>>
      tpu.wait_indirect_dma semaphore(%arg13 : memref<!tpu.dma_semaphore, #tpu.memory_space<semaphore_mem>>) src(%dma_wait3A_209 : memref<10000x128xf32, #tpu.memory_space<hbm>>) dst(%arg10 : memref<128x128xf32, #tpu.memory_space<vmem>>)
      %add3A_210 = arith.addi %select_n3A_34, %add3A_203 : i32
      %dma_wait3A_211 = arith.constant 0 : i32
      %dma_wait3A_212 = arith.constant 0 : i32
      %dma_wait3A_213 = tpu.memref_slice %arg8[%dma_wait3A_211, %dma_wait3A_212] : memref<1x128xi32, #tpu.memory_space<vmem>> -> memref<1x128xi32, #tpu.memory_space<vmem>>
      %dma_wait3A_214 = tpu.memref_squeeze %dma_wait3A_213 : memref<1x128xi32, #tpu.memory_space<vmem>> -> memref<128xi32, #tpu.memory_space<vmem>>
      %dma_wait3A_215 = arith.constant 0 : i32
      %dma_wait3A_216 = tpu.memref_slice %arg4[%add3A_210, %dma_wait3A_215] : memref<2560x128xi32, #tpu.memory_space<hbm>> -> memref<1x128xi32, #tpu.memory_space<hbm>>
      %dma_wait3A_217 = tpu.memref_squeeze %dma_wait3A_216 : memref<1x128xi32, #tpu.memory_space<hbm>> -> memref<128xi32, #tpu.memory_space<hbm>>
      %dma_wait3A_218 = arith.constant 0 : i32
      %dma_wait3A_219 = tpu.memref_slice %arg8[%dma_wait3A_211, %dma_wait3A_218] : memref<1x128xi32, #tpu.memory_space<vmem>> -> memref<1x128xi32, #tpu.memory_space<vmem>>
      %dma_wait3A_220 = tpu.memref_squeeze %dma_wait3A_219 : memref<1x128xi32, #tpu.memory_space<vmem>> -> memref<128xi32, #tpu.memory_space<vmem>>
      %dma_wait3A_221 = arith.constant 0 : i32
      %dma_wait3A_222 = tpu.memref_slice %arg4[%add3A_210, %dma_wait3A_221] : memref<2560x128xi32, #tpu.memory_space<hbm>> -> memref<1x128xi32, #tpu.memory_space<hbm>>
      %dma_wait3A_223 = tpu.memref_squeeze %dma_wait3A_222 : memref<1x128xi32, #tpu.memory_space<hbm>> -> memref<128xi32, #tpu.memory_space<hbm>>
      tpu.wait_dma2 semaphore(%arg15 : memref<!tpu.dma_semaphore, #tpu.memory_space<semaphore_mem>>) src(%dma_wait3A_223 : memref<128xi32, #tpu.memory_space<hbm>>) dst(%dma_wait3A_220 : memref<128xi32, #tpu.memory_space<vmem>>)
      %run_scoped3A_224 = arith.constant 0 : i32
      "tpu.region"() ({
        %run_scoped3A_249 = tpu.sem_alloc : memref<!tpu.dma_semaphore, #tpu.memory_space<semaphore_mem>>
        %dma_start3A_250 = arith.constant 0 : i32
        %dma_start3A_251 = tpu.memref_slice %arg8[%run_scoped3A_224, %dma_start3A_250] : memref<1x128xi32, #tpu.memory_space<vmem>> -> memref<1x128xi32, #tpu.memory_space<vmem>>
        %dma_start3A_252 = tpu.memref_squeeze %dma_start3A_251 : memref<1x128xi32, #tpu.memory_space<vmem>> -> memref<128xi32, #tpu.memory_space<vmem>>
        %dma_start3A_253 = arith.constant 0 : i32
        %dma_start3A_254 = arith.constant 0 : i32
        %dma_start3A_255 = tpu.memref_slice %arg11[%dma_start3A_253, %dma_start3A_254] : memref<10240x128xf32, #tpu.memory_space<vmem_shared>> -> memref<10240x128xf32, #tpu.memory_space<vmem_shared>>
        tpu.enqueue_indirect_dma source(%arg10 : memref<128x128xf32, #tpu.memory_space<vmem>>) target(%dma_start3A_255 : memref<10240x128xf32, #tpu.memory_space<vmem_shared>>) offsets(%dma_start3A_252 : memref<128xi32, #tpu.memory_space<vmem>>) semaphore(%run_scoped3A_249 : memref<!tpu.dma_semaphore, #tpu.memory_space<semaphore_mem>>) {add = true}
        %dma_wait3A_256 = arith.constant 0 : i32
        %dma_wait3A_257 = tpu.memref_slice %arg8[%run_scoped3A_224, %dma_wait3A_256] : memref<1x128xi32, #tpu.memory_space<vmem>> -> memref<1x128xi32, #tpu.memory_space<vmem>>
        %dma_wait3A_258 = tpu.memref_squeeze %dma_wait3A_257 : memref<1x128xi32, #tpu.memory_space<vmem>> -> memref<128xi32, #tpu.memory_space<vmem>>
        %dma_wait3A_259 = arith.constant 0 : i32
        %dma_wait3A_260 = arith.constant 0 : i32
        %dma_wait3A_261 = tpu.memref_slice %arg11[%dma_wait3A_259, %dma_wait3A_260] : memref<10240x128xf32, #tpu.memory_space<vmem_shared>> -> memref<10240x128xf32, #tpu.memory_space<vmem_shared>>
        tpu.wait_indirect_dma semaphore(%run_scoped3A_249 : memref<!tpu.dma_semaphore, #tpu.memory_space<semaphore_mem>>) src(%arg10 : memref<128x128xf32, #tpu.memory_space<vmem>>) dst(%dma_wait3A_261 : memref<10240x128xf32, #tpu.memory_space<vmem_shared>>)
        tpu.yield
      }) : () -> ()
      %add3A_225 = arith.constant 2 : i32
      %add3A_226 = arith.addi %add3A_203, %add3A_225 : i32
      %add3A_227 = arith.addi %select_n3A_34, %add3A_226 : i32
      %dma_start3A_228 = arith.constant 0 : i32
      %dma_start3A_229 = arith.constant 0 : i32
      %dma_start3A_230 = tpu.memref_slice %arg8[%dma_start3A_228, %dma_start3A_229] : memref<1x128xi32, #tpu.memory_space<vmem>> -> memref<1x128xi32, #tpu.memory_space<vmem>>
      %dma_start3A_231 = tpu.memref_squeeze %dma_start3A_230 : memref<1x128xi32, #tpu.memory_space<vmem>> -> memref<128xi32, #tpu.memory_space<vmem>>
      %dma_start3A_232 = arith.constant 0 : i32
      %dma_start3A_233 = tpu.memref_slice %arg4[%add3A_227, %dma_start3A_232] : memref<2560x128xi32, #tpu.memory_space<hbm>> -> memref<1x128xi32, #tpu.memory_space<hbm>>
      %dma_start3A_234 = tpu.memref_squeeze %dma_start3A_233 : memref<1x128xi32, #tpu.memory_space<hbm>> -> memref<128xi32, #tpu.memory_space<hbm>>
      %dma_start3A_235 = arith.constant 0 : i32
      %dma_start3A_236 = tpu.memref_slice %arg8[%dma_start3A_228, %dma_start3A_235] : memref<1x128xi32, #tpu.memory_space<vmem>> -> memref<1x128xi32, #tpu.memory_space<vmem>>
      %dma_start3A_237 = tpu.memref_squeeze %dma_start3A_236 : memref<1x128xi32, #tpu.memory_space<vmem>> -> memref<128xi32, #tpu.memory_space<vmem>>
      %dma_start3A_238 = arith.constant 0 : i32
      %dma_start3A_239 = tpu.memref_slice %arg4[%add3A_227, %dma_start3A_238] : memref<2560x128xi32, #tpu.memory_space<hbm>> -> memref<1x128xi32, #tpu.memory_space<hbm>>
      %dma_start3A_240 = tpu.memref_squeeze %dma_start3A_239 : memref<1x128xi32, #tpu.memory_space<hbm>> -> memref<128xi32, #tpu.memory_space<hbm>>
      tpu.enqueue_dma source(%dma_start3A_240 : memref<128xi32, #tpu.memory_space<hbm>>) target(%dma_start3A_237 : memref<128xi32, #tpu.memory_space<vmem>>) target_semaphore(%arg15 : memref<!tpu.dma_semaphore, #tpu.memory_space<semaphore_mem>>)
      %add3A_241 = arith.constant 2 : i32
      %add3A_242 = arith.addi %add3A_203, %add3A_241 : i32
      %mul3A_243 = arith.constant 128 : i32
      %mul3A_244 = arith.muli %add3A_242, %mul3A_243 : i32
      %dma_start3A_245 = tpu.memref_slice %arg6[%mul3A_244] : memref<15872xi32, #tpu.memory_space<vmem>> -> memref<128xi32, #tpu.memory_space<vmem>>
      %dma_start3A_246 = arith.constant 0 : i32
      %dma_start3A_247 = arith.constant 0 : i32
      %dma_start3A_248 = tpu.memref_slice %arg2[%dma_start3A_246, %dma_start3A_247] : memref<10000x128xf32, #tpu.memory_space<hbm>> -> memref<10000x128xf32, #tpu.memory_space<hbm>>
      tpu.enqueue_indirect_dma source(%dma_start3A_248 : memref<10000x128xf32, #tpu.memory_space<hbm>>) target(%arg10 : memref<128x128xf32, #tpu.memory_space<vmem>>) offsets(%dma_start3A_245 : memref<128xi32, #tpu.memory_space<vmem>>) semaphore(%arg13 : memref<!tpu.dma_semaphore, #tpu.memory_space<semaphore_mem>>)
    }
    %while3A_102 = arith.constant 1 : i32
    scf.for %while3A_152 = %while3A_100 to %while3A_96 step %while3A_102  : i32 {
      %mul3A_153 = arith.constant 2 : i32
      %mul3A_154 = arith.muli %mul3A_153, %while3A_152 : i32
      %add3A_155 = arith.constant 0 : i32
      %add3A_156 = arith.addi %mul3A_154, %add3A_155 : i32
      %mul3A_157 = arith.constant 128 : i32
      %mul3A_158 = arith.muli %add3A_156, %mul3A_157 : i32
      %dma_wait3A_159 = tpu.memref_slice %arg6[%mul3A_158] : memref<15872xi32, #tpu.memory_space<vmem>> -> memref<128xi32, #tpu.memory_space<vmem>>
      %dma_wait3A_160 = arith.constant 0 : i32
      %dma_wait3A_161 = arith.constant 0 : i32
      %dma_wait3A_162 = tpu.memref_slice %arg2[%dma_wait3A_160, %dma_wait3A_161] : memref<10000x128xf32, #tpu.memory_space<hbm>> -> memref<10000x128xf32, #tpu.memory_space<hbm>>
      tpu.wait_indirect_dma semaphore(%arg12 : memref<!tpu.dma_semaphore, #tpu.memory_space<semaphore_mem>>) src(%dma_wait3A_162 : memref<10000x128xf32, #tpu.memory_space<hbm>>) dst(%arg9 : memref<128x128xf32, #tpu.memory_space<vmem>>)
      %add3A_163 = arith.addi %select_n3A_34, %add3A_156 : i32
      %dma_wait3A_164 = arith.constant 0 : i32
      %dma_wait3A_165 = arith.constant 0 : i32
      %dma_wait3A_166 = tpu.memref_slice %arg7[%dma_wait3A_164, %dma_wait3A_165] : memref<1x128xi32, #tpu.memory_space<vmem>> -> memref<1x128xi32, #tpu.memory_space<vmem>>
      %dma_wait3A_167 = tpu.memref_squeeze %dma_wait3A_166 : memref<1x128xi32, #tpu.memory_space<vmem>> -> memref<128xi32, #tpu.memory_space<vmem>>
      %dma_wait3A_168 = arith.constant 0 : i32
      %dma_wait3A_169 = tpu.memref_slice %arg4[%add3A_163, %dma_wait3A_168] : memref<2560x128xi32, #tpu.memory_space<hbm>> -> memref<1x128xi32, #tpu.memory_space<hbm>>
      %dma_wait3A_170 = tpu.memref_squeeze %dma_wait3A_169 : memref<1x128xi32, #tpu.memory_space<hbm>> -> memref<128xi32, #tpu.memory_space<hbm>>
      %dma_wait3A_171 = arith.constant 0 : i32
      %dma_wait3A_172 = tpu.memref_slice %arg7[%dma_wait3A_164, %dma_wait3A_171] : memref<1x128xi32, #tpu.memory_space<vmem>> -> memref<1x128xi32, #tpu.memory_space<vmem>>
      %dma_wait3A_173 = tpu.memref_squeeze %dma_wait3A_172 : memref<1x128xi32, #tpu.memory_space<vmem>> -> memref<128xi32, #tpu.memory_space<vmem>>
      %dma_wait3A_174 = arith.constant 0 : i32
      %dma_wait3A_175 = tpu.memref_slice %arg4[%add3A_163, %dma_wait3A_174] : memref<2560x128xi32, #tpu.memory_space<hbm>> -> memref<1x128xi32, #tpu.memory_space<hbm>>
      %dma_wait3A_176 = tpu.memref_squeeze %dma_wait3A_175 : memref<1x128xi32, #tpu.memory_space<hbm>> -> memref<128xi32, #tpu.memory_space<hbm>>
      tpu.wait_dma2 semaphore(%arg14 : memref<!tpu.dma_semaphore, #tpu.memory_space<semaphore_mem>>) src(%dma_wait3A_176 : memref<128xi32, #tpu.memory_space<hbm>>) dst(%dma_wait3A_173 : memref<128xi32, #tpu.memory_space<vmem>>)
      %run_scoped3A_177 = arith.constant 0 : i32
      "tpu.region"() ({
        %run_scoped3A_249 = tpu.sem_alloc : memref<!tpu.dma_semaphore, #tpu.memory_space<semaphore_mem>>
        %dma_start3A_250 = arith.constant 0 : i32
        %dma_start3A_251 = tpu.memref_slice %arg7[%run_scoped3A_177, %dma_start3A_250] : memref<1x128xi32, #tpu.memory_space<vmem>> -> memref<1x128xi32, #tpu.memory_space<vmem>>
        %dma_start3A_252 = tpu.memref_squeeze %dma_start3A_251 : memref<1x128xi32, #tpu.memory_space<vmem>> -> memref<128xi32, #tpu.memory_space<vmem>>
        %dma_start3A_253 = arith.constant 0 : i32
        %dma_start3A_254 = arith.constant 0 : i32
        %dma_start3A_255 = tpu.memref_slice %arg11[%dma_start3A_253, %dma_start3A_254] : memref<10240x128xf32, #tpu.memory_space<vmem_shared>> -> memref<10240x128xf32, #tpu.memory_space<vmem_shared>>
        tpu.enqueue_indirect_dma source(%arg9 : memref<128x128xf32, #tpu.memory_space<vmem>>) target(%dma_start3A_255 : memref<10240x128xf32, #tpu.memory_space<vmem_shared>>) offsets(%dma_start3A_252 : memref<128xi32, #tpu.memory_space<vmem>>) semaphore(%run_scoped3A_249 : memref<!tpu.dma_semaphore, #tpu.memory_space<semaphore_mem>>) {add = true}
        %dma_wait3A_256 = arith.constant 0 : i32
        %dma_wait3A_257 = tpu.memref_slice %arg7[%run_scoped3A_177, %dma_wait3A_256] : memref<1x128xi32, #tpu.memory_space<vmem>> -> memref<1x128xi32, #tpu.memory_space<vmem>>
        %dma_wait3A_258 = tpu.memref_squeeze %dma_wait3A_257 : memref<1x128xi32, #tpu.memory_space<vmem>> -> memref<128xi32, #tpu.memory_space<vmem>>
        %dma_wait3A_259 = arith.constant 0 : i32
        %dma_wait3A_260 = arith.constant 0 : i32
        %dma_wait3A_261 = tpu.memref_slice %arg11[%dma_wait3A_259, %dma_wait3A_260] : memref<10240x128xf32, #tpu.memory_space<vmem_shared>> -> memref<10240x128xf32, #tpu.memory_space<vmem_shared>>
        tpu.wait_indirect_dma semaphore(%run_scoped3A_249 : memref<!tpu.dma_semaphore, #tpu.memory_space<semaphore_mem>>) src(%arg9 : memref<128x128xf32, #tpu.memory_space<vmem>>) dst(%dma_wait3A_261 : memref<10240x128xf32, #tpu.memory_space<vmem_shared>>)
        tpu.yield
      }) : () -> ()
      %add3A_178 = arith.constant 2 : i32
      %add3A_179 = arith.addi %add3A_156, %add3A_178 : i32
      %add3A_180 = arith.addi %select_n3A_34, %add3A_179 : i32
      %dma_start3A_181 = arith.constant 0 : i32
      %dma_start3A_182 = arith.constant 0 : i32
      %dma_start3A_183 = tpu.memref_slice %arg7[%dma_start3A_181, %dma_start3A_182] : memref<1x128xi32, #tpu.memory_space<vmem>> -> memref<1x128xi32, #tpu.memory_space<vmem>>
      %dma_start3A_184 = tpu.memref_squeeze %dma_start3A_183 : memref<1x128xi32, #tpu.memory_space<vmem>> -> memref<128xi32, #tpu.memory_space<vmem>>
      %dma_start3A_185 = arith.constant 0 : i32
      %dma_start3A_186 = tpu.memref_slice %arg4[%add3A_180, %dma_start3A_185] : memref<2560x128xi32, #tpu.memory_space<hbm>> -> memref<1x128xi32, #tpu.memory_space<hbm>>
      %dma_start3A_187 = tpu.memref_squeeze %dma_start3A_186 : memref<1x128xi32, #tpu.memory_space<hbm>> -> memref<128xi32, #tpu.memory_space<hbm>>
      %dma_start3A_188 = arith.constant 0 : i32
      %dma_start3A_189 = tpu.memref_slice %arg7[%dma_start3A_181, %dma_start3A_188] : memref<1x128xi32, #tpu.memory_space<vmem>> -> memref<1x128xi32, #tpu.memory_space<vmem>>
      %dma_start3A_190 = tpu.memref_squeeze %dma_start3A_189 : memref<1x128xi32, #tpu.memory_space<vmem>> -> memref<128xi32, #tpu.memory_space<vmem>>
      %dma_start3A_191 = arith.constant 0 : i32
      %dma_start3A_192 = tpu.memref_slice %arg4[%add3A_180, %dma_start3A_191] : memref<2560x128xi32, #tpu.memory_space<hbm>> -> memref<1x128xi32, #tpu.memory_space<hbm>>
      %dma_start3A_193 = tpu.memref_squeeze %dma_start3A_192 : memref<1x128xi32, #tpu.memory_space<hbm>> -> memref<128xi32, #tpu.memory_space<hbm>>
      tpu.enqueue_dma source(%dma_start3A_193 : memref<128xi32, #tpu.memory_space<hbm>>) target(%dma_start3A_190 : memref<128xi32, #tpu.memory_space<vmem>>) target_semaphore(%arg14 : memref<!tpu.dma_semaphore, #tpu.memory_space<semaphore_mem>>)
      %add3A_194 = arith.constant 2 : i32
      %add3A_195 = arith.addi %add3A_156, %add3A_194 : i32
      %mul3A_196 = arith.constant 128 : i32
      %mul3A_197 = arith.muli %add3A_195, %mul3A_196 : i32
      %dma_start3A_198 = tpu.memref_slice %arg6[%mul3A_197] : memref<15872xi32, #tpu.memory_space<vmem>> -> memref<128xi32, #tpu.memory_space<vmem>>
      %dma_start3A_199 = arith.constant 0 : i32
      %dma_start3A_200 = arith.constant 0 : i32
      %dma_start3A_201 = tpu.memref_slice %arg2[%dma_start3A_199, %dma_start3A_200] : memref<10000x128xf32, #tpu.memory_space<hbm>> -> memref<10000x128xf32, #tpu.memory_space<hbm>>
      tpu.enqueue_indirect_dma source(%dma_start3A_201 : memref<10000x128xf32, #tpu.memory_space<hbm>>) target(%arg9 : memref<128x128xf32, #tpu.memory_space<vmem>>) offsets(%dma_start3A_198 : memref<128xi32, #tpu.memory_space<vmem>>) semaphore(%arg12 : memref<!tpu.dma_semaphore, #tpu.memory_space<semaphore_mem>>)
      %add3A_202 = arith.constant 1 : i32
      %add3A_203 = arith.addi %mul3A_154, %add3A_202 : i32
      %mul3A_204 = arith.constant 128 : i32
      %mul3A_205 = arith.muli %add3A_203, %mul3A_204 : i32
      %dma_wait3A_206 = tpu.memref_slice %arg6[%mul3A_205] : memref<15872xi32, #tpu.memory_space<vmem>> -> memref<128xi32, #tpu.memory_space<vmem>>
      %dma_wait3A_207 = arith.constant 0 : i32
      %dma_wait3A_208 = arith.constant 0 : i32
      %dma_wait3A_209 = tpu.memref_slice %arg2[%dma_wait3A_207, %dma_wait3A_208] : memref<10000x128xf32, #tpu.memory_space<hbm>> -> memref<10000x128xf32, #tpu.memory_space<hbm>>
      tpu.wait_indirect_dma semaphore(%arg13 : memref<!tpu.dma_semaphore, #tpu.memory_space<semaphore_mem>>) src(%dma_wait3A_209 : memref<10000x128xf32, #tpu.memory_space<hbm>>) dst(%arg10 : memref<128x128xf32, #tpu.memory_space<vmem>>)
      %add3A_210 = arith.addi %select_n3A_34, %add3A_203 : i32
      %dma_wait3A_211 = arith.constant 0 : i32
      %dma_wait3A_212 = arith.constant 0 : i32
      %dma_wait3A_213 = tpu.memref_slice %arg8[%dma_wait3A_211, %dma_wait3A_212] : memref<1x128xi32, #tpu.memory_space<vmem>> -> memref<1x128xi32, #tpu.memory_space<vmem>>
      %dma_wait3A_214 = tpu.memref_squeeze %dma_wait3A_213 : memref<1x128xi32, #tpu.memory_space<vmem>> -> memref<128xi32, #tpu.memory_space<vmem>>
      %dma_wait3A_215 = arith.constant 0 : i32
      %dma_wait3A_216 = tpu.memref_slice %arg4[%add3A_210, %dma_wait3A_215] : memref<2560x128xi32, #tpu.memory_space<hbm>> -> memref<1x128xi32, #tpu.memory_space<hbm>>
      %dma_wait3A_217 = tpu.memref_squeeze %dma_wait3A_216 : memref<1x128xi32, #tpu.memory_space<hbm>> -> memref<128xi32, #tpu.memory_space<hbm>>
      %dma_wait3A_218 = arith.constant 0 : i32
      %dma_wait3A_219 = tpu.memref_slice %arg8[%dma_wait3A_211, %dma_wait3A_218] : memref<1x128xi32, #tpu.memory_space<vmem>> -> memref<1x128xi32, #tpu.memory_space<vmem>>
      %dma_wait3A_220 = tpu.memref_squeeze %dma_wait3A_219 : memref<1x128xi32, #tpu.memory_space<vmem>> -> memref<128xi32, #tpu.memory_space<vmem>>
      %dma_wait3A_221 = arith.constant 0 : i32
      %dma_wait3A_222 = tpu.memref_slice %arg4[%add3A_210, %dma_wait3A_221] : memref<2560x128xi32, #tpu.memory_space<hbm>> -> memref<1x128xi32, #tpu.memory_space<hbm>>
      %dma_wait3A_223 = tpu.memref_squeeze %dma_wait3A_222 : memref<1x128xi32, #tpu.memory_space<hbm>> -> memref<128xi32, #tpu.memory_space<hbm>>
      tpu.wait_dma2 semaphore(%arg15 : memref<!tpu.dma_semaphore, #tpu.memory_space<semaphore_mem>>) src(%dma_wait3A_223 : memref<128xi32, #tpu.memory_space<hbm>>) dst(%dma_wait3A_220 : memref<128xi32, #tpu.memory_space<vmem>>)
      %run_scoped3A_224 = arith.constant 0 : i32
      "tpu.region"() ({
        %run_scoped3A_249 = tpu.sem_alloc : memref<!tpu.dma_semaphore, #tpu.memory_space<semaphore_mem>>
        %dma_start3A_250 = arith.constant 0 : i32
        %dma_start3A_251 = tpu.memref_slice %arg8[%run_scoped3A_224, %dma_start3A_250] : memref<1x128xi32, #tpu.memory_space<vmem>> -> memref<1x128xi32, #tpu.memory_space<vmem>>
        %dma_start3A_252 = tpu.memref_squeeze %dma_start3A_251 : memref<1x128xi32, #tpu.memory_space<vmem>> -> memref<128xi32, #tpu.memory_space<vmem>>
        %dma_start3A_253 = arith.constant 0 : i32
        %dma_start3A_254 = arith.constant 0 : i32
        %dma_start3A_255 = tpu.memref_slice %arg11[%dma_start3A_253, %dma_start3A_254] : memref<10240x128xf32, #tpu.memory_space<vmem_shared>> -> memref<10240x128xf32, #tpu.memory_space<vmem_shared>>
        tpu.enqueue_indirect_dma source(%arg10 : memref<128x128xf32, #tpu.memory_space<vmem>>) target(%dma_start3A_255 : memref<10240x128xf32, #tpu.memory_space<vmem_shared>>) offsets(%dma_start3A_252 : memref<128xi32, #tpu.memory_space<vmem>>) semaphore(%run_scoped3A_249 : memref<!tpu.dma_semaphore, #tpu.memory_space<semaphore_mem>>) {add = true}
        %dma_wait3A_256 = arith.constant 0 : i32
        %dma_wait3A_257 = tpu.memref_slice %arg8[%run_scoped3A_224, %dma_wait3A_256] : memref<1x128xi32, #tpu.memory_space<vmem>> -> memref<1x128xi32, #tpu.memory_space<vmem>>
        %dma_wait3A_258 = tpu.memref_squeeze %dma_wait3A_257 : memref<1x128xi32, #tpu.memory_space<vmem>> -> memref<128xi32, #tpu.memory_space<vmem>>
        %dma_wait3A_259 = arith.constant 0 : i32
        %dma_wait3A_260 = arith.constant 0 : i32
        %dma_wait3A_261 = tpu.memref_slice %arg11[%dma_wait3A_259, %dma_wait3A_260] : memref<10240x128xf32, #tpu.memory_space<vmem_shared>> -> memref<10240x128xf32, #tpu.memory_space<vmem_shared>>
        tpu.wait_indirect_dma semaphore(%run_scoped3A_249 : memref<!tpu.dma_semaphore, #tpu.memory_space<semaphore_mem>>) src(%arg10 : memref<128x128xf32, #tpu.memory_space<vmem>>) dst(%dma_wait3A_261 : memref<10240x128xf32, #tpu.memory_space<vmem_shared>>)
        tpu.yield
      }) : () -> ()
      %add3A_225 = arith.constant 2 : i32
      %add3A_226 = arith.addi %add3A_203, %add3A_225 : i32
      %add3A_227 = arith.addi %select_n3A_34, %add3A_226 : i32
      %dma_start3A_228 = arith.constant 0 : i32
      %dma_start3A_229 = arith.constant 0 : i32
      %dma_start3A_230 = tpu.memref_slice %arg8[%dma_start3A_228, %dma_start3A_229] : memref<1x128xi32, #tpu.memory_space<vmem>> -> memref<1x128xi32, #tpu.memory_space<vmem>>
      %dma_start3A_231 = tpu.memref_squeeze %dma_start3A_230 : memref<1x128xi32, #tpu.memory_space<vmem>> -> memref<128xi32, #tpu.memory_space<vmem>>
      %dma_start3A_232 = arith.constant 0 : i32
      %dma_start3A_233 = tpu.memref_slice %arg4[%add3A_227, %dma_start3A_232] : memref<2560x128xi32, #tpu.memory_space<hbm>> -> memref<1x128xi32, #tpu.memory_space<hbm>>
      %dma_start3A_234 = tpu.memref_squeeze %dma_start3A_233 : memref<1x128xi32, #tpu.memory_space<hbm>> -> memref<128xi32, #tpu.memory_space<hbm>>
      %dma_start3A_235 = arith.constant 0 : i32
      %dma_start3A_236 = tpu.memref_slice %arg8[%dma_start3A_228, %dma_start3A_235] : memref<1x128xi32, #tpu.memory_space<vmem>> -> memref<1x128xi32, #tpu.memory_space<vmem>>
      %dma_start3A_237 = tpu.memref_squeeze %dma_start3A_236 : memref<1x128xi32, #tpu.memory_space<vmem>> -> memref<128xi32, #tpu.memory_space<vmem>>
      %dma_start3A_238 = arith.constant 0 : i32
      %dma_start3A_239 = tpu.memref_slice %arg4[%add3A_227, %dma_start3A_238] : memref<2560x128xi32, #tpu.memory_space<hbm>> -> memref<1x128xi32, #tpu.memory_space<hbm>>
      %dma_start3A_240 = tpu.memref_squeeze %dma_start3A_239 : memref<1x128xi32, #tpu.memory_space<hbm>> -> memref<128xi32, #tpu.memory_space<hbm>>
      tpu.enqueue_dma source(%dma_start3A_240 : memref<128xi32, #tpu.memory_space<hbm>>) target(%dma_start3A_237 : memref<128xi32, #tpu.memory_space<vmem>>) target_semaphore(%arg15 : memref<!tpu.dma_semaphore, #tpu.memory_space<semaphore_mem>>)
      %add3A_241 = arith.constant 2 : i32
      %add3A_242 = arith.addi %add3A_203, %add3A_241 : i32
      %mul3A_243 = arith.constant 128 : i32
      %mul3A_244 = arith.muli %add3A_242, %mul3A_243 : i32
      %dma_start3A_245 = tpu.memref_slice %arg6[%mul3A_244] : memref<15872xi32, #tpu.memory_space<vmem>> -> memref<128xi32, #tpu.memory_space<vmem>>
      %dma_start3A_246 = arith.constant 0 : i32
      %dma_start3A_247 = arith.constant 0 : i32
      %dma_start3A_248 = tpu.memref_slice %arg2[%dma_start3A_246, %dma_start3A_247] : memref<10000x128xf32, #tpu.memory_space<hbm>> -> memref<10000x128xf32, #tpu.memory_space<hbm>>
      tpu.enqueue_indirect_dma source(%dma_start3A_248 : memref<10000x128xf32, #tpu.memory_space<hbm>>) target(%arg10 : memref<128x128xf32, #tpu.memory_space<vmem>>) offsets(%dma_start3A_245 : memref<128xi32, #tpu.memory_space<vmem>>) semaphore(%arg13 : memref<!tpu.dma_semaphore, #tpu.memory_space<semaphore_mem>>)
    }
    %sub3A_103 = arith.constant 2 : i32
    %sub3A_104 = arith.subi %select_n3A, %sub3A_103 : i32
    %add3A_105 = arith.constant 0 : i32
    %add3A_106 = arith.addi %sub3A_104, %add3A_105 : i32
    %mul3A_107 = arith.constant 128 : i32
    %mul3A_108 = arith.muli %add3A_106, %mul3A_107 : i32
    %dma_wait3A = tpu.memref_slice %arg6[%mul3A_108] : memref<15872xi32, #tpu.memory_space<vmem>> -> memref<128xi32, #tpu.memory_space<vmem>>
    %dma_wait3A_109 = arith.constant 0 : i32
    %dma_wait3A_110 = arith.constant 0 : i32
    %dma_wait3A_111 = tpu.memref_slice %arg2[%dma_wait3A_109, %dma_wait3A_110] : memref<10000x128xf32, #tpu.memory_space<hbm>> -> memref<10000x128xf32, #tpu.memory_space<hbm>>
    tpu.wait_indirect_dma semaphore(%arg12 : memref<!tpu.dma_semaphore, #tpu.memory_space<semaphore_mem>>) src(%dma_wait3A_111 : memref<10000x128xf32, #tpu.memory_space<hbm>>) dst(%arg9 : memref<128x128xf32, #tpu.memory_space<vmem>>)
    %add3A_112 = arith.addi %select_n3A_34, %add3A_106 : i32
    %dma_wait3A_113 = arith.constant 0 : i32
    %dma_wait3A_114 = arith.constant 0 : i32
    %dma_wait3A_115 = tpu.memref_slice %arg7[%dma_wait3A_113, %dma_wait3A_114] : memref<1x128xi32, #tpu.memory_space<vmem>> -> memref<1x128xi32, #tpu.memory_space<vmem>>
    %dma_wait3A_116 = tpu.memref_squeeze %dma_wait3A_115 : memref<1x128xi32, #tpu.memory_space<vmem>> -> memref<128xi32, #tpu.memory_space<vmem>>
    %dma_wait3A_117 = arith.constant 0 : i32
    %dma_wait3A_118 = tpu.memref_slice %arg4[%add3A_112, %dma_wait3A_117] : memref<2560x128xi32, #tpu.memory_space<hbm>> -> memref<1x128xi32, #tpu.memory_space<hbm>>
    %dma_wait3A_119 = tpu.memref_squeeze %dma_wait3A_118 : memref<1x128xi32, #tpu.memory_space<hbm>> -> memref<128xi32, #tpu.memory_space<hbm>>
    %dma_wait3A_120 = arith.constant 0 : i32
    %dma_wait3A_121 = tpu.memref_slice %arg7[%dma_wait3A_113, %dma_wait3A_120] : memref<1x128xi32, #tpu.memory_space<vmem>> -> memref<1x128xi32, #tpu.memory_space<vmem>>
    %dma_wait3A_122 = tpu.memref_squeeze %dma_wait3A_121 : memref<1x128xi32, #tpu.memory_space<vmem>> -> memref<128xi32, #tpu.memory_space<vmem>>
    %dma_wait3A_123 = arith.constant 0 : i32
    %dma_wait3A_124 = tpu.memref_slice %arg4[%add3A_112, %dma_wait3A_123] : memref<2560x128xi32, #tpu.memory_space<hbm>> -> memref<1x128xi32, #tpu.memory_space<hbm>>
    %dma_wait3A_125 = tpu.memref_squeeze %dma_wait3A_124 : memref<1x128xi32, #tpu.memory_space<hbm>> -> memref<128xi32, #tpu.memory_space<hbm>>
    tpu.wait_dma2 semaphore(%arg14 : memref<!tpu.dma_semaphore, #tpu.memory_space<semaphore_mem>>) src(%dma_wait3A_125 : memref<128xi32, #tpu.memory_space<hbm>>) dst(%dma_wait3A_122 : memref<128xi32, #tpu.memory_space<vmem>>)
    %run_scoped3A = arith.constant 0 : i32
    "tpu.region"() ({
      %run_scoped3A_152 = tpu.sem_alloc : memref<!tpu.dma_semaphore, #tpu.memory_space<semaphore_mem>>
      %dma_start3A_153 = arith.constant 0 : i32
      %dma_start3A_154 = tpu.memref_slice %arg7[%run_scoped3A, %dma_start3A_153] : memref<1x128xi32, #tpu.memory_space<vmem>> -> memref<1x128xi32, #tpu.memory_space<vmem>>
      %dma_start3A_155 = tpu.memref_squeeze %dma_start3A_154 : memref<1x128xi32, #tpu.memory_space<vmem>> -> memref<128xi32, #tpu.memory_space<vmem>>
      %dma_start3A_156 = arith.constant 0 : i32
      %dma_start3A_157 = arith.constant 0 : i32
      %dma_start3A_158 = tpu.memref_slice %arg11[%dma_start3A_156, %dma_start3A_157] : memref<10240x128xf32, #tpu.memory_space<vmem_shared>> -> memref<10240x128xf32, #tpu.memory_space<vmem_shared>>
      tpu.enqueue_indirect_dma source(%arg9 : memref<128x128xf32, #tpu.memory_space<vmem>>) target(%dma_start3A_158 : memref<10240x128xf32, #tpu.memory_space<vmem_shared>>) offsets(%dma_start3A_155 : memref<128xi32, #tpu.memory_space<vmem>>) semaphore(%run_scoped3A_152 : memref<!tpu.dma_semaphore, #tpu.memory_space<semaphore_mem>>) {add = true}
      %dma_wait3A_159 = arith.constant 0 : i32
      %dma_wait3A_160 = tpu.memref_slice %arg7[%run_scoped3A, %dma_wait3A_159] : memref<1x128xi32, #tpu.memory_space<vmem>> -> memref<1x128xi32, #tpu.memory_space<vmem>>
      %dma_wait3A_161 = tpu.memref_squeeze %dma_wait3A_160 : memref<1x128xi32, #tpu.memory_space<vmem>> -> memref<128xi32, #tpu.memory_space<vmem>>
      %dma_wait3A_162 = arith.constant 0 : i32
      %dma_wait3A_163 = arith.constant 0 : i32
      %dma_wait3A_164 = tpu.memref_slice %arg11[%dma_wait3A_162, %dma_wait3A_163] : memref<10240x128xf32, #tpu.memory_space<vmem_shared>> -> memref<10240x128xf32, #tpu.memory_space<vmem_shared>>
      tpu.wait_indirect_dma semaphore(%run_scoped3A_152 : memref<!tpu.dma_semaphore, #tpu.memory_space<semaphore_mem>>) src(%arg9 : memref<128x128xf32, #tpu.memory_space<vmem>>) dst(%dma_wait3A_164 : memref<10240x128xf32, #tpu.memory_space<vmem_shared>>)
      tpu.yield
    }) : () -> ()
    %sub3A_126 = arith.constant 2 : i32
    %sub3A_127 = arith.subi %select_n3A, %sub3A_126 : i32
    %add3A_128 = arith.constant 1 : i32
    %add3A_129 = arith.addi %sub3A_127, %add3A_128 : i32
    %mul3A_130 = arith.constant 128 : i32
    %mul3A_131 = arith.muli %add3A_129, %mul3A_130 : i32
    %dma_wait3A_132 = tpu.memref_slice %arg6[%mul3A_131] : memref<15872xi32, #tpu.memory_space<vmem>> -> memref<128xi32, #tpu.memory_space<vmem>>
    %dma_wait3A_133 = arith.constant 0 : i32
    %dma_wait3A_134 = arith.constant 0 : i32
    %dma_wait3A_135 = tpu.memref_slice %arg2[%dma_wait3A_133, %dma_wait3A_134] : memref<10000x128xf32, #tpu.memory_space<hbm>> -> memref<10000x128xf32, #tpu.memory_space<hbm>>
    tpu.wait_indirect_dma semaphore(%arg13 : memref<!tpu.dma_semaphore, #tpu.memory_space<semaphore_mem>>) src(%dma_wait3A_135 : memref<10000x128xf32, #tpu.memory_space<hbm>>) dst(%arg10 : memref<128x128xf32, #tpu.memory_space<vmem>>)
    %add3A_136 = arith.addi %select_n3A_34, %add3A_129 : i32
    %dma_wait3A_137 = arith.constant 0 : i32
    %dma_wait3A_138 = arith.constant 0 : i32
    %dma_wait3A_139 = tpu.memref_slice %arg8[%dma_wait3A_137, %dma_wait3A_138] : memref<1x128xi32, #tpu.memory_space<vmem>> -> memref<1x128xi32, #tpu.memory_space<vmem>>
    %dma_wait3A_140 = tpu.memref_squeeze %dma_wait3A_139 : memref<1x128xi32, #tpu.memory_space<vmem>> -> memref<128xi32, #tpu.memory_space<vmem>>
    %dma_wait3A_141 = arith.constant 0 : i32
    %dma_wait3A_142 = tpu.memref_slice %arg4[%add3A_136, %dma_wait3A_141] : memref<2560x128xi32, #tpu.memory_space<hbm>> -> memref<1x128xi32, #tpu.memory_space<hbm>>
    %dma_wait3A_143 = tpu.memref_squeeze %dma_wait3A_142 : memref<1x128xi32, #tpu.memory_space<hbm>> -> memref<128xi32, #tpu.memory_space<hbm>>
    %dma_wait3A_144 = arith.constant 0 : i32
    %dma_wait3A_145 = tpu.memref_slice %arg8[%dma_wait3A_137, %dma_wait3A_144] : memref<1x128xi32, #tpu.memory_space<vmem>> -> memref<1x128xi32, #tpu.memory_space<vmem>>
    %dma_wait3A_146 = tpu.memref_squeeze %dma_wait3A_145 : memref<1x128xi32, #tpu.memory_space<vmem>> -> memref<128xi32, #tpu.memory_space<vmem>>
    %dma_wait3A_147 = arith.constant 0 : i32
    %dma_wait3A_148 = tpu.memref_slice %arg4[%add3A_136, %dma_wait3A_147] : memref<2560x128xi32, #tpu.memory_space<hbm>> -> memref<1x128xi32, #tpu.memory_space<hbm>>
    %dma_wait3A_149 = tpu.memref_squeeze %dma_wait3A_148 : memref<1x128xi32, #tpu.memory_space<hbm>> -> memref<128xi32, #tpu.memory_space<hbm>>
    tpu.wait_dma2 semaphore(%arg15 : memref<!tpu.dma_semaphore, #tpu.memory_space<semaphore_mem>>) src(%dma_wait3A_149 : memref<128xi32, #tpu.memory_space<hbm>>) dst(%dma_wait3A_146 : memref<128xi32, #tpu.memory_space<vmem>>)
    %run_scoped3A_150 = arith.constant 0 : i32
    "tpu.region"() ({
      %run_scoped3A_152 = tpu.sem_alloc : memref<!tpu.dma_semaphore, #tpu.memory_space<semaphore_mem>>
      %dma_start3A_153 = arith.constant 0 : i32
      %dma_start3A_154 = tpu.memref_slice %arg8[%run_scoped3A_150, %dma_start3A_153] : memref<1x128xi32, #tpu.memory_space<vmem>> -> memref<1x128xi32, #tpu.memory_space<vmem>>
      %dma_start3A_155 = tpu.memref_squeeze %dma_start3A_154 : memref<1x128xi32, #tpu.memory_space<vmem>> -> memref<128xi32, #tpu.memory_space<vmem>>
      %dma_start3A_156 = arith.constant 0 : i32
      %dma_start3A_157 = arith.constant 0 : i32
      %dma_start3A_158 = tpu.memref_slice %arg11[%dma_start3A_156, %dma_start3A_157] : memref<10240x128xf32, #tpu.memory_space<vmem_shared>> -> memref<10240x128xf32, #tpu.memory_space<vmem_shared>>
      tpu.enqueue_indirect_dma source(%arg10 : memref<128x128xf32, #tpu.memory_space<vmem>>) target(%dma_start3A_158 : memref<10240x128xf32, #tpu.memory_space<vmem_shared>>) offsets(%dma_start3A_155 : memref<128xi32, #tpu.memory_space<vmem>>) semaphore(%run_scoped3A_152 : memref<!tpu.dma_semaphore, #tpu.memory_space<semaphore_mem>>) {add = true}
      %dma_wait3A_159 = arith.constant 0 : i32
      %dma_wait3A_160 = tpu.memref_slice %arg8[%run_scoped3A_150, %dma_wait3A_159] : memref<1x128xi32, #tpu.memory_space<vmem>> -> memref<1x128xi32, #tpu.memory_space<vmem>>
      %dma_wait3A_161 = tpu.memref_squeeze %dma_wait3A_160 : memref<1x128xi32, #tpu.memory_space<vmem>> -> memref<128xi32, #tpu.memory_space<vmem>>
      %dma_wait3A_162 = arith.constant 0 : i32
      %dma_wait3A_163 = arith.constant 0 : i32
      %dma_wait3A_164 = tpu.memref_slice %arg11[%dma_wait3A_162, %dma_wait3A_163] : memref<10240x128xf32, #tpu.memory_space<vmem_shared>> -> memref<10240x128xf32, #tpu.memory_space<vmem_shared>>
      tpu.wait_indirect_dma semaphore(%run_scoped3A_152 : memref<!tpu.dma_semaphore, #tpu.memory_space<semaphore_mem>>) src(%arg10 : memref<128x128xf32, #tpu.memory_space<vmem>>) dst(%dma_wait3A_164 : memref<10240x128xf32, #tpu.memory_space<vmem_shared>>)
      tpu.yield
    }) : () -> ()
    %barrier3A_151 = arith.constant 0 : index
    tpu.barrier barrier_id(%barrier3A_151)
    "tpu.region"() ({
      %run_scoped3A_152 = tpu.sem_alloc : memref<!tpu.dma_semaphore, #tpu.memory_space<semaphore_mem>>
      %dma_start3A_153 = arith.constant 0 : i32
      %dma_start3A_154 = tpu.memref_slice %arg5[%arg0, %mul3A_6, %dma_start3A_153] : memref<2x10240x128xf32, #tpu.memory_space<hbm>> -> memref<1x640x128xf32, #tpu.memory_space<hbm>>
      %dma_start3A_155 = tpu.memref_squeeze %dma_start3A_154 : memref<1x640x128xf32, #tpu.memory_space<hbm>> -> memref<640x128xf32, #tpu.memory_space<hbm>>
      %dma_start3A_156 = arith.constant 0 : i32
      %dma_start3A_157 = tpu.memref_slice %arg11[%mul3A_6, %dma_start3A_156] : memref<10240x128xf32, #tpu.memory_space<vmem_shared>> -> memref<640x128xf32, #tpu.memory_space<vmem_shared>>
      tpu.enqueue_dma source(%dma_start3A_157 : memref<640x128xf32, #tpu.memory_space<vmem_shared>>) target(%dma_start3A_155 : memref<640x128xf32, #tpu.memory_space<hbm>>) target_semaphore(%run_scoped3A_152 : memref<!tpu.dma_semaphore, #tpu.memory_space<semaphore_mem>>)
      %dma_wait3A_158 = arith.constant 0 : i32
      %dma_wait3A_159 = tpu.memref_slice %arg5[%arg0, %mul3A_6, %dma_wait3A_158] : memref<2x10240x128xf32, #tpu.memory_space<hbm>> -> memref<1x640x128xf32, #tpu.memory_space<hbm>>
      %dma_wait3A_160 = tpu.memref_squeeze %dma_wait3A_159 : memref<1x640x128xf32, #tpu.memory_space<hbm>> -> memref<640x128xf32, #tpu.memory_space<hbm>>
      %dma_wait3A_161 = arith.constant 0 : i32
      %dma_wait3A_162 = tpu.memref_slice %arg11[%mul3A_6, %dma_wait3A_161] : memref<10240x128xf32, #tpu.memory_space<vmem_shared>> -> memref<640x128xf32, #tpu.memory_space<vmem_shared>>
      tpu.wait_dma2 semaphore(%run_scoped3A_152 : memref<!tpu.dma_semaphore, #tpu.memory_space<semaphore_mem>>) src(%dma_wait3A_162 : memref<640x128xf32, #tpu.memory_space<vmem_shared>>) dst(%dma_wait3A_160 : memref<640x128xf32, #tpu.memory_space<hbm>>)
      tpu.yield
    }) : () -> ()
    return
  }
}

#map = affine_map<(d0, d1) -> (0, 0)>
#map1 = affine_map<(d0, d1) -> (0, 0, 0)>
module attributes {stable_mosaic.version = 14 : i64} {
  func.func @_sc_deg(%arg0: i32, %arg1: i32, %arg2: memref<2560x128xi32, #tpu.memory_space<hbm>>, %arg3: memref<2x10240x16xf32, #tpu.memory_space<hbm>>, %arg4: memref<80x128xi32, #tpu.memory_space<vmem>>, %arg5: memref<128x16xf32, #tpu.memory_space<vmem>>, %arg6: memref<10240x16xf32, #tpu.memory_space<vmem_shared>>) attributes {dimension_semantics = [#tpu.dimension_semantics<core_parallel>, #tpu.dimension_semantics<subcore_parallel>], iteration_bounds = array<i64: 2, 16>, scalar_prefetch = 0 : i64, scratch_operands = 3 : i64, tpu.core_type = #tpu.core_type<sc_vector_subcore>, window_params = [{transform_indices = #map}, {transform_indices = #map1}]} {
    %mul3A = arith.constant 16 : i32
    %mul3A_0 = arith.muli %arg0, %mul3A : i32
    %add3A = arith.addi %mul3A_0, %arg1 : i32
    %broadcast_in_dim3A = arith.constant 0.000000e+00 : f32
    %broadcast_in_dim3A_1 = vector.broadcast %broadcast_in_dim3A : f32 to vector<16xf32>
    %scan3A = arith.constant 0 : i32
    %scan3A_2 = arith.constant 0 : i32
    %scan3A_3 = arith.constant 128 : i32
    %scan3A_4 = arith.addi %scan3A_2, %scan3A_3 : i32
    %scan3A_5 = arith.constant 1 : i32
    scf.for %scan3A_36 = %scan3A_2 to %scan3A_4 step %scan3A_5  : i32 {
      %swap3A = arith.index_cast %scan3A_36 : i32 to index
      %swap3A_37 = arith.constant 0 : index
      %swap3A_38 = tpu.vector_load %arg5[%swap3A, %swap3A_37] {strides = array<i32>} : memref<128x16xf32, #tpu.memory_space<vmem>>, vector<1x16xf32>,
      %swap3A_39 = vector.shape_cast %swap3A_38 : vector<1x16xf32> to vector<16xf32>
      %swap3A_40 = vector.shape_cast %broadcast_in_dim3A_1 : vector<16xf32> to vector<1x16xf32>
      tpu.vector_store %arg5[%swap3A, %swap3A_37], %swap3A_40 {strides = array<i32>} : memref<128x16xf32, #tpu.memory_space<vmem>>, vector<1x16xf32>,
    }
    %scan3A_6 = arith.constant 128 : i32
    %mul3A_7 = arith.constant 640 : i32
    %mul3A_8 = arith.muli %arg1, %mul3A_7 : i32
    %add3A_9 = arith.constant 0 : i32
    %add3A_10 = arith.addi %mul3A_8, %add3A_9 : i32
    "tpu.region"() ({
      %run_scoped3A = tpu.sem_alloc : memref<!tpu.dma_semaphore, #tpu.memory_space<semaphore_mem>>
      %dma_start3A = arith.constant 0 : i32
      %dma_start3A_36 = tpu.memref_slice %arg6[%add3A_10, %dma_start3A] : memref<10240x16xf32, #tpu.memory_space<vmem_shared>> -> memref<128x16xf32, #tpu.memory_space<vmem_shared>>
      %dma_start3A_37 = arith.constant 0 : i32
      %dma_start3A_38 = tpu.memref_slice %arg6[%add3A_10, %dma_start3A_37] : memref<10240x16xf32, #tpu.memory_space<vmem_shared>> -> memref<128x16xf32, #tpu.memory_space<vmem_shared>>
      tpu.enqueue_dma source(%arg5 : memref<128x16xf32, #tpu.memory_space<vmem>>) target(%dma_start3A_38 : memref<128x16xf32, #tpu.memory_space<vmem_shared>>) target_semaphore(%run_scoped3A : memref<!tpu.dma_semaphore, #tpu.memory_space<semaphore_mem>>)
      %dma_wait3A = arith.constant 0 : i32
      %dma_wait3A_39 = tpu.memref_slice %arg6[%add3A_10, %dma_wait3A] : memref<10240x16xf32, #tpu.memory_space<vmem_shared>> -> memref<128x16xf32, #tpu.memory_space<vmem_shared>>
      %dma_wait3A_40 = arith.constant 0 : i32
      %dma_wait3A_41 = tpu.memref_slice %arg6[%add3A_10, %dma_wait3A_40] : memref<10240x16xf32, #tpu.memory_space<vmem_shared>> -> memref<128x16xf32, #tpu.memory_space<vmem_shared>>
      tpu.wait_dma2 semaphore(%run_scoped3A : memref<!tpu.dma_semaphore, #tpu.memory_space<semaphore_mem>>) src(%arg5 : memref<128x16xf32, #tpu.memory_space<vmem>>) dst(%dma_wait3A_41 : memref<128x16xf32, #tpu.memory_space<vmem_shared>>)
      tpu.yield
    }) : () -> ()
    %add3A_11 = arith.constant 128 : i32
    %add3A_12 = arith.addi %mul3A_8, %add3A_11 : i32
    "tpu.region"() ({
      %run_scoped3A = tpu.sem_alloc : memref<!tpu.dma_semaphore, #tpu.memory_space<semaphore_mem>>
      %dma_start3A = arith.constant 0 : i32
      %dma_start3A_36 = tpu.memref_slice %arg6[%add3A_12, %dma_start3A] : memref<10240x16xf32, #tpu.memory_space<vmem_shared>> -> memref<128x16xf32, #tpu.memory_space<vmem_shared>>
      %dma_start3A_37 = arith.constant 0 : i32
      %dma_start3A_38 = tpu.memref_slice %arg6[%add3A_12, %dma_start3A_37] : memref<10240x16xf32, #tpu.memory_space<vmem_shared>> -> memref<128x16xf32, #tpu.memory_space<vmem_shared>>
      tpu.enqueue_dma source(%arg5 : memref<128x16xf32, #tpu.memory_space<vmem>>) target(%dma_start3A_38 : memref<128x16xf32, #tpu.memory_space<vmem_shared>>) target_semaphore(%run_scoped3A : memref<!tpu.dma_semaphore, #tpu.memory_space<semaphore_mem>>)
      %dma_wait3A = arith.constant 0 : i32
      %dma_wait3A_39 = tpu.memref_slice %arg6[%add3A_12, %dma_wait3A] : memref<10240x16xf32, #tpu.memory_space<vmem_shared>> -> memref<128x16xf32, #tpu.memory_space<vmem_shared>>
      %dma_wait3A_40 = arith.constant 0 : i32
      %dma_wait3A_41 = tpu.memref_slice %arg6[%add3A_12, %dma_wait3A_40] : memref<10240x16xf32, #tpu.memory_space<vmem_shared>> -> memref<128x16xf32, #tpu.memory_space<vmem_shared>>
      tpu.wait_dma2 semaphore(%run_scoped3A : memref<!tpu.dma_semaphore, #tpu.memory_space<semaphore_mem>>) src(%arg5 : memref<128x16xf32, #tpu.memory_space<vmem>>) dst(%dma_wait3A_41 : memref<128x16xf32, #tpu.memory_space<vmem_shared>>)
      tpu.yield
    }) : () -> ()
    %add3A_13 = arith.constant 256 : i32
    %add3A_14 = arith.addi %mul3A_8, %add3A_13 : i32
    "tpu.region"() ({
      %run_scoped3A = tpu.sem_alloc : memref<!tpu.dma_semaphore, #tpu.memory_space<semaphore_mem>>
      %dma_start3A = arith.constant 0 : i32
      %dma_start3A_36 = tpu.memref_slice %arg6[%add3A_14, %dma_start3A] : memref<10240x16xf32, #tpu.memory_space<vmem_shared>> -> memref<128x16xf32, #tpu.memory_space<vmem_shared>>
      %dma_start3A_37 = arith.constant 0 : i32
      %dma_start3A_38 = tpu.memref_slice %arg6[%add3A_14, %dma_start3A_37] : memref<10240x16xf32, #tpu.memory_space<vmem_shared>> -> memref<128x16xf32, #tpu.memory_space<vmem_shared>>
      tpu.enqueue_dma source(%arg5 : memref<128x16xf32, #tpu.memory_space<vmem>>) target(%dma_start3A_38 : memref<128x16xf32, #tpu.memory_space<vmem_shared>>) target_semaphore(%run_scoped3A : memref<!tpu.dma_semaphore, #tpu.memory_space<semaphore_mem>>)
      %dma_wait3A = arith.constant 0 : i32
      %dma_wait3A_39 = tpu.memref_slice %arg6[%add3A_14, %dma_wait3A] : memref<10240x16xf32, #tpu.memory_space<vmem_shared>> -> memref<128x16xf32, #tpu.memory_space<vmem_shared>>
      %dma_wait3A_40 = arith.constant 0 : i32
      %dma_wait3A_41 = tpu.memref_slice %arg6[%add3A_14, %dma_wait3A_40] : memref<10240x16xf32, #tpu.memory_space<vmem_shared>> -> memref<128x16xf32, #tpu.memory_space<vmem_shared>>
      tpu.wait_dma2 semaphore(%run_scoped3A : memref<!tpu.dma_semaphore, #tpu.memory_space<semaphore_mem>>) src(%arg5 : memref<128x16xf32, #tpu.memory_space<vmem>>) dst(%dma_wait3A_41 : memref<128x16xf32, #tpu.memory_space<vmem_shared>>)
      tpu.yield
    }) : () -> ()
    %add3A_15 = arith.constant 384 : i32
    %add3A_16 = arith.addi %mul3A_8, %add3A_15 : i32
    "tpu.region"() ({
      %run_scoped3A = tpu.sem_alloc : memref<!tpu.dma_semaphore, #tpu.memory_space<semaphore_mem>>
      %dma_start3A = arith.constant 0 : i32
      %dma_start3A_36 = tpu.memref_slice %arg6[%add3A_16, %dma_start3A] : memref<10240x16xf32, #tpu.memory_space<vmem_shared>> -> memref<128x16xf32, #tpu.memory_space<vmem_shared>>
      %dma_start3A_37 = arith.constant 0 : i32
      %dma_start3A_38 = tpu.memref_slice %arg6[%add3A_16, %dma_start3A_37] : memref<10240x16xf32, #tpu.memory_space<vmem_shared>> -> memref<128x16xf32, #tpu.memory_space<vmem_shared>>
      tpu.enqueue_dma source(%arg5 : memref<128x16xf32, #tpu.memory_space<vmem>>) target(%dma_start3A_38 : memref<128x16xf32, #tpu.memory_space<vmem_shared>>) target_semaphore(%run_scoped3A : memref<!tpu.dma_semaphore, #tpu.memory_space<semaphore_mem>>)
      %dma_wait3A = arith.constant 0 : i32
      %dma_wait3A_39 = tpu.memref_slice %arg6[%add3A_16, %dma_wait3A] : memref<10240x16xf32, #tpu.memory_space<vmem_shared>> -> memref<128x16xf32, #tpu.memory_space<vmem_shared>>
      %dma_wait3A_40 = arith.constant 0 : i32
      %dma_wait3A_41 = tpu.memref_slice %arg6[%add3A_16, %dma_wait3A_40] : memref<10240x16xf32, #tpu.memory_space<vmem_shared>> -> memref<128x16xf32, #tpu.memory_space<vmem_shared>>
      tpu.wait_dma2 semaphore(%run_scoped3A : memref<!tpu.dma_semaphore, #tpu.memory_space<semaphore_mem>>) src(%arg5 : memref<128x16xf32, #tpu.memory_space<vmem>>) dst(%dma_wait3A_41 : memref<128x16xf32, #tpu.memory_space<vmem_shared>>)
      tpu.yield
    }) : () -> ()
    %add3A_17 = arith.constant 512 : i32
    %add3A_18 = arith.addi %mul3A_8, %add3A_17 : i32
    "tpu.region"() ({
      %run_scoped3A = tpu.sem_alloc : memref<!tpu.dma_semaphore, #tpu.memory_space<semaphore_mem>>
      %dma_start3A = arith.constant 0 : i32
      %dma_start3A_36 = tpu.memref_slice %arg6[%add3A_18, %dma_start3A] : memref<10240x16xf32, #tpu.memory_space<vmem_shared>> -> memref<128x16xf32, #tpu.memory_space<vmem_shared>>
      %dma_start3A_37 = arith.constant 0 : i32
      %dma_start3A_38 = tpu.memref_slice %arg6[%add3A_18, %dma_start3A_37] : memref<10240x16xf32, #tpu.memory_space<vmem_shared>> -> memref<128x16xf32, #tpu.memory_space<vmem_shared>>
      tpu.enqueue_dma source(%arg5 : memref<128x16xf32, #tpu.memory_space<vmem>>) target(%dma_start3A_38 : memref<128x16xf32, #tpu.memory_space<vmem_shared>>) target_semaphore(%run_scoped3A : memref<!tpu.dma_semaphore, #tpu.memory_space<semaphore_mem>>)
      %dma_wait3A = arith.constant 0 : i32
      %dma_wait3A_39 = tpu.memref_slice %arg6[%add3A_18, %dma_wait3A] : memref<10240x16xf32, #tpu.memory_space<vmem_shared>> -> memref<128x16xf32, #tpu.memory_space<vmem_shared>>
      %dma_wait3A_40 = arith.constant 0 : i32
      %dma_wait3A_41 = tpu.memref_slice %arg6[%add3A_18, %dma_wait3A_40] : memref<10240x16xf32, #tpu.memory_space<vmem_shared>> -> memref<128x16xf32, #tpu.memory_space<vmem_shared>>
      tpu.wait_dma2 semaphore(%run_scoped3A : memref<!tpu.dma_semaphore, #tpu.memory_space<semaphore_mem>>) src(%arg5 : memref<128x16xf32, #tpu.memory_space<vmem>>) dst(%dma_wait3A_41 : memref<128x16xf32, #tpu.memory_space<vmem_shared>>)
      tpu.yield
    }) : () -> ()
    %broadcast_in_dim3A_19 = arith.constant 1.000000e+00 : f32
    %broadcast_in_dim3A_20 = vector.broadcast %broadcast_in_dim3A_19 : f32 to vector<16xf32>
    %scan3A_21 = arith.constant 0 : i32
    %scan3A_22 = arith.constant 0 : i32
    %scan3A_23 = arith.constant 128 : i32
    %scan3A_24 = arith.addi %scan3A_22, %scan3A_23 : i32
    %scan3A_25 = arith.constant 1 : i32
    scf.for %scan3A_36 = %scan3A_22 to %scan3A_24 step %scan3A_25  : i32 {
      %swap3A = arith.index_cast %scan3A_36 : i32 to index
      %swap3A_37 = arith.constant 0 : index
      %swap3A_38 = tpu.vector_load %arg5[%swap3A, %swap3A_37] {strides = array<i32>} : memref<128x16xf32, #tpu.memory_space<vmem>>, vector<1x16xf32>,
      %swap3A_39 = vector.shape_cast %swap3A_38 : vector<1x16xf32> to vector<16xf32>
      %swap3A_40 = vector.shape_cast %broadcast_in_dim3A_20 : vector<16xf32> to vector<1x16xf32>
      tpu.vector_store %arg5[%swap3A, %swap3A_37], %swap3A_40 {strides = array<i32>} : memref<128x16xf32, #tpu.memory_space<vmem>>, vector<1x16xf32>,
    }
    %scan3A_26 = arith.constant 128 : i32
    %mul3A_27 = arith.constant 80 : i32
    %mul3A_28 = arith.muli %add3A, %mul3A_27 : i32
    "tpu.region"() ({
      %run_scoped3A = tpu.sem_alloc : memref<!tpu.dma_semaphore, #tpu.memory_space<semaphore_mem>>
      %dma_start3A = arith.constant 0 : i32
      %dma_start3A_36 = tpu.memref_slice %arg2[%mul3A_28, %dma_start3A] : memref<2560x128xi32, #tpu.memory_space<hbm>> -> memref<80x128xi32, #tpu.memory_space<hbm>>
      %dma_start3A_37 = arith.constant 0 : i32
      %dma_start3A_38 = tpu.memref_slice %arg2[%mul3A_28, %dma_start3A_37] : memref<2560x128xi32, #tpu.memory_space<hbm>> -> memref<80x128xi32, #tpu.memory_space<hbm>>
      tpu.enqueue_dma source(%dma_start3A_38 : memref<80x128xi32, #tpu.memory_space<hbm>>) target(%arg4 : memref<80x128xi32, #tpu.memory_space<vmem>>) target_semaphore(%run_scoped3A : memref<!tpu.dma_semaphore, #tpu.memory_space<semaphore_mem>>)
      %dma_wait3A = arith.constant 0 : i32
      %dma_wait3A_39 = tpu.memref_slice %arg2[%mul3A_28, %dma_wait3A] : memref<2560x128xi32, #tpu.memory_space<hbm>> -> memref<80x128xi32, #tpu.memory_space<hbm>>
      %dma_wait3A_40 = arith.constant 0 : i32
      %dma_wait3A_41 = tpu.memref_slice %arg2[%mul3A_28, %dma_wait3A_40] : memref<2560x128xi32, #tpu.memory_space<hbm>> -> memref<80x128xi32, #tpu.memory_space<hbm>>
      tpu.wait_dma2 semaphore(%run_scoped3A : memref<!tpu.dma_semaphore, #tpu.memory_space<semaphore_mem>>) src(%dma_wait3A_41 : memref<80x128xi32, #tpu.memory_space<hbm>>) dst(%arg4 : memref<80x128xi32, #tpu.memory_space<vmem>>)
      tpu.yield
    }) : () -> ()
    %barrier3A = arith.constant 0 : index
    tpu.barrier barrier_id(%barrier3A)
    %scan3A_29 = arith.constant 0 : i32
    %scan3A_30 = arith.constant 0 : i32
    %scan3A_31 = arith.constant 80 : i32
    %scan3A_32 = arith.addi %scan3A_30, %scan3A_31 : i32
    %scan3A_33 = arith.constant 1 : i32
    scf.for %scan3A_36 = %scan3A_30 to %scan3A_32 step %scan3A_33  : i32 {
      "tpu.region"() ({
        %run_scoped3A = tpu.sem_alloc : memref<!tpu.dma_semaphore, #tpu.memory_space<semaphore_mem>>
        %dma_start3A = arith.constant 0 : i32
        %dma_start3A_37 = tpu.memref_slice %arg4[%scan3A_36, %dma_start3A] : memref<80x128xi32, #tpu.memory_space<vmem>> -> memref<1x128xi32, #tpu.memory_space<vmem>>
        %dma_start3A_38 = tpu.memref_squeeze %dma_start3A_37 : memref<1x128xi32, #tpu.memory_space<vmem>> -> memref<128xi32, #tpu.memory_space<vmem>>
        %dma_start3A_39 = arith.constant 0 : i32
        %dma_start3A_40 = arith.constant 0 : i32
        %dma_start3A_41 = tpu.memref_slice %arg6[%dma_start3A_39, %dma_start3A_40] : memref<10240x16xf32, #tpu.memory_space<vmem_shared>> -> memref<10240x16xf32, #tpu.memory_space<vmem_shared>>
        tpu.enqueue_indirect_dma source(%arg5 : memref<128x16xf32, #tpu.memory_space<vmem>>) target(%dma_start3A_41 : memref<10240x16xf32, #tpu.memory_space<vmem_shared>>) offsets(%dma_start3A_38 : memref<128xi32, #tpu.memory_space<vmem>>) semaphore(%run_scoped3A : memref<!tpu.dma_semaphore, #tpu.memory_space<semaphore_mem>>) {add = true}
        %dma_wait3A = arith.constant 0 : i32
        %dma_wait3A_42 = tpu.memref_slice %arg4[%scan3A_36, %dma_wait3A] : memref<80x128xi32, #tpu.memory_space<vmem>> -> memref<1x128xi32, #tpu.memory_space<vmem>>
        %dma_wait3A_43 = tpu.memref_squeeze %dma_wait3A_42 : memref<1x128xi32, #tpu.memory_space<vmem>> -> memref<128xi32, #tpu.memory_space<vmem>>
        %dma_wait3A_44 = arith.constant 0 : i32
        %dma_wait3A_45 = arith.constant 0 : i32
        %dma_wait3A_46 = tpu.memref_slice %arg6[%dma_wait3A_44, %dma_wait3A_45] : memref<10240x16xf32, #tpu.memory_space<vmem_shared>> -> memref<10240x16xf32, #tpu.memory_space<vmem_shared>>
        tpu.wait_indirect_dma semaphore(%run_scoped3A : memref<!tpu.dma_semaphore, #tpu.memory_space<semaphore_mem>>) src(%arg5 : memref<128x16xf32, #tpu.memory_space<vmem>>) dst(%dma_wait3A_46 : memref<10240x16xf32, #tpu.memory_space<vmem_shared>>)
        tpu.yield
      }) : () -> ()
    }
    %scan3A_34 = arith.constant 80 : i32
    %barrier3A_35 = arith.constant 0 : index
    tpu.barrier barrier_id(%barrier3A_35)
    "tpu.region"() ({
      %run_scoped3A = tpu.sem_alloc : memref<!tpu.dma_semaphore, #tpu.memory_space<semaphore_mem>>
      %dma_start3A = arith.constant 0 : i32
      %dma_start3A_36 = tpu.memref_slice %arg3[%arg0, %mul3A_8, %dma_start3A] : memref<2x10240x16xf32, #tpu.memory_space<hbm>> -> memref<1x640x16xf32, #tpu.memory_space<hbm>>
      %dma_start3A_37 = tpu.memref_squeeze %dma_start3A_36 : memref<1x640x16xf32, #tpu.memory_space<hbm>> -> memref<640x16xf32, #tpu.memory_space<hbm>>
      %dma_start3A_38 = arith.constant 0 : i32
      %dma_start3A_39 = tpu.memref_slice %arg6[%mul3A_8, %dma_start3A_38] : memref<10240x16xf32, #tpu.memory_space<vmem_shared>> -> memref<640x16xf32, #tpu.memory_space<vmem_shared>>
      tpu.enqueue_dma source(%dma_start3A_39 : memref<640x16xf32, #tpu.memory_space<vmem_shared>>) target(%dma_start3A_37 : memref<640x16xf32, #tpu.memory_space<hbm>>) target_semaphore(%run_scoped3A : memref<!tpu.dma_semaphore, #tpu.memory_space<semaphore_mem>>)
      %dma_wait3A = arith.constant 0 : i32
      %dma_wait3A_40 = tpu.memref_slice %arg3[%arg0, %mul3A_8, %dma_wait3A] : memref<2x10240x16xf32, #tpu.memory_space<hbm>> -> memref<1x640x16xf32, #tpu.memory_space<hbm>>
      %dma_wait3A_41 = tpu.memref_squeeze %dma_wait3A_40 : memref<1x640x16xf32, #tpu.memory_space<hbm>> -> memref<640x16xf32, #tpu.memory_space<hbm>>
      %dma_wait3A_42 = arith.constant 0 : i32
      %dma_wait3A_43 = tpu.memref_slice %arg6[%mul3A_8, %dma_wait3A_42] : memref<10240x16xf32, #tpu.memory_space<vmem_shared>> -> memref<640x16xf32, #tpu.memory_space<vmem_shared>>
      tpu.wait_dma2 semaphore(%run_scoped3A : memref<!tpu.dma_semaphore, #tpu.memory_space<semaphore_mem>>) src(%dma_wait3A_43 : memref<640x16xf32, #tpu.memory_space<vmem_shared>>) dst(%dma_wait3A_41 : memref<640x16xf32, #tpu.memory_space<hbm>>)
      tpu.yield
    }) : () -> ()
    return
  }
}

#map = affine_map<(d0, d1) -> (0, 0)>
#map1 = affine_map<(d0, d1) -> (0)>
#map2 = affine_map<(d0, d1) -> (0, 0, 0)>
module attributes {stable_mosaic.version = 14 : i64} {
  func.func @_sc_agg(%arg0: i32, %arg1: i32, %arg2: memref<10000x128xf32, #tpu.memory_space<hbm>>, %arg3: memref<327680xi32, #tpu.memory_space<hbm>>, %arg4: memref<2560x128xi32, #tpu.memory_space<hbm>>, %arg5: memref<2x10240x128xf32, #tpu.memory_space<hbm>>, %arg6: memref<15872xi32, #tpu.memory_space<vmem>>, %arg7: memref<1x128xi32, #tpu.memory_space<vmem>>, %arg8: memref<1x128xi32, #tpu.memory_space<vmem>>, %arg9: memref<128x128xf32, #tpu.memory_space<vmem>>, %arg10: memref<128x128xf32, #tpu.memory_space<vmem>>, %arg11: memref<10240x128xf32, #tpu.memory_space<vmem_shared>>, %arg12: memref<!tpu.dma_semaphore, #tpu.memory_space<semaphore_mem>>, %arg13: memref<!tpu.dma_semaphore, #tpu.memory_space<semaphore_mem>>, %arg14: memref<!tpu.dma_semaphore, #tpu.memory_space<semaphore_mem>>, %arg15: memref<!tpu.dma_semaphore, #tpu.memory_space<semaphore_mem>>) attributes {dimension_semantics = [#tpu.dimension_semantics<core_parallel>, #tpu.dimension_semantics<subcore_parallel>], iteration_bounds = array<i64: 2, 16>, scalar_prefetch = 0 : i64, scratch_operands = 10 : i64, tpu.core_type = #tpu.core_type<sc_vector_subcore>, window_params = [{transform_indices = #map}, {transform_indices = #map1}, {transform_indices = #map}, {transform_indices = #map2}]} {
    %broadcast_in_dim3A = arith.constant 0.000000e+00 : f32
    %broadcast_in_dim3A_0 = vector.broadcast %broadcast_in_dim3A : f32 to vector<16xf32>
    %scan3A = arith.constant 0 : i32
    %scan3A_1 = arith.constant 0 : i32
    %scan3A_2 = arith.constant 128 : i32
    %scan3A_3 = arith.addi %scan3A_1, %scan3A_2 : i32
    %scan3A_4 = arith.constant 1 : i32
    scf.for %scan3A_152 = %scan3A_1 to %scan3A_3 step %scan3A_4  : i32 {
      %swap3A = arith.index_cast %scan3A_152 : i32 to index
      %swap3A_153 = arith.constant 0 : index
      %swap3A_154 = tpu.vector_load %arg9[%swap3A, %swap3A_153] {strides = array<i32>} : memref<128x128xf32, #tpu.memory_space<vmem>>, vector<1x16xf32>,
      %swap3A_155 = vector.shape_cast %swap3A_154 : vector<1x16xf32> to vector<16xf32>
      %swap3A_156 = vector.shape_cast %broadcast_in_dim3A_0 : vector<16xf32> to vector<1x16xf32>
      tpu.vector_store %arg9[%swap3A, %swap3A_153], %swap3A_156 {strides = array<i32>} : memref<128x128xf32, #tpu.memory_space<vmem>>, vector<1x16xf32>,
      %swap3A_157 = arith.index_cast %scan3A_152 : i32 to index
      %swap3A_158 = arith.constant 16 : index
      %swap3A_159 = tpu.vector_load %arg9[%swap3A_157, %swap3A_158] {strides = array<i32>} : memref<128x128xf32, #tpu.memory_space<vmem>>, vector<1x16xf32>,
      %swap3A_160 = vector.shape_cast %swap3A_159 : vector<1x16xf32> to vector<16xf32>
      %swap3A_161 = vector.shape_cast %broadcast_in_dim3A_0 : vector<16xf32> to vector<1x16xf32>
      tpu.vector_store %arg9[%swap3A_157, %swap3A_158], %swap3A_161 {strides = array<i32>} : memref<128x128xf32, #tpu.memory_space<vmem>>, vector<1x16xf32>,
      %swap3A_162 = arith.index_cast %scan3A_152 : i32 to index
      %swap3A_163 = arith.constant 32 : index
      %swap3A_164 = tpu.vector_load %arg9[%swap3A_162, %swap3A_163] {strides = array<i32>} : memref<128x128xf32, #tpu.memory_space<vmem>>, vector<1x16xf32>,
      %swap3A_165 = vector.shape_cast %swap3A_164 : vector<1x16xf32> to vector<16xf32>
      %swap3A_166 = vector.shape_cast %broadcast_in_dim3A_0 : vector<16xf32> to vector<1x16xf32>
      tpu.vector_store %arg9[%swap3A_162, %swap3A_163], %swap3A_166 {strides = array<i32>} : memref<128x128xf32, #tpu.memory_space<vmem>>, vector<1x16xf32>,
      %swap3A_167 = arith.index_cast %scan3A_152 : i32 to index
      %swap3A_168 = arith.constant 48 : index
      %swap3A_169 = tpu.vector_load %arg9[%swap3A_167, %swap3A_168] {strides = array<i32>} : memref<128x128xf32, #tpu.memory_space<vmem>>, vector<1x16xf32>,
      %swap3A_170 = vector.shape_cast %swap3A_169 : vector<1x16xf32> to vector<16xf32>
      %swap3A_171 = vector.shape_cast %broadcast_in_dim3A_0 : vector<16xf32> to vector<1x16xf32>
      tpu.vector_store %arg9[%swap3A_167, %swap3A_168], %swap3A_171 {strides = array<i32>} : memref<128x128xf32, #tpu.memory_space<vmem>>, vector<1x16xf32>,
      %swap3A_172 = arith.index_cast %scan3A_152 : i32 to index
      %swap3A_173 = arith.constant 64 : index
      %swap3A_174 = tpu.vector_load %arg9[%swap3A_172, %swap3A_173] {strides = array<i32>} : memref<128x128xf32, #tpu.memory_space<vmem>>, vector<1x16xf32>,
      %swap3A_175 = vector.shape_cast %swap3A_174 : vector<1x16xf32> to vector<16xf32>
      %swap3A_176 = vector.shape_cast %broadcast_in_dim3A_0 : vector<16xf32> to vector<1x16xf32>
      tpu.vector_store %arg9[%swap3A_172, %swap3A_173], %swap3A_176 {strides = array<i32>} : memref<128x128xf32, #tpu.memory_space<vmem>>, vector<1x16xf32>,
      %swap3A_177 = arith.index_cast %scan3A_152 : i32 to index
      %swap3A_178 = arith.constant 80 : index
      %swap3A_179 = tpu.vector_load %arg9[%swap3A_177, %swap3A_178] {strides = array<i32>} : memref<128x128xf32, #tpu.memory_space<vmem>>, vector<1x16xf32>,
      %swap3A_180 = vector.shape_cast %swap3A_179 : vector<1x16xf32> to vector<16xf32>
      %swap3A_181 = vector.shape_cast %broadcast_in_dim3A_0 : vector<16xf32> to vector<1x16xf32>
      tpu.vector_store %arg9[%swap3A_177, %swap3A_178], %swap3A_181 {strides = array<i32>} : memref<128x128xf32, #tpu.memory_space<vmem>>, vector<1x16xf32>,
      %swap3A_182 = arith.index_cast %scan3A_152 : i32 to index
      %swap3A_183 = arith.constant 96 : index
      %swap3A_184 = tpu.vector_load %arg9[%swap3A_182, %swap3A_183] {strides = array<i32>} : memref<128x128xf32, #tpu.memory_space<vmem>>, vector<1x16xf32>,
      %swap3A_185 = vector.shape_cast %swap3A_184 : vector<1x16xf32> to vector<16xf32>
      %swap3A_186 = vector.shape_cast %broadcast_in_dim3A_0 : vector<16xf32> to vector<1x16xf32>
      tpu.vector_store %arg9[%swap3A_182, %swap3A_183], %swap3A_186 {strides = array<i32>} : memref<128x128xf32, #tpu.memory_space<vmem>>, vector<1x16xf32>,
      %swap3A_187 = arith.index_cast %scan3A_152 : i32 to index
      %swap3A_188 = arith.constant 112 : index
      %swap3A_189 = tpu.vector_load %arg9[%swap3A_187, %swap3A_188] {strides = array<i32>} : memref<128x128xf32, #tpu.memory_space<vmem>>, vector<1x16xf32>,
      %swap3A_190 = vector.shape_cast %swap3A_189 : vector<1x16xf32> to vector<16xf32>
      %swap3A_191 = vector.shape_cast %broadcast_in_dim3A_0 : vector<16xf32> to vector<1x16xf32>
      tpu.vector_store %arg9[%swap3A_187, %swap3A_188], %swap3A_191 {strides = array<i32>} : memref<128x128xf32, #tpu.memory_space<vmem>>, vector<1x16xf32>,
    }
    %scan3A_5 = arith.constant 128 : i32
    %mul3A = arith.constant 640 : i32
    %mul3A_6 = arith.muli %arg1, %mul3A : i32
    %add3A = arith.constant 0 : i32
    %add3A_7 = arith.addi %mul3A_6, %add3A : i32
    "tpu.region"() ({
      %run_scoped3A_152 = tpu.sem_alloc : memref<!tpu.dma_semaphore, #tpu.memory_space<semaphore_mem>>
      %dma_start3A_153 = arith.constant 0 : i32
      %dma_start3A_154 = tpu.memref_slice %arg11[%add3A_7, %dma_start3A_153] : memref<10240x128xf32, #tpu.memory_space<vmem_shared>> -> memref<128x128xf32, #tpu.memory_space<vmem_shared>>
      %dma_start3A_155 = arith.constant 0 : i32
      %dma_start3A_156 = tpu.memref_slice %arg11[%add3A_7, %dma_start3A_155] : memref<10240x128xf32, #tpu.memory_space<vmem_shared>> -> memref<128x128xf32, #tpu.memory_space<vmem_shared>>
      tpu.enqueue_dma source(%arg9 : memref<128x128xf32, #tpu.memory_space<vmem>>) target(%dma_start3A_156 : memref<128x128xf32, #tpu.memory_space<vmem_shared>>) target_semaphore(%run_scoped3A_152 : memref<!tpu.dma_semaphore, #tpu.memory_space<semaphore_mem>>)
      %dma_wait3A_157 = arith.constant 0 : i32
      %dma_wait3A_158 = tpu.memref_slice %arg11[%add3A_7, %dma_wait3A_157] : memref<10240x128xf32, #tpu.memory_space<vmem_shared>> -> memref<128x128xf32, #tpu.memory_space<vmem_shared>>
      %dma_wait3A_159 = arith.constant 0 : i32
      %dma_wait3A_160 = tpu.memref_slice %arg11[%add3A_7, %dma_wait3A_159] : memref<10240x128xf32, #tpu.memory_space<vmem_shared>> -> memref<128x128xf32, #tpu.memory_space<vmem_shared>>
      tpu.wait_dma2 semaphore(%run_scoped3A_152 : memref<!tpu.dma_semaphore, #tpu.memory_space<semaphore_mem>>) src(%arg9 : memref<128x128xf32, #tpu.memory_space<vmem>>) dst(%dma_wait3A_160 : memref<128x128xf32, #tpu.memory_space<vmem_shared>>)
      tpu.yield
    }) : () -> ()
    %add3A_8 = arith.constant 128 : i32
    %add3A_9 = arith.addi %mul3A_6, %add3A_8 : i32
    "tpu.region"() ({
      %run_scoped3A_152 = tpu.sem_alloc : memref<!tpu.dma_semaphore, #tpu.memory_space<semaphore_mem>>
      %dma_start3A_153 = arith.constant 0 : i32
      %dma_start3A_154 = tpu.memref_slice %arg11[%add3A_9, %dma_start3A_153] : memref<10240x128xf32, #tpu.memory_space<vmem_shared>> -> memref<128x128xf32, #tpu.memory_space<vmem_shared>>
      %dma_start3A_155 = arith.constant 0 : i32
      %dma_start3A_156 = tpu.memref_slice %arg11[%add3A_9, %dma_start3A_155] : memref<10240x128xf32, #tpu.memory_space<vmem_shared>> -> memref<128x128xf32, #tpu.memory_space<vmem_shared>>
      tpu.enqueue_dma source(%arg9 : memref<128x128xf32, #tpu.memory_space<vmem>>) target(%dma_start3A_156 : memref<128x128xf32, #tpu.memory_space<vmem_shared>>) target_semaphore(%run_scoped3A_152 : memref<!tpu.dma_semaphore, #tpu.memory_space<semaphore_mem>>)
      %dma_wait3A_157 = arith.constant 0 : i32
      %dma_wait3A_158 = tpu.memref_slice %arg11[%add3A_9, %dma_wait3A_157] : memref<10240x128xf32, #tpu.memory_space<vmem_shared>> -> memref<128x128xf32, #tpu.memory_space<vmem_shared>>
      %dma_wait3A_159 = arith.constant 0 : i32
      %dma_wait3A_160 = tpu.memref_slice %arg11[%add3A_9, %dma_wait3A_159] : memref<10240x128xf32, #tpu.memory_space<vmem_shared>> -> memref<128x128xf32, #tpu.memory_space<vmem_shared>>
      tpu.wait_dma2 semaphore(%run_scoped3A_152 : memref<!tpu.dma_semaphore, #tpu.memory_space<semaphore_mem>>) src(%arg9 : memref<128x128xf32, #tpu.memory_space<vmem>>) dst(%dma_wait3A_160 : memref<128x128xf32, #tpu.memory_space<vmem_shared>>)
      tpu.yield
    }) : () -> ()
    %add3A_10 = arith.constant 256 : i32
    %add3A_11 = arith.addi %mul3A_6, %add3A_10 : i32
    "tpu.region"() ({
      %run_scoped3A_152 = tpu.sem_alloc : memref<!tpu.dma_semaphore, #tpu.memory_space<semaphore_mem>>
      %dma_start3A_153 = arith.constant 0 : i32
      %dma_start3A_154 = tpu.memref_slice %arg11[%add3A_11, %dma_start3A_153] : memref<10240x128xf32, #tpu.memory_space<vmem_shared>> -> memref<128x128xf32, #tpu.memory_space<vmem_shared>>
      %dma_start3A_155 = arith.constant 0 : i32
      %dma_start3A_156 = tpu.memref_slice %arg11[%add3A_11, %dma_start3A_155] : memref<10240x128xf32, #tpu.memory_space<vmem_shared>> -> memref<128x128xf32, #tpu.memory_space<vmem_shared>>
      tpu.enqueue_dma source(%arg9 : memref<128x128xf32, #tpu.memory_space<vmem>>) target(%dma_start3A_156 : memref<128x128xf32, #tpu.memory_space<vmem_shared>>) target_semaphore(%run_scoped3A_152 : memref<!tpu.dma_semaphore, #tpu.memory_space<semaphore_mem>>)
      %dma_wait3A_157 = arith.constant 0 : i32
      %dma_wait3A_158 = tpu.memref_slice %arg11[%add3A_11, %dma_wait3A_157] : memref<10240x128xf32, #tpu.memory_space<vmem_shared>> -> memref<128x128xf32, #tpu.memory_space<vmem_shared>>
      %dma_wait3A_159 = arith.constant 0 : i32
      %dma_wait3A_160 = tpu.memref_slice %arg11[%add3A_11, %dma_wait3A_159] : memref<10240x128xf32, #tpu.memory_space<vmem_shared>> -> memref<128x128xf32, #tpu.memory_space<vmem_shared>>
      tpu.wait_dma2 semaphore(%run_scoped3A_152 : memref<!tpu.dma_semaphore, #tpu.memory_space<semaphore_mem>>) src(%arg9 : memref<128x128xf32, #tpu.memory_space<vmem>>) dst(%dma_wait3A_160 : memref<128x128xf32, #tpu.memory_space<vmem_shared>>)
      tpu.yield
    }) : () -> ()
    %add3A_12 = arith.constant 384 : i32
    %add3A_13 = arith.addi %mul3A_6, %add3A_12 : i32
    "tpu.region"() ({
      %run_scoped3A_152 = tpu.sem_alloc : memref<!tpu.dma_semaphore, #tpu.memory_space<semaphore_mem>>
      %dma_start3A_153 = arith.constant 0 : i32
      %dma_start3A_154 = tpu.memref_slice %arg11[%add3A_13, %dma_start3A_153] : memref<10240x128xf32, #tpu.memory_space<vmem_shared>> -> memref<128x128xf32, #tpu.memory_space<vmem_shared>>
      %dma_start3A_155 = arith.constant 0 : i32
      %dma_start3A_156 = tpu.memref_slice %arg11[%add3A_13, %dma_start3A_155] : memref<10240x128xf32, #tpu.memory_space<vmem_shared>> -> memref<128x128xf32, #tpu.memory_space<vmem_shared>>
      tpu.enqueue_dma source(%arg9 : memref<128x128xf32, #tpu.memory_space<vmem>>) target(%dma_start3A_156 : memref<128x128xf32, #tpu.memory_space<vmem_shared>>) target_semaphore(%run_scoped3A_152 : memref<!tpu.dma_semaphore, #tpu.memory_space<semaphore_mem>>)
      %dma_wait3A_157 = arith.constant 0 : i32
      %dma_wait3A_158 = tpu.memref_slice %arg11[%add3A_13, %dma_wait3A_157] : memref<10240x128xf32, #tpu.memory_space<vmem_shared>> -> memref<128x128xf32, #tpu.memory_space<vmem_shared>>
      %dma_wait3A_159 = arith.constant 0 : i32
      %dma_wait3A_160 = tpu.memref_slice %arg11[%add3A_13, %dma_wait3A_159] : memref<10240x128xf32, #tpu.memory_space<vmem_shared>> -> memref<128x128xf32, #tpu.memory_space<vmem_shared>>
      tpu.wait_dma2 semaphore(%run_scoped3A_152 : memref<!tpu.dma_semaphore, #tpu.memory_space<semaphore_mem>>) src(%arg9 : memref<128x128xf32, #tpu.memory_space<vmem>>) dst(%dma_wait3A_160 : memref<128x128xf32, #tpu.memory_space<vmem_shared>>)
      tpu.yield
    }) : () -> ()
    %add3A_14 = arith.constant 512 : i32
    %add3A_15 = arith.addi %mul3A_6, %add3A_14 : i32
    "tpu.region"() ({
      %run_scoped3A_152 = tpu.sem_alloc : memref<!tpu.dma_semaphore, #tpu.memory_space<semaphore_mem>>
      %dma_start3A_153 = arith.constant 0 : i32
      %dma_start3A_154 = tpu.memref_slice %arg11[%add3A_15, %dma_start3A_153] : memref<10240x128xf32, #tpu.memory_space<vmem_shared>> -> memref<128x128xf32, #tpu.memory_space<vmem_shared>>
      %dma_start3A_155 = arith.constant 0 : i32
      %dma_start3A_156 = tpu.memref_slice %arg11[%add3A_15, %dma_start3A_155] : memref<10240x128xf32, #tpu.memory_space<vmem_shared>> -> memref<128x128xf32, #tpu.memory_space<vmem_shared>>
      tpu.enqueue_dma source(%arg9 : memref<128x128xf32, #tpu.memory_space<vmem>>) target(%dma_start3A_156 : memref<128x128xf32, #tpu.memory_space<vmem_shared>>) target_semaphore(%run_scoped3A_152 : memref<!tpu.dma_semaphore, #tpu.memory_space<semaphore_mem>>)
      %dma_wait3A_157 = arith.constant 0 : i32
      %dma_wait3A_158 = tpu.memref_slice %arg11[%add3A_15, %dma_wait3A_157] : memref<10240x128xf32, #tpu.memory_space<vmem_shared>> -> memref<128x128xf32, #tpu.memory_space<vmem_shared>>
      %dma_wait3A_159 = arith.constant 0 : i32
      %dma_wait3A_160 = tpu.memref_slice %arg11[%add3A_15, %dma_wait3A_159] : memref<10240x128xf32, #tpu.memory_space<vmem_shared>> -> memref<128x128xf32, #tpu.memory_space<vmem_shared>>
      tpu.wait_dma2 semaphore(%run_scoped3A_152 : memref<!tpu.dma_semaphore, #tpu.memory_space<semaphore_mem>>) src(%arg9 : memref<128x128xf32, #tpu.memory_space<vmem>>) dst(%dma_wait3A_160 : memref<128x128xf32, #tpu.memory_space<vmem_shared>>)
      tpu.yield
    }) : () -> ()
    %eq3A = arith.constant 0 : i32
    %eq3A_16 = arith.cmpi eq, %arg0, %eq3A : i32
    %convert_element_type3A = arith.extui %eq3A_16 : i1 to i32
    %cond3A = arith.constant 0 : i32
    %cond3A_17 = arith.cmpi ne, %convert_element_type3A, %cond3A : i32
    scf.if %cond3A_17 {
      %mul3A_152 = arith.constant 15872 : i32
      %mul3A_153 = arith.muli %arg1, %mul3A_152 : i32
      "tpu.region"() ({
        %run_scoped3A_154 = tpu.sem_alloc : memref<!tpu.dma_semaphore, #tpu.memory_space<semaphore_mem>>
        %dma_start3A_155 = tpu.memref_slice %arg3[%mul3A_153] : memref<327680xi32, #tpu.memory_space<hbm>> -> memref<15872xi32, #tpu.memory_space<hbm>>
        %dma_start3A_156 = tpu.memref_slice %arg3[%mul3A_153] : memref<327680xi32, #tpu.memory_space<hbm>> -> memref<15872xi32, #tpu.memory_space<hbm>>
        tpu.enqueue_dma source(%dma_start3A_156 : memref<15872xi32, #tpu.memory_space<hbm>>) target(%arg6 : memref<15872xi32, #tpu.memory_space<vmem>>) target_semaphore(%run_scoped3A_154 : memref<!tpu.dma_semaphore, #tpu.memory_space<semaphore_mem>>)
        %dma_wait3A_157 = tpu.memref_slice %arg3[%mul3A_153] : memref<327680xi32, #tpu.memory_space<hbm>> -> memref<15872xi32, #tpu.memory_space<hbm>>
        %dma_wait3A_158 = tpu.memref_slice %arg3[%mul3A_153] : memref<327680xi32, #tpu.memory_space<hbm>> -> memref<15872xi32, #tpu.memory_space<hbm>>
        tpu.wait_dma2 semaphore(%run_scoped3A_154 : memref<!tpu.dma_semaphore, #tpu.memory_space<semaphore_mem>>) src(%dma_wait3A_158 : memref<15872xi32, #tpu.memory_space<hbm>>) dst(%arg6 : memref<15872xi32, #tpu.memory_space<vmem>>)
        tpu.yield
      }) : () -> ()
    } else {
    }
    %eq3A_18 = arith.constant 1 : i32
    %eq3A_19 = arith.cmpi eq, %arg0, %eq3A_18 : i32
    %convert_element_type3A_20 = arith.extui %eq3A_19 : i1 to i32
    %cond3A_21 = arith.constant 0 : i32
    %cond3A_22 = arith.cmpi ne, %convert_element_type3A_20, %cond3A_21 : i32
    scf.if %cond3A_22 {
      %mul3A_152 = arith.constant 4608 : i32
      %mul3A_153 = arith.muli %arg1, %mul3A_152 : i32
      %add3A_154 = arith.constant 253952 : i32
      %add3A_155 = arith.addi %add3A_154, %mul3A_153 : i32
      "tpu.region"() ({
        %run_scoped3A_156 = tpu.sem_alloc : memref<!tpu.dma_semaphore, #tpu.memory_space<semaphore_mem>>
        %dma_start3A_157 = arith.constant 0 : i32
        %dma_start3A_158 = tpu.memref_slice %arg6[%dma_start3A_157] : memref<15872xi32, #tpu.memory_space<vmem>> -> memref<4608xi32, #tpu.memory_space<vmem>>
        %dma_start3A_159 = tpu.memref_slice %arg3[%add3A_155] : memref<327680xi32, #tpu.memory_space<hbm>> -> memref<4608xi32, #tpu.memory_space<hbm>>
        %dma_start3A_160 = arith.constant 0 : i32
        %dma_start3A_161 = tpu.memref_slice %arg6[%dma_start3A_160] : memref<15872xi32, #tpu.memory_space<vmem>> -> memref<4608xi32, #tpu.memory_space<vmem>>
        %dma_start3A_162 = tpu.memref_slice %arg3[%add3A_155] : memref<327680xi32, #tpu.memory_space<hbm>> -> memref<4608xi32, #tpu.memory_space<hbm>>
        tpu.enqueue_dma source(%dma_start3A_162 : memref<4608xi32, #tpu.memory_space<hbm>>) target(%dma_start3A_161 : memref<4608xi32, #tpu.memory_space<vmem>>) target_semaphore(%run_scoped3A_156 : memref<!tpu.dma_semaphore, #tpu.memory_space<semaphore_mem>>)
        %dma_wait3A_163 = arith.constant 0 : i32
        %dma_wait3A_164 = tpu.memref_slice %arg6[%dma_wait3A_163] : memref<15872xi32, #tpu.memory_space<vmem>> -> memref<4608xi32, #tpu.memory_space<vmem>>
        %dma_wait3A_165 = tpu.memref_slice %arg3[%add3A_155] : memref<327680xi32, #tpu.memory_space<hbm>> -> memref<4608xi32, #tpu.memory_space<hbm>>
        %dma_wait3A_166 = arith.constant 0 : i32
        %dma_wait3A_167 = tpu.memref_slice %arg6[%dma_wait3A_166] : memref<15872xi32, #tpu.memory_space<vmem>> -> memref<4608xi32, #tpu.memory_space<vmem>>
        %dma_wait3A_168 = tpu.memref_slice %arg3[%add3A_155] : memref<327680xi32, #tpu.memory_space<hbm>> -> memref<4608xi32, #tpu.memory_space<hbm>>
        tpu.wait_dma2 semaphore(%run_scoped3A_156 : memref<!tpu.dma_semaphore, #tpu.memory_space<semaphore_mem>>) src(%dma_wait3A_168 : memref<4608xi32, #tpu.memory_space<hbm>>) dst(%dma_wait3A_167 : memref<4608xi32, #tpu.memory_space<vmem>>)
        tpu.yield
      }) : () -> ()
    } else {
    }
    %barrier3A = arith.constant 0 : index
    tpu.barrier barrier_id(%barrier3A)
    %eq3A_23 = arith.constant 0 : i32
    %eq3A_24 = arith.cmpi eq, %arg0, %eq3A_23 : i32
    %jit3A = arith.constant 124 : i32
    %jit3A_25 = arith.constant 36 : i32
    %select_n3A = arith.select %eq3A_24, %jit3A, %jit3A_25 : i32
    %eq3A_26 = arith.constant 0 : i32
    %eq3A_27 = arith.cmpi eq, %arg0, %eq3A_26 : i32
    %mul3A_28 = arith.constant 124 : i32
    %mul3A_29 = arith.muli %arg1, %mul3A_28 : i32
    %mul3A_30 = arith.constant 36 : i32
    %mul3A_31 = arith.muli %arg1, %mul3A_30 : i32
    %add3A_32 = arith.constant 1984 : i32
    %add3A_33 = arith.addi %add3A_32, %mul3A_31 : i32
    %select_n3A_34 = arith.select %eq3A_27, %mul3A_29, %add3A_33 : i32
    %add3A_35 = arith.constant 0 : i32
    %add3A_36 = arith.addi %select_n3A_34, %add3A_35 : i32
    %dma_start3A = arith.constant 0 : i32
    %dma_start3A_37 = arith.constant 0 : i32
    %dma_start3A_38 = tpu.memref_slice %arg7[%dma_start3A, %dma_start3A_37] : memref<1x128xi32, #tpu.memory_space<vmem>> -> memref<1x128xi32, #tpu.memory_space<vmem>>
    %dma_start3A_39 = tpu.memref_squeeze %dma_start3A_38 : memref<1x128xi32, #tpu.memory_space<vmem>> -> memref<128xi32, #tpu.memory_space<vmem>>
    %dma_start3A_40 = arith.constant 0 : i32
    %dma_start3A_41 = tpu.memref_slice %arg4[%add3A_36, %dma_start3A_40] : memref<2560x128xi32, #tpu.memory_space<hbm>> -> memref<1x128xi32, #tpu.memory_space<hbm>>
    %dma_start3A_42 = tpu.memref_squeeze %dma_start3A_41 : memref<1x128xi32, #tpu.memory_space<hbm>> -> memref<128xi32, #tpu.memory_space<hbm>>
    %dma_start3A_43 = arith.constant 0 : i32
    %dma_start3A_44 = tpu.memref_slice %arg7[%dma_start3A, %dma_start3A_43] : memref<1x128xi32, #tpu.memory_space<vmem>> -> memref<1x128xi32, #tpu.memory_space<vmem>>
    %dma_start3A_45 = tpu.memref_squeeze %dma_start3A_44 : memref<1x128xi32, #tpu.memory_space<vmem>> -> memref<128xi32, #tpu.memory_space<vmem>>
    %dma_start3A_46 = arith.constant 0 : i32
    %dma_start3A_47 = tpu.memref_slice %arg4[%add3A_36, %dma_start3A_46] : memref<2560x128xi32, #tpu.memory_space<hbm>> -> memref<1x128xi32, #tpu.memory_space<hbm>>
    %dma_start3A_48 = tpu.memref_squeeze %dma_start3A_47 : memref<1x128xi32, #tpu.memory_space<hbm>> -> memref<128xi32, #tpu.memory_space<hbm>>
    tpu.enqueue_dma source(%dma_start3A_48 : memref<128xi32, #tpu.memory_space<hbm>>) target(%dma_start3A_45 : memref<128xi32, #tpu.memory_space<vmem>>) target_semaphore(%arg14 : memref<!tpu.dma_semaphore, #tpu.memory_space<semaphore_mem>>)
    %dma_start3A_49 = arith.constant 0 : i32
    %dma_start3A_50 = tpu.memref_slice %arg6[%dma_start3A_49] : memref<15872xi32, #tpu.memory_space<vmem>> -> memref<128xi32, #tpu.memory_space<vmem>>
    %dma_start3A_51 = arith.constant 0 : i32
    %dma_start3A_52 = arith.constant 0 : i32
    %dma_start3A_53 = tpu.memref_slice %arg2[%dma_start3A_51, %dma_start3A_52] : memref<10000x128xf32, #tpu.memory_space<hbm>> -> memref<10000x128xf32, #tpu.memory_space<hbm>>
    tpu.enqueue_indirect_dma source(%dma_start3A_53 : memref<10000x128xf32, #tpu.memory_space<hbm>>) target(%arg9 : memref<128x128xf32, #tpu.memory_space<vmem>>) offsets(%dma_start3A_50 : memref<128xi32, #tpu.memory_space<vmem>>) semaphore(%arg12 : memref<!tpu.dma_semaphore, #tpu.memory_space<semaphore_mem>>)
    %add3A_54 = arith.constant 1 : i32
    %add3A_55 = arith.addi %select_n3A_34, %add3A_54 : i32
    %dma_start3A_56 = arith.constant 0 : i32
    %dma_start3A_57 = arith.constant 0 : i32
    %dma_start3A_58 = tpu.memref_slice %arg8[%dma_start3A_56, %dma_start3A_57] : memref<1x128xi32, #tpu.memory_space<vmem>> -> memref<1x128xi32, #tpu.memory_space<vmem>>
    %dma_start3A_59 = tpu.memref_squeeze %dma_start3A_58 : memref<1x128xi32, #tpu.memory_space<vmem>> -> memref<128xi32, #tpu.memory_space<vmem>>
    %dma_start3A_60 = arith.constant 0 : i32
    %dma_start3A_61 = tpu.memref_slice %arg4[%add3A_55, %dma_start3A_60] : memref<2560x128xi32, #tpu.memory_space<hbm>> -> memref<1x128xi32, #tpu.memory_space<hbm>>
    %dma_start3A_62 = tpu.memref_squeeze %dma_start3A_61 : memref<1x128xi32, #tpu.memory_space<hbm>> -> memref<128xi32, #tpu.memory_space<hbm>>
    %dma_start3A_63 = arith.constant 0 : i32
    %dma_start3A_64 = tpu.memref_slice %arg8[%dma_start3A_56, %dma_start3A_63] : memref<1x128xi32, #tpu.memory_space<vmem>> -> memref<1x128xi32, #tpu.memory_space<vmem>>
    %dma_start3A_65 = tpu.memref_squeeze %dma_start3A_64 : memref<1x128xi32, #tpu.memory_space<vmem>> -> memref<128xi32, #tpu.memory_space<vmem>>
    %dma_start3A_66 = arith.constant 0 : i32
    %dma_start3A_67 = tpu.memref_slice %arg4[%add3A_55, %dma_start3A_66] : memref<2560x128xi32, #tpu.memory_space<hbm>> -> memref<1x128xi32, #tpu.memory_space<hbm>>
    %dma_start3A_68 = tpu.memref_squeeze %dma_start3A_67 : memref<1x128xi32, #tpu.memory_space<hbm>> -> memref<128xi32, #tpu.memory_space<hbm>>
    tpu.enqueue_dma source(%dma_start3A_68 : memref<128xi32, #tpu.memory_space<hbm>>) target(%dma_start3A_65 : memref<128xi32, #tpu.memory_space<vmem>>) target_semaphore(%arg15 : memref<!tpu.dma_semaphore, #tpu.memory_space<semaphore_mem>>)
    %dma_start3A_69 = arith.constant 128 : i32
    %dma_start3A_70 = tpu.memref_slice %arg6[%dma_start3A_69] : memref<15872xi32, #tpu.memory_space<vmem>> -> memref<128xi32, #tpu.memory_space<vmem>>
    %dma_start3A_71 = arith.constant 0 : i32
    %dma_start3A_72 = arith.constant 0 : i32
    %dma_start3A_73 = tpu.memref_slice %arg2[%dma_start3A_71, %dma_start3A_72] : memref<10000x128xf32, #tpu.memory_space<hbm>> -> memref<10000x128xf32, #tpu.memory_space<hbm>>
    tpu.enqueue_indirect_dma source(%dma_start3A_73 : memref<10000x128xf32, #tpu.memory_space<hbm>>) target(%arg10 : memref<128x128xf32, #tpu.memory_space<vmem>>) offsets(%dma_start3A_70 : memref<128xi32, #tpu.memory_space<vmem>>) semaphore(%arg13 : memref<!tpu.dma_semaphore, #tpu.memory_space<semaphore_mem>>)
    %jit3A_74 = arith.constant 2 : i32
    %div3A = arith.divsi %select_n3A, %jit3A_74 : i32
    %sign3A = arith.constant 0 : i32
    %sign3A_75 = arith.cmpi sgt, %select_n3A, %sign3A : i32
    %sign3A_76 = arith.extui %sign3A_75 : i1 to i32
    %sign3A_77 = arith.constant 0 : i32
    %sign3A_78 = arith.cmpi slt, %select_n3A, %sign3A_77 : i32
    %sign3A_79 = arith.extui %sign3A_78 : i1 to i32
    %sign3A_80 = arith.subi %sign3A_76, %sign3A_79 : i32
    %sign3A_81 = arith.constant 0 : i32
    %sign3A_82 = arith.cmpi sgt, %jit3A_74, %sign3A_81 : i32
    %sign3A_83 = arith.extui %sign3A_82 : i1 to i32
    %sign3A_84 = arith.constant 0 : i32
    %sign3A_85 = arith.cmpi slt, %jit3A_74, %sign3A_84 : i32
    %sign3A_86 = arith.extui %sign3A_85 : i1 to i32
    %sign3A_87 = arith.subi %sign3A_83, %sign3A_86 : i32
    %ne3A = arith.cmpi ne, %sign3A_80, %sign3A_87 : i32
    %rem3A = arith.remsi %select_n3A, %jit3A_74 : i32
    %ne3A_88 = arith.constant 0 : i32
    %ne3A_89 = arith.cmpi ne, %rem3A, %ne3A_88 : i32
    %and3A = arith.andi %ne3A, %ne3A_89 : i1
    %sub3A = arith.constant 1 : i32
    %sub3A_90 = arith.subi %div3A, %sub3A : i32
    %select_n3A_91 = arith.select %and3A, %sub3A_90, %div3A : i32
    %sub3A_92 = arith.constant 1 : i32
    %sub3A_93 = arith.subi %select_n3A_91, %sub3A_92 : i32
    %while3A = arith.constant 0 : i32
    %while3A_94 = arith.constant 0 : i32
    %while3A_95 = arith.subi %sub3A_93, %while3A_94 : i32
    %while3A_96 = arith.addi %while3A_94, %while3A_95 : i32
    %while3A_97 = arith.constant 1 : i32
    %while3A_98 = arith.divsi %while3A_95, %while3A_97 : i32
    %while3A_99 = arith.muli %while3A_98, %while3A_97 : i32
    %while3A_100 = arith.addi %while3A_94, %while3A_99 : i32
    %while3A_101 = arith.constant 1 : i32
    scf.for %while3A_152 = %while3A_94 to %while3A_100 step %while3A_101  : i32 {
      %mul3A_153 = arith.constant 2 : i32
      %mul3A_154 = arith.muli %mul3A_153, %while3A_152 : i32
      %add3A_155 = arith.constant 0 : i32
      %add3A_156 = arith.addi %mul3A_154, %add3A_155 : i32
      %mul3A_157 = arith.constant 128 : i32
      %mul3A_158 = arith.muli %add3A_156, %mul3A_157 : i32
      %dma_wait3A_159 = tpu.memref_slice %arg6[%mul3A_158] : memref<15872xi32, #tpu.memory_space<vmem>> -> memref<128xi32, #tpu.memory_space<vmem>>
      %dma_wait3A_160 = arith.constant 0 : i32
      %dma_wait3A_161 = arith.constant 0 : i32
      %dma_wait3A_162 = tpu.memref_slice %arg2[%dma_wait3A_160, %dma_wait3A_161] : memref<10000x128xf32, #tpu.memory_space<hbm>> -> memref<10000x128xf32, #tpu.memory_space<hbm>>
      tpu.wait_indirect_dma semaphore(%arg12 : memref<!tpu.dma_semaphore, #tpu.memory_space<semaphore_mem>>) src(%dma_wait3A_162 : memref<10000x128xf32, #tpu.memory_space<hbm>>) dst(%arg9 : memref<128x128xf32, #tpu.memory_space<vmem>>)
      %add3A_163 = arith.addi %select_n3A_34, %add3A_156 : i32
      %dma_wait3A_164 = arith.constant 0 : i32
      %dma_wait3A_165 = arith.constant 0 : i32
      %dma_wait3A_166 = tpu.memref_slice %arg7[%dma_wait3A_164, %dma_wait3A_165] : memref<1x128xi32, #tpu.memory_space<vmem>> -> memref<1x128xi32, #tpu.memory_space<vmem>>
      %dma_wait3A_167 = tpu.memref_squeeze %dma_wait3A_166 : memref<1x128xi32, #tpu.memory_space<vmem>> -> memref<128xi32, #tpu.memory_space<vmem>>
      %dma_wait3A_168 = arith.constant 0 : i32
      %dma_wait3A_169 = tpu.memref_slice %arg4[%add3A_163, %dma_wait3A_168] : memref<2560x128xi32, #tpu.memory_space<hbm>> -> memref<1x128xi32, #tpu.memory_space<hbm>>
      %dma_wait3A_170 = tpu.memref_squeeze %dma_wait3A_169 : memref<1x128xi32, #tpu.memory_space<hbm>> -> memref<128xi32, #tpu.memory_space<hbm>>
      %dma_wait3A_171 = arith.constant 0 : i32
      %dma_wait3A_172 = tpu.memref_slice %arg7[%dma_wait3A_164, %dma_wait3A_171] : memref<1x128xi32, #tpu.memory_space<vmem>> -> memref<1x128xi32, #tpu.memory_space<vmem>>
      %dma_wait3A_173 = tpu.memref_squeeze %dma_wait3A_172 : memref<1x128xi32, #tpu.memory_space<vmem>> -> memref<128xi32, #tpu.memory_space<vmem>>
      %dma_wait3A_174 = arith.constant 0 : i32
      %dma_wait3A_175 = tpu.memref_slice %arg4[%add3A_163, %dma_wait3A_174] : memref<2560x128xi32, #tpu.memory_space<hbm>> -> memref<1x128xi32, #tpu.memory_space<hbm>>
      %dma_wait3A_176 = tpu.memref_squeeze %dma_wait3A_175 : memref<1x128xi32, #tpu.memory_space<hbm>> -> memref<128xi32, #tpu.memory_space<hbm>>
      tpu.wait_dma2 semaphore(%arg14 : memref<!tpu.dma_semaphore, #tpu.memory_space<semaphore_mem>>) src(%dma_wait3A_176 : memref<128xi32, #tpu.memory_space<hbm>>) dst(%dma_wait3A_173 : memref<128xi32, #tpu.memory_space<vmem>>)
      %run_scoped3A_177 = arith.constant 0 : i32
      "tpu.region"() ({
        %run_scoped3A_249 = tpu.sem_alloc : memref<!tpu.dma_semaphore, #tpu.memory_space<semaphore_mem>>
        %dma_start3A_250 = arith.constant 0 : i32
        %dma_start3A_251 = tpu.memref_slice %arg7[%run_scoped3A_177, %dma_start3A_250] : memref<1x128xi32, #tpu.memory_space<vmem>> -> memref<1x128xi32, #tpu.memory_space<vmem>>
        %dma_start3A_252 = tpu.memref_squeeze %dma_start3A_251 : memref<1x128xi32, #tpu.memory_space<vmem>> -> memref<128xi32, #tpu.memory_space<vmem>>
        %dma_start3A_253 = arith.constant 0 : i32
        %dma_start3A_254 = arith.constant 0 : i32
        %dma_start3A_255 = tpu.memref_slice %arg11[%dma_start3A_253, %dma_start3A_254] : memref<10240x128xf32, #tpu.memory_space<vmem_shared>> -> memref<10240x128xf32, #tpu.memory_space<vmem_shared>>
        tpu.enqueue_indirect_dma source(%arg9 : memref<128x128xf32, #tpu.memory_space<vmem>>) target(%dma_start3A_255 : memref<10240x128xf32, #tpu.memory_space<vmem_shared>>) offsets(%dma_start3A_252 : memref<128xi32, #tpu.memory_space<vmem>>) semaphore(%run_scoped3A_249 : memref<!tpu.dma_semaphore, #tpu.memory_space<semaphore_mem>>) {add = true}
        %dma_wait3A_256 = arith.constant 0 : i32
        %dma_wait3A_257 = tpu.memref_slice %arg7[%run_scoped3A_177, %dma_wait3A_256] : memref<1x128xi32, #tpu.memory_space<vmem>> -> memref<1x128xi32, #tpu.memory_space<vmem>>
        %dma_wait3A_258 = tpu.memref_squeeze %dma_wait3A_257 : memref<1x128xi32, #tpu.memory_space<vmem>> -> memref<128xi32, #tpu.memory_space<vmem>>
        %dma_wait3A_259 = arith.constant 0 : i32
        %dma_wait3A_260 = arith.constant 0 : i32
        %dma_wait3A_261 = tpu.memref_slice %arg11[%dma_wait3A_259, %dma_wait3A_260] : memref<10240x128xf32, #tpu.memory_space<vmem_shared>> -> memref<10240x128xf32, #tpu.memory_space<vmem_shared>>
        tpu.wait_indirect_dma semaphore(%run_scoped3A_249 : memref<!tpu.dma_semaphore, #tpu.memory_space<semaphore_mem>>) src(%arg9 : memref<128x128xf32, #tpu.memory_space<vmem>>) dst(%dma_wait3A_261 : memref<10240x128xf32, #tpu.memory_space<vmem_shared>>)
        tpu.yield
      }) : () -> ()
      %add3A_178 = arith.constant 2 : i32
      %add3A_179 = arith.addi %add3A_156, %add3A_178 : i32
      %add3A_180 = arith.addi %select_n3A_34, %add3A_179 : i32
      %dma_start3A_181 = arith.constant 0 : i32
      %dma_start3A_182 = arith.constant 0 : i32
      %dma_start3A_183 = tpu.memref_slice %arg7[%dma_start3A_181, %dma_start3A_182] : memref<1x128xi32, #tpu.memory_space<vmem>> -> memref<1x128xi32, #tpu.memory_space<vmem>>
      %dma_start3A_184 = tpu.memref_squeeze %dma_start3A_183 : memref<1x128xi32, #tpu.memory_space<vmem>> -> memref<128xi32, #tpu.memory_space<vmem>>
      %dma_start3A_185 = arith.constant 0 : i32
      %dma_start3A_186 = tpu.memref_slice %arg4[%add3A_180, %dma_start3A_185] : memref<2560x128xi32, #tpu.memory_space<hbm>> -> memref<1x128xi32, #tpu.memory_space<hbm>>
      %dma_start3A_187 = tpu.memref_squeeze %dma_start3A_186 : memref<1x128xi32, #tpu.memory_space<hbm>> -> memref<128xi32, #tpu.memory_space<hbm>>
      %dma_start3A_188 = arith.constant 0 : i32
      %dma_start3A_189 = tpu.memref_slice %arg7[%dma_start3A_181, %dma_start3A_188] : memref<1x128xi32, #tpu.memory_space<vmem>> -> memref<1x128xi32, #tpu.memory_space<vmem>>
      %dma_start3A_190 = tpu.memref_squeeze %dma_start3A_189 : memref<1x128xi32, #tpu.memory_space<vmem>> -> memref<128xi32, #tpu.memory_space<vmem>>
      %dma_start3A_191 = arith.constant 0 : i32
      %dma_start3A_192 = tpu.memref_slice %arg4[%add3A_180, %dma_start3A_191] : memref<2560x128xi32, #tpu.memory_space<hbm>> -> memref<1x128xi32, #tpu.memory_space<hbm>>
      %dma_start3A_193 = tpu.memref_squeeze %dma_start3A_192 : memref<1x128xi32, #tpu.memory_space<hbm>> -> memref<128xi32, #tpu.memory_space<hbm>>
      tpu.enqueue_dma source(%dma_start3A_193 : memref<128xi32, #tpu.memory_space<hbm>>) target(%dma_start3A_190 : memref<128xi32, #tpu.memory_space<vmem>>) target_semaphore(%arg14 : memref<!tpu.dma_semaphore, #tpu.memory_space<semaphore_mem>>)
      %add3A_194 = arith.constant 2 : i32
      %add3A_195 = arith.addi %add3A_156, %add3A_194 : i32
      %mul3A_196 = arith.constant 128 : i32
      %mul3A_197 = arith.muli %add3A_195, %mul3A_196 : i32
      %dma_start3A_198 = tpu.memref_slice %arg6[%mul3A_197] : memref<15872xi32, #tpu.memory_space<vmem>> -> memref<128xi32, #tpu.memory_space<vmem>>
      %dma_start3A_199 = arith.constant 0 : i32
      %dma_start3A_200 = arith.constant 0 : i32
      %dma_start3A_201 = tpu.memref_slice %arg2[%dma_start3A_199, %dma_start3A_200] : memref<10000x128xf32, #tpu.memory_space<hbm>> -> memref<10000x128xf32, #tpu.memory_space<hbm>>
      tpu.enqueue_indirect_dma source(%dma_start3A_201 : memref<10000x128xf32, #tpu.memory_space<hbm>>) target(%arg9 : memref<128x128xf32, #tpu.memory_space<vmem>>) offsets(%dma_start3A_198 : memref<128xi32, #tpu.memory_space<vmem>>) semaphore(%arg12 : memref<!tpu.dma_semaphore, #tpu.memory_space<semaphore_mem>>)
      %add3A_202 = arith.constant 1 : i32
      %add3A_203 = arith.addi %mul3A_154, %add3A_202 : i32
      %mul3A_204 = arith.constant 128 : i32
      %mul3A_205 = arith.muli %add3A_203, %mul3A_204 : i32
      %dma_wait3A_206 = tpu.memref_slice %arg6[%mul3A_205] : memref<15872xi32, #tpu.memory_space<vmem>> -> memref<128xi32, #tpu.memory_space<vmem>>
      %dma_wait3A_207 = arith.constant 0 : i32
      %dma_wait3A_208 = arith.constant 0 : i32
      %dma_wait3A_209 = tpu.memref_slice %arg2[%dma_wait3A_207, %dma_wait3A_208] : memref<10000x128xf32, #tpu.memory_space<hbm>> -> memref<10000x128xf32, #tpu.memory_space<hbm>>
      tpu.wait_indirect_dma semaphore(%arg13 : memref<!tpu.dma_semaphore, #tpu.memory_space<semaphore_mem>>) src(%dma_wait3A_209 : memref<10000x128xf32, #tpu.memory_space<hbm>>) dst(%arg10 : memref<128x128xf32, #tpu.memory_space<vmem>>)
      %add3A_210 = arith.addi %select_n3A_34, %add3A_203 : i32
      %dma_wait3A_211 = arith.constant 0 : i32
      %dma_wait3A_212 = arith.constant 0 : i32
      %dma_wait3A_213 = tpu.memref_slice %arg8[%dma_wait3A_211, %dma_wait3A_212] : memref<1x128xi32, #tpu.memory_space<vmem>> -> memref<1x128xi32, #tpu.memory_space<vmem>>
      %dma_wait3A_214 = tpu.memref_squeeze %dma_wait3A_213 : memref<1x128xi32, #tpu.memory_space<vmem>> -> memref<128xi32, #tpu.memory_space<vmem>>
      %dma_wait3A_215 = arith.constant 0 : i32
      %dma_wait3A_216 = tpu.memref_slice %arg4[%add3A_210, %dma_wait3A_215] : memref<2560x128xi32, #tpu.memory_space<hbm>> -> memref<1x128xi32, #tpu.memory_space<hbm>>
      %dma_wait3A_217 = tpu.memref_squeeze %dma_wait3A_216 : memref<1x128xi32, #tpu.memory_space<hbm>> -> memref<128xi32, #tpu.memory_space<hbm>>
      %dma_wait3A_218 = arith.constant 0 : i32
      %dma_wait3A_219 = tpu.memref_slice %arg8[%dma_wait3A_211, %dma_wait3A_218] : memref<1x128xi32, #tpu.memory_space<vmem>> -> memref<1x128xi32, #tpu.memory_space<vmem>>
      %dma_wait3A_220 = tpu.memref_squeeze %dma_wait3A_219 : memref<1x128xi32, #tpu.memory_space<vmem>> -> memref<128xi32, #tpu.memory_space<vmem>>
      %dma_wait3A_221 = arith.constant 0 : i32
      %dma_wait3A_222 = tpu.memref_slice %arg4[%add3A_210, %dma_wait3A_221] : memref<2560x128xi32, #tpu.memory_space<hbm>> -> memref<1x128xi32, #tpu.memory_space<hbm>>
      %dma_wait3A_223 = tpu.memref_squeeze %dma_wait3A_222 : memref<1x128xi32, #tpu.memory_space<hbm>> -> memref<128xi32, #tpu.memory_space<hbm>>
      tpu.wait_dma2 semaphore(%arg15 : memref<!tpu.dma_semaphore, #tpu.memory_space<semaphore_mem>>) src(%dma_wait3A_223 : memref<128xi32, #tpu.memory_space<hbm>>) dst(%dma_wait3A_220 : memref<128xi32, #tpu.memory_space<vmem>>)
      %run_scoped3A_224 = arith.constant 0 : i32
      "tpu.region"() ({
        %run_scoped3A_249 = tpu.sem_alloc : memref<!tpu.dma_semaphore, #tpu.memory_space<semaphore_mem>>
        %dma_start3A_250 = arith.constant 0 : i32
        %dma_start3A_251 = tpu.memref_slice %arg8[%run_scoped3A_224, %dma_start3A_250] : memref<1x128xi32, #tpu.memory_space<vmem>> -> memref<1x128xi32, #tpu.memory_space<vmem>>
        %dma_start3A_252 = tpu.memref_squeeze %dma_start3A_251 : memref<1x128xi32, #tpu.memory_space<vmem>> -> memref<128xi32, #tpu.memory_space<vmem>>
        %dma_start3A_253 = arith.constant 0 : i32
        %dma_start3A_254 = arith.constant 0 : i32
        %dma_start3A_255 = tpu.memref_slice %arg11[%dma_start3A_253, %dma_start3A_254] : memref<10240x128xf32, #tpu.memory_space<vmem_shared>> -> memref<10240x128xf32, #tpu.memory_space<vmem_shared>>
        tpu.enqueue_indirect_dma source(%arg10 : memref<128x128xf32, #tpu.memory_space<vmem>>) target(%dma_start3A_255 : memref<10240x128xf32, #tpu.memory_space<vmem_shared>>) offsets(%dma_start3A_252 : memref<128xi32, #tpu.memory_space<vmem>>) semaphore(%run_scoped3A_249 : memref<!tpu.dma_semaphore, #tpu.memory_space<semaphore_mem>>) {add = true}
        %dma_wait3A_256 = arith.constant 0 : i32
        %dma_wait3A_257 = tpu.memref_slice %arg8[%run_scoped3A_224, %dma_wait3A_256] : memref<1x128xi32, #tpu.memory_space<vmem>> -> memref<1x128xi32, #tpu.memory_space<vmem>>
        %dma_wait3A_258 = tpu.memref_squeeze %dma_wait3A_257 : memref<1x128xi32, #tpu.memory_space<vmem>> -> memref<128xi32, #tpu.memory_space<vmem>>
        %dma_wait3A_259 = arith.constant 0 : i32
        %dma_wait3A_260 = arith.constant 0 : i32
        %dma_wait3A_261 = tpu.memref_slice %arg11[%dma_wait3A_259, %dma_wait3A_260] : memref<10240x128xf32, #tpu.memory_space<vmem_shared>> -> memref<10240x128xf32, #tpu.memory_space<vmem_shared>>
        tpu.wait_indirect_dma semaphore(%run_scoped3A_249 : memref<!tpu.dma_semaphore, #tpu.memory_space<semaphore_mem>>) src(%arg10 : memref<128x128xf32, #tpu.memory_space<vmem>>) dst(%dma_wait3A_261 : memref<10240x128xf32, #tpu.memory_space<vmem_shared>>)
        tpu.yield
      }) : () -> ()
      %add3A_225 = arith.constant 2 : i32
      %add3A_226 = arith.addi %add3A_203, %add3A_225 : i32
      %add3A_227 = arith.addi %select_n3A_34, %add3A_226 : i32
      %dma_start3A_228 = arith.constant 0 : i32
      %dma_start3A_229 = arith.constant 0 : i32
      %dma_start3A_230 = tpu.memref_slice %arg8[%dma_start3A_228, %dma_start3A_229] : memref<1x128xi32, #tpu.memory_space<vmem>> -> memref<1x128xi32, #tpu.memory_space<vmem>>
      %dma_start3A_231 = tpu.memref_squeeze %dma_start3A_230 : memref<1x128xi32, #tpu.memory_space<vmem>> -> memref<128xi32, #tpu.memory_space<vmem>>
      %dma_start3A_232 = arith.constant 0 : i32
      %dma_start3A_233 = tpu.memref_slice %arg4[%add3A_227, %dma_start3A_232] : memref<2560x128xi32, #tpu.memory_space<hbm>> -> memref<1x128xi32, #tpu.memory_space<hbm>>
      %dma_start3A_234 = tpu.memref_squeeze %dma_start3A_233 : memref<1x128xi32, #tpu.memory_space<hbm>> -> memref<128xi32, #tpu.memory_space<hbm>>
      %dma_start3A_235 = arith.constant 0 : i32
      %dma_start3A_236 = tpu.memref_slice %arg8[%dma_start3A_228, %dma_start3A_235] : memref<1x128xi32, #tpu.memory_space<vmem>> -> memref<1x128xi32, #tpu.memory_space<vmem>>
      %dma_start3A_237 = tpu.memref_squeeze %dma_start3A_236 : memref<1x128xi32, #tpu.memory_space<vmem>> -> memref<128xi32, #tpu.memory_space<vmem>>
      %dma_start3A_238 = arith.constant 0 : i32
      %dma_start3A_239 = tpu.memref_slice %arg4[%add3A_227, %dma_start3A_238] : memref<2560x128xi32, #tpu.memory_space<hbm>> -> memref<1x128xi32, #tpu.memory_space<hbm>>
      %dma_start3A_240 = tpu.memref_squeeze %dma_start3A_239 : memref<1x128xi32, #tpu.memory_space<hbm>> -> memref<128xi32, #tpu.memory_space<hbm>>
      tpu.enqueue_dma source(%dma_start3A_240 : memref<128xi32, #tpu.memory_space<hbm>>) target(%dma_start3A_237 : memref<128xi32, #tpu.memory_space<vmem>>) target_semaphore(%arg15 : memref<!tpu.dma_semaphore, #tpu.memory_space<semaphore_mem>>)
      %add3A_241 = arith.constant 2 : i32
      %add3A_242 = arith.addi %add3A_203, %add3A_241 : i32
      %mul3A_243 = arith.constant 128 : i32
      %mul3A_244 = arith.muli %add3A_242, %mul3A_243 : i32
      %dma_start3A_245 = tpu.memref_slice %arg6[%mul3A_244] : memref<15872xi32, #tpu.memory_space<vmem>> -> memref<128xi32, #tpu.memory_space<vmem>>
      %dma_start3A_246 = arith.constant 0 : i32
      %dma_start3A_247 = arith.constant 0 : i32
      %dma_start3A_248 = tpu.memref_slice %arg2[%dma_start3A_246, %dma_start3A_247] : memref<10000x128xf32, #tpu.memory_space<hbm>> -> memref<10000x128xf32, #tpu.memory_space<hbm>>
      tpu.enqueue_indirect_dma source(%dma_start3A_248 : memref<10000x128xf32, #tpu.memory_space<hbm>>) target(%arg10 : memref<128x128xf32, #tpu.memory_space<vmem>>) offsets(%dma_start3A_245 : memref<128xi32, #tpu.memory_space<vmem>>) semaphore(%arg13 : memref<!tpu.dma_semaphore, #tpu.memory_space<semaphore_mem>>)
    }
    %while3A_102 = arith.constant 1 : i32
    scf.for %while3A_152 = %while3A_100 to %while3A_96 step %while3A_102  : i32 {
      %mul3A_153 = arith.constant 2 : i32
      %mul3A_154 = arith.muli %mul3A_153, %while3A_152 : i32
      %add3A_155 = arith.constant 0 : i32
      %add3A_156 = arith.addi %mul3A_154, %add3A_155 : i32
      %mul3A_157 = arith.constant 128 : i32
      %mul3A_158 = arith.muli %add3A_156, %mul3A_157 : i32
      %dma_wait3A_159 = tpu.memref_slice %arg6[%mul3A_158] : memref<15872xi32, #tpu.memory_space<vmem>> -> memref<128xi32, #tpu.memory_space<vmem>>
      %dma_wait3A_160 = arith.constant 0 : i32
      %dma_wait3A_161 = arith.constant 0 : i32
      %dma_wait3A_162 = tpu.memref_slice %arg2[%dma_wait3A_160, %dma_wait3A_161] : memref<10000x128xf32, #tpu.memory_space<hbm>> -> memref<10000x128xf32, #tpu.memory_space<hbm>>
      tpu.wait_indirect_dma semaphore(%arg12 : memref<!tpu.dma_semaphore, #tpu.memory_space<semaphore_mem>>) src(%dma_wait3A_162 : memref<10000x128xf32, #tpu.memory_space<hbm>>) dst(%arg9 : memref<128x128xf32, #tpu.memory_space<vmem>>)
      %add3A_163 = arith.addi %select_n3A_34, %add3A_156 : i32
      %dma_wait3A_164 = arith.constant 0 : i32
      %dma_wait3A_165 = arith.constant 0 : i32
      %dma_wait3A_166 = tpu.memref_slice %arg7[%dma_wait3A_164, %dma_wait3A_165] : memref<1x128xi32, #tpu.memory_space<vmem>> -> memref<1x128xi32, #tpu.memory_space<vmem>>
      %dma_wait3A_167 = tpu.memref_squeeze %dma_wait3A_166 : memref<1x128xi32, #tpu.memory_space<vmem>> -> memref<128xi32, #tpu.memory_space<vmem>>
      %dma_wait3A_168 = arith.constant 0 : i32
      %dma_wait3A_169 = tpu.memref_slice %arg4[%add3A_163, %dma_wait3A_168] : memref<2560x128xi32, #tpu.memory_space<hbm>> -> memref<1x128xi32, #tpu.memory_space<hbm>>
      %dma_wait3A_170 = tpu.memref_squeeze %dma_wait3A_169 : memref<1x128xi32, #tpu.memory_space<hbm>> -> memref<128xi32, #tpu.memory_space<hbm>>
      %dma_wait3A_171 = arith.constant 0 : i32
      %dma_wait3A_172 = tpu.memref_slice %arg7[%dma_wait3A_164, %dma_wait3A_171] : memref<1x128xi32, #tpu.memory_space<vmem>> -> memref<1x128xi32, #tpu.memory_space<vmem>>
      %dma_wait3A_173 = tpu.memref_squeeze %dma_wait3A_172 : memref<1x128xi32, #tpu.memory_space<vmem>> -> memref<128xi32, #tpu.memory_space<vmem>>
      %dma_wait3A_174 = arith.constant 0 : i32
      %dma_wait3A_175 = tpu.memref_slice %arg4[%add3A_163, %dma_wait3A_174] : memref<2560x128xi32, #tpu.memory_space<hbm>> -> memref<1x128xi32, #tpu.memory_space<hbm>>
      %dma_wait3A_176 = tpu.memref_squeeze %dma_wait3A_175 : memref<1x128xi32, #tpu.memory_space<hbm>> -> memref<128xi32, #tpu.memory_space<hbm>>
      tpu.wait_dma2 semaphore(%arg14 : memref<!tpu.dma_semaphore, #tpu.memory_space<semaphore_mem>>) src(%dma_wait3A_176 : memref<128xi32, #tpu.memory_space<hbm>>) dst(%dma_wait3A_173 : memref<128xi32, #tpu.memory_space<vmem>>)
      %run_scoped3A_177 = arith.constant 0 : i32
      "tpu.region"() ({
        %run_scoped3A_249 = tpu.sem_alloc : memref<!tpu.dma_semaphore, #tpu.memory_space<semaphore_mem>>
        %dma_start3A_250 = arith.constant 0 : i32
        %dma_start3A_251 = tpu.memref_slice %arg7[%run_scoped3A_177, %dma_start3A_250] : memref<1x128xi32, #tpu.memory_space<vmem>> -> memref<1x128xi32, #tpu.memory_space<vmem>>
        %dma_start3A_252 = tpu.memref_squeeze %dma_start3A_251 : memref<1x128xi32, #tpu.memory_space<vmem>> -> memref<128xi32, #tpu.memory_space<vmem>>
        %dma_start3A_253 = arith.constant 0 : i32
        %dma_start3A_254 = arith.constant 0 : i32
        %dma_start3A_255 = tpu.memref_slice %arg11[%dma_start3A_253, %dma_start3A_254] : memref<10240x128xf32, #tpu.memory_space<vmem_shared>> -> memref<10240x128xf32, #tpu.memory_space<vmem_shared>>
        tpu.enqueue_indirect_dma source(%arg9 : memref<128x128xf32, #tpu.memory_space<vmem>>) target(%dma_start3A_255 : memref<10240x128xf32, #tpu.memory_space<vmem_shared>>) offsets(%dma_start3A_252 : memref<128xi32, #tpu.memory_space<vmem>>) semaphore(%run_scoped3A_249 : memref<!tpu.dma_semaphore, #tpu.memory_space<semaphore_mem>>) {add = true}
        %dma_wait3A_256 = arith.constant 0 : i32
        %dma_wait3A_257 = tpu.memref_slice %arg7[%run_scoped3A_177, %dma_wait3A_256] : memref<1x128xi32, #tpu.memory_space<vmem>> -> memref<1x128xi32, #tpu.memory_space<vmem>>
        %dma_wait3A_258 = tpu.memref_squeeze %dma_wait3A_257 : memref<1x128xi32, #tpu.memory_space<vmem>> -> memref<128xi32, #tpu.memory_space<vmem>>
        %dma_wait3A_259 = arith.constant 0 : i32
        %dma_wait3A_260 = arith.constant 0 : i32
        %dma_wait3A_261 = tpu.memref_slice %arg11[%dma_wait3A_259, %dma_wait3A_260] : memref<10240x128xf32, #tpu.memory_space<vmem_shared>> -> memref<10240x128xf32, #tpu.memory_space<vmem_shared>>
        tpu.wait_indirect_dma semaphore(%run_scoped3A_249 : memref<!tpu.dma_semaphore, #tpu.memory_space<semaphore_mem>>) src(%arg9 : memref<128x128xf32, #tpu.memory_space<vmem>>) dst(%dma_wait3A_261 : memref<10240x128xf32, #tpu.memory_space<vmem_shared>>)
        tpu.yield
      }) : () -> ()
      %add3A_178 = arith.constant 2 : i32
      %add3A_179 = arith.addi %add3A_156, %add3A_178 : i32
      %add3A_180 = arith.addi %select_n3A_34, %add3A_179 : i32
      %dma_start3A_181 = arith.constant 0 : i32
      %dma_start3A_182 = arith.constant 0 : i32
      %dma_start3A_183 = tpu.memref_slice %arg7[%dma_start3A_181, %dma_start3A_182] : memref<1x128xi32, #tpu.memory_space<vmem>> -> memref<1x128xi32, #tpu.memory_space<vmem>>
      %dma_start3A_184 = tpu.memref_squeeze %dma_start3A_183 : memref<1x128xi32, #tpu.memory_space<vmem>> -> memref<128xi32, #tpu.memory_space<vmem>>
      %dma_start3A_185 = arith.constant 0 : i32
      %dma_start3A_186 = tpu.memref_slice %arg4[%add3A_180, %dma_start3A_185] : memref<2560x128xi32, #tpu.memory_space<hbm>> -> memref<1x128xi32, #tpu.memory_space<hbm>>
      %dma_start3A_187 = tpu.memref_squeeze %dma_start3A_186 : memref<1x128xi32, #tpu.memory_space<hbm>> -> memref<128xi32, #tpu.memory_space<hbm>>
      %dma_start3A_188 = arith.constant 0 : i32
      %dma_start3A_189 = tpu.memref_slice %arg7[%dma_start3A_181, %dma_start3A_188] : memref<1x128xi32, #tpu.memory_space<vmem>> -> memref<1x128xi32, #tpu.memory_space<vmem>>
      %dma_start3A_190 = tpu.memref_squeeze %dma_start3A_189 : memref<1x128xi32, #tpu.memory_space<vmem>> -> memref<128xi32, #tpu.memory_space<vmem>>
      %dma_start3A_191 = arith.constant 0 : i32
      %dma_start3A_192 = tpu.memref_slice %arg4[%add3A_180, %dma_start3A_191] : memref<2560x128xi32, #tpu.memory_space<hbm>> -> memref<1x128xi32, #tpu.memory_space<hbm>>
      %dma_start3A_193 = tpu.memref_squeeze %dma_start3A_192 : memref<1x128xi32, #tpu.memory_space<hbm>> -> memref<128xi32, #tpu.memory_space<hbm>>
      tpu.enqueue_dma source(%dma_start3A_193 : memref<128xi32, #tpu.memory_space<hbm>>) target(%dma_start3A_190 : memref<128xi32, #tpu.memory_space<vmem>>) target_semaphore(%arg14 : memref<!tpu.dma_semaphore, #tpu.memory_space<semaphore_mem>>)
      %add3A_194 = arith.constant 2 : i32
      %add3A_195 = arith.addi %add3A_156, %add3A_194 : i32
      %mul3A_196 = arith.constant 128 : i32
      %mul3A_197 = arith.muli %add3A_195, %mul3A_196 : i32
      %dma_start3A_198 = tpu.memref_slice %arg6[%mul3A_197] : memref<15872xi32, #tpu.memory_space<vmem>> -> memref<128xi32, #tpu.memory_space<vmem>>
      %dma_start3A_199 = arith.constant 0 : i32
      %dma_start3A_200 = arith.constant 0 : i32
      %dma_start3A_201 = tpu.memref_slice %arg2[%dma_start3A_199, %dma_start3A_200] : memref<10000x128xf32, #tpu.memory_space<hbm>> -> memref<10000x128xf32, #tpu.memory_space<hbm>>
      tpu.enqueue_indirect_dma source(%dma_start3A_201 : memref<10000x128xf32, #tpu.memory_space<hbm>>) target(%arg9 : memref<128x128xf32, #tpu.memory_space<vmem>>) offsets(%dma_start3A_198 : memref<128xi32, #tpu.memory_space<vmem>>) semaphore(%arg12 : memref<!tpu.dma_semaphore, #tpu.memory_space<semaphore_mem>>)
      %add3A_202 = arith.constant 1 : i32
      %add3A_203 = arith.addi %mul3A_154, %add3A_202 : i32
      %mul3A_204 = arith.constant 128 : i32
      %mul3A_205 = arith.muli %add3A_203, %mul3A_204 : i32
      %dma_wait3A_206 = tpu.memref_slice %arg6[%mul3A_205] : memref<15872xi32, #tpu.memory_space<vmem>> -> memref<128xi32, #tpu.memory_space<vmem>>
      %dma_wait3A_207 = arith.constant 0 : i32
      %dma_wait3A_208 = arith.constant 0 : i32
      %dma_wait3A_209 = tpu.memref_slice %arg2[%dma_wait3A_207, %dma_wait3A_208] : memref<10000x128xf32, #tpu.memory_space<hbm>> -> memref<10000x128xf32, #tpu.memory_space<hbm>>
      tpu.wait_indirect_dma semaphore(%arg13 : memref<!tpu.dma_semaphore, #tpu.memory_space<semaphore_mem>>) src(%dma_wait3A_209 : memref<10000x128xf32, #tpu.memory_space<hbm>>) dst(%arg10 : memref<128x128xf32, #tpu.memory_space<vmem>>)
      %add3A_210 = arith.addi %select_n3A_34, %add3A_203 : i32
      %dma_wait3A_211 = arith.constant 0 : i32
      %dma_wait3A_212 = arith.constant 0 : i32
      %dma_wait3A_213 = tpu.memref_slice %arg8[%dma_wait3A_211, %dma_wait3A_212] : memref<1x128xi32, #tpu.memory_space<vmem>> -> memref<1x128xi32, #tpu.memory_space<vmem>>
      %dma_wait3A_214 = tpu.memref_squeeze %dma_wait3A_213 : memref<1x128xi32, #tpu.memory_space<vmem>> -> memref<128xi32, #tpu.memory_space<vmem>>
      %dma_wait3A_215 = arith.constant 0 : i32
      %dma_wait3A_216 = tpu.memref_slice %arg4[%add3A_210, %dma_wait3A_215] : memref<2560x128xi32, #tpu.memory_space<hbm>> -> memref<1x128xi32, #tpu.memory_space<hbm>>
      %dma_wait3A_217 = tpu.memref_squeeze %dma_wait3A_216 : memref<1x128xi32, #tpu.memory_space<hbm>> -> memref<128xi32, #tpu.memory_space<hbm>>
      %dma_wait3A_218 = arith.constant 0 : i32
      %dma_wait3A_219 = tpu.memref_slice %arg8[%dma_wait3A_211, %dma_wait3A_218] : memref<1x128xi32, #tpu.memory_space<vmem>> -> memref<1x128xi32, #tpu.memory_space<vmem>>
      %dma_wait3A_220 = tpu.memref_squeeze %dma_wait3A_219 : memref<1x128xi32, #tpu.memory_space<vmem>> -> memref<128xi32, #tpu.memory_space<vmem>>
      %dma_wait3A_221 = arith.constant 0 : i32
      %dma_wait3A_222 = tpu.memref_slice %arg4[%add3A_210, %dma_wait3A_221] : memref<2560x128xi32, #tpu.memory_space<hbm>> -> memref<1x128xi32, #tpu.memory_space<hbm>>
      %dma_wait3A_223 = tpu.memref_squeeze %dma_wait3A_222 : memref<1x128xi32, #tpu.memory_space<hbm>> -> memref<128xi32, #tpu.memory_space<hbm>>
      tpu.wait_dma2 semaphore(%arg15 : memref<!tpu.dma_semaphore, #tpu.memory_space<semaphore_mem>>) src(%dma_wait3A_223 : memref<128xi32, #tpu.memory_space<hbm>>) dst(%dma_wait3A_220 : memref<128xi32, #tpu.memory_space<vmem>>)
      %run_scoped3A_224 = arith.constant 0 : i32
      "tpu.region"() ({
        %run_scoped3A_249 = tpu.sem_alloc : memref<!tpu.dma_semaphore, #tpu.memory_space<semaphore_mem>>
        %dma_start3A_250 = arith.constant 0 : i32
        %dma_start3A_251 = tpu.memref_slice %arg8[%run_scoped3A_224, %dma_start3A_250] : memref<1x128xi32, #tpu.memory_space<vmem>> -> memref<1x128xi32, #tpu.memory_space<vmem>>
        %dma_start3A_252 = tpu.memref_squeeze %dma_start3A_251 : memref<1x128xi32, #tpu.memory_space<vmem>> -> memref<128xi32, #tpu.memory_space<vmem>>
        %dma_start3A_253 = arith.constant 0 : i32
        %dma_start3A_254 = arith.constant 0 : i32
        %dma_start3A_255 = tpu.memref_slice %arg11[%dma_start3A_253, %dma_start3A_254] : memref<10240x128xf32, #tpu.memory_space<vmem_shared>> -> memref<10240x128xf32, #tpu.memory_space<vmem_shared>>
        tpu.enqueue_indirect_dma source(%arg10 : memref<128x128xf32, #tpu.memory_space<vmem>>) target(%dma_start3A_255 : memref<10240x128xf32, #tpu.memory_space<vmem_shared>>) offsets(%dma_start3A_252 : memref<128xi32, #tpu.memory_space<vmem>>) semaphore(%run_scoped3A_249 : memref<!tpu.dma_semaphore, #tpu.memory_space<semaphore_mem>>) {add = true}
        %dma_wait3A_256 = arith.constant 0 : i32
        %dma_wait3A_257 = tpu.memref_slice %arg8[%run_scoped3A_224, %dma_wait3A_256] : memref<1x128xi32, #tpu.memory_space<vmem>> -> memref<1x128xi32, #tpu.memory_space<vmem>>
        %dma_wait3A_258 = tpu.memref_squeeze %dma_wait3A_257 : memref<1x128xi32, #tpu.memory_space<vmem>> -> memref<128xi32, #tpu.memory_space<vmem>>
        %dma_wait3A_259 = arith.constant 0 : i32
        %dma_wait3A_260 = arith.constant 0 : i32
        %dma_wait3A_261 = tpu.memref_slice %arg11[%dma_wait3A_259, %dma_wait3A_260] : memref<10240x128xf32, #tpu.memory_space<vmem_shared>> -> memref<10240x128xf32, #tpu.memory_space<vmem_shared>>
        tpu.wait_indirect_dma semaphore(%run_scoped3A_249 : memref<!tpu.dma_semaphore, #tpu.memory_space<semaphore_mem>>) src(%arg10 : memref<128x128xf32, #tpu.memory_space<vmem>>) dst(%dma_wait3A_261 : memref<10240x128xf32, #tpu.memory_space<vmem_shared>>)
        tpu.yield
      }) : () -> ()
      %add3A_225 = arith.constant 2 : i32
      %add3A_226 = arith.addi %add3A_203, %add3A_225 : i32
      %add3A_227 = arith.addi %select_n3A_34, %add3A_226 : i32
      %dma_start3A_228 = arith.constant 0 : i32
      %dma_start3A_229 = arith.constant 0 : i32
      %dma_start3A_230 = tpu.memref_slice %arg8[%dma_start3A_228, %dma_start3A_229] : memref<1x128xi32, #tpu.memory_space<vmem>> -> memref<1x128xi32, #tpu.memory_space<vmem>>
      %dma_start3A_231 = tpu.memref_squeeze %dma_start3A_230 : memref<1x128xi32, #tpu.memory_space<vmem>> -> memref<128xi32, #tpu.memory_space<vmem>>
      %dma_start3A_232 = arith.constant 0 : i32
      %dma_start3A_233 = tpu.memref_slice %arg4[%add3A_227, %dma_start3A_232] : memref<2560x128xi32, #tpu.memory_space<hbm>> -> memref<1x128xi32, #tpu.memory_space<hbm>>
      %dma_start3A_234 = tpu.memref_squeeze %dma_start3A_233 : memref<1x128xi32, #tpu.memory_space<hbm>> -> memref<128xi32, #tpu.memory_space<hbm>>
      %dma_start3A_235 = arith.constant 0 : i32
      %dma_start3A_236 = tpu.memref_slice %arg8[%dma_start3A_228, %dma_start3A_235] : memref<1x128xi32, #tpu.memory_space<vmem>> -> memref<1x128xi32, #tpu.memory_space<vmem>>
      %dma_start3A_237 = tpu.memref_squeeze %dma_start3A_236 : memref<1x128xi32, #tpu.memory_space<vmem>> -> memref<128xi32, #tpu.memory_space<vmem>>
      %dma_start3A_238 = arith.constant 0 : i32
      %dma_start3A_239 = tpu.memref_slice %arg4[%add3A_227, %dma_start3A_238] : memref<2560x128xi32, #tpu.memory_space<hbm>> -> memref<1x128xi32, #tpu.memory_space<hbm>>
      %dma_start3A_240 = tpu.memref_squeeze %dma_start3A_239 : memref<1x128xi32, #tpu.memory_space<hbm>> -> memref<128xi32, #tpu.memory_space<hbm>>
      tpu.enqueue_dma source(%dma_start3A_240 : memref<128xi32, #tpu.memory_space<hbm>>) target(%dma_start3A_237 : memref<128xi32, #tpu.memory_space<vmem>>) target_semaphore(%arg15 : memref<!tpu.dma_semaphore, #tpu.memory_space<semaphore_mem>>)
      %add3A_241 = arith.constant 2 : i32
      %add3A_242 = arith.addi %add3A_203, %add3A_241 : i32
      %mul3A_243 = arith.constant 128 : i32
      %mul3A_244 = arith.muli %add3A_242, %mul3A_243 : i32
      %dma_start3A_245 = tpu.memref_slice %arg6[%mul3A_244] : memref<15872xi32, #tpu.memory_space<vmem>> -> memref<128xi32, #tpu.memory_space<vmem>>
      %dma_start3A_246 = arith.constant 0 : i32
      %dma_start3A_247 = arith.constant 0 : i32
      %dma_start3A_248 = tpu.memref_slice %arg2[%dma_start3A_246, %dma_start3A_247] : memref<10000x128xf32, #tpu.memory_space<hbm>> -> memref<10000x128xf32, #tpu.memory_space<hbm>>
      tpu.enqueue_indirect_dma source(%dma_start3A_248 : memref<10000x128xf32, #tpu.memory_space<hbm>>) target(%arg10 : memref<128x128xf32, #tpu.memory_space<vmem>>) offsets(%dma_start3A_245 : memref<128xi32, #tpu.memory_space<vmem>>) semaphore(%arg13 : memref<!tpu.dma_semaphore, #tpu.memory_space<semaphore_mem>>)
    }
    %sub3A_103 = arith.constant 2 : i32
    %sub3A_104 = arith.subi %select_n3A, %sub3A_103 : i32
    %add3A_105 = arith.constant 0 : i32
    %add3A_106 = arith.addi %sub3A_104, %add3A_105 : i32
    %mul3A_107 = arith.constant 128 : i32
    %mul3A_108 = arith.muli %add3A_106, %mul3A_107 : i32
    %dma_wait3A = tpu.memref_slice %arg6[%mul3A_108] : memref<15872xi32, #tpu.memory_space<vmem>> -> memref<128xi32, #tpu.memory_space<vmem>>
    %dma_wait3A_109 = arith.constant 0 : i32
    %dma_wait3A_110 = arith.constant 0 : i32
    %dma_wait3A_111 = tpu.memref_slice %arg2[%dma_wait3A_109, %dma_wait3A_110] : memref<10000x128xf32, #tpu.memory_space<hbm>> -> memref<10000x128xf32, #tpu.memory_space<hbm>>
    tpu.wait_indirect_dma semaphore(%arg12 : memref<!tpu.dma_semaphore, #tpu.memory_space<semaphore_mem>>) src(%dma_wait3A_111 : memref<10000x128xf32, #tpu.memory_space<hbm>>) dst(%arg9 : memref<128x128xf32, #tpu.memory_space<vmem>>)
    %add3A_112 = arith.addi %select_n3A_34, %add3A_106 : i32
    %dma_wait3A_113 = arith.constant 0 : i32
    %dma_wait3A_114 = arith.constant 0 : i32
    %dma_wait3A_115 = tpu.memref_slice %arg7[%dma_wait3A_113, %dma_wait3A_114] : memref<1x128xi32, #tpu.memory_space<vmem>> -> memref<1x128xi32, #tpu.memory_space<vmem>>
    %dma_wait3A_116 = tpu.memref_squeeze %dma_wait3A_115 : memref<1x128xi32, #tpu.memory_space<vmem>> -> memref<128xi32, #tpu.memory_space<vmem>>
    %dma_wait3A_117 = arith.constant 0 : i32
    %dma_wait3A_118 = tpu.memref_slice %arg4[%add3A_112, %dma_wait3A_117] : memref<2560x128xi32, #tpu.memory_space<hbm>> -> memref<1x128xi32, #tpu.memory_space<hbm>>
    %dma_wait3A_119 = tpu.memref_squeeze %dma_wait3A_118 : memref<1x128xi32, #tpu.memory_space<hbm>> -> memref<128xi32, #tpu.memory_space<hbm>>
    %dma_wait3A_120 = arith.constant 0 : i32
    %dma_wait3A_121 = tpu.memref_slice %arg7[%dma_wait3A_113, %dma_wait3A_120] : memref<1x128xi32, #tpu.memory_space<vmem>> -> memref<1x128xi32, #tpu.memory_space<vmem>>
    %dma_wait3A_122 = tpu.memref_squeeze %dma_wait3A_121 : memref<1x128xi32, #tpu.memory_space<vmem>> -> memref<128xi32, #tpu.memory_space<vmem>>
    %dma_wait3A_123 = arith.constant 0 : i32
    %dma_wait3A_124 = tpu.memref_slice %arg4[%add3A_112, %dma_wait3A_123] : memref<2560x128xi32, #tpu.memory_space<hbm>> -> memref<1x128xi32, #tpu.memory_space<hbm>>
    %dma_wait3A_125 = tpu.memref_squeeze %dma_wait3A_124 : memref<1x128xi32, #tpu.memory_space<hbm>> -> memref<128xi32, #tpu.memory_space<hbm>>
    tpu.wait_dma2 semaphore(%arg14 : memref<!tpu.dma_semaphore, #tpu.memory_space<semaphore_mem>>) src(%dma_wait3A_125 : memref<128xi32, #tpu.memory_space<hbm>>) dst(%dma_wait3A_122 : memref<128xi32, #tpu.memory_space<vmem>>)
    %run_scoped3A = arith.constant 0 : i32
    "tpu.region"() ({
      %run_scoped3A_152 = tpu.sem_alloc : memref<!tpu.dma_semaphore, #tpu.memory_space<semaphore_mem>>
      %dma_start3A_153 = arith.constant 0 : i32
      %dma_start3A_154 = tpu.memref_slice %arg7[%run_scoped3A, %dma_start3A_153] : memref<1x128xi32, #tpu.memory_space<vmem>> -> memref<1x128xi32, #tpu.memory_space<vmem>>
      %dma_start3A_155 = tpu.memref_squeeze %dma_start3A_154 : memref<1x128xi32, #tpu.memory_space<vmem>> -> memref<128xi32, #tpu.memory_space<vmem>>
      %dma_start3A_156 = arith.constant 0 : i32
      %dma_start3A_157 = arith.constant 0 : i32
      %dma_start3A_158 = tpu.memref_slice %arg11[%dma_start3A_156, %dma_start3A_157] : memref<10240x128xf32, #tpu.memory_space<vmem_shared>> -> memref<10240x128xf32, #tpu.memory_space<vmem_shared>>
      tpu.enqueue_indirect_dma source(%arg9 : memref<128x128xf32, #tpu.memory_space<vmem>>) target(%dma_start3A_158 : memref<10240x128xf32, #tpu.memory_space<vmem_shared>>) offsets(%dma_start3A_155 : memref<128xi32, #tpu.memory_space<vmem>>) semaphore(%run_scoped3A_152 : memref<!tpu.dma_semaphore, #tpu.memory_space<semaphore_mem>>) {add = true}
      %dma_wait3A_159 = arith.constant 0 : i32
      %dma_wait3A_160 = tpu.memref_slice %arg7[%run_scoped3A, %dma_wait3A_159] : memref<1x128xi32, #tpu.memory_space<vmem>> -> memref<1x128xi32, #tpu.memory_space<vmem>>
      %dma_wait3A_161 = tpu.memref_squeeze %dma_wait3A_160 : memref<1x128xi32, #tpu.memory_space<vmem>> -> memref<128xi32, #tpu.memory_space<vmem>>
      %dma_wait3A_162 = arith.constant 0 : i32
      %dma_wait3A_163 = arith.constant 0 : i32
      %dma_wait3A_164 = tpu.memref_slice %arg11[%dma_wait3A_162, %dma_wait3A_163] : memref<10240x128xf32, #tpu.memory_space<vmem_shared>> -> memref<10240x128xf32, #tpu.memory_space<vmem_shared>>
      tpu.wait_indirect_dma semaphore(%run_scoped3A_152 : memref<!tpu.dma_semaphore, #tpu.memory_space<semaphore_mem>>) src(%arg9 : memref<128x128xf32, #tpu.memory_space<vmem>>) dst(%dma_wait3A_164 : memref<10240x128xf32, #tpu.memory_space<vmem_shared>>)
      tpu.yield
    }) : () -> ()
    %sub3A_126 = arith.constant 2 : i32
    %sub3A_127 = arith.subi %select_n3A, %sub3A_126 : i32
    %add3A_128 = arith.constant 1 : i32
    %add3A_129 = arith.addi %sub3A_127, %add3A_128 : i32
    %mul3A_130 = arith.constant 128 : i32
    %mul3A_131 = arith.muli %add3A_129, %mul3A_130 : i32
    %dma_wait3A_132 = tpu.memref_slice %arg6[%mul3A_131] : memref<15872xi32, #tpu.memory_space<vmem>> -> memref<128xi32, #tpu.memory_space<vmem>>
    %dma_wait3A_133 = arith.constant 0 : i32
    %dma_wait3A_134 = arith.constant 0 : i32
    %dma_wait3A_135 = tpu.memref_slice %arg2[%dma_wait3A_133, %dma_wait3A_134] : memref<10000x128xf32, #tpu.memory_space<hbm>> -> memref<10000x128xf32, #tpu.memory_space<hbm>>
    tpu.wait_indirect_dma semaphore(%arg13 : memref<!tpu.dma_semaphore, #tpu.memory_space<semaphore_mem>>) src(%dma_wait3A_135 : memref<10000x128xf32, #tpu.memory_space<hbm>>) dst(%arg10 : memref<128x128xf32, #tpu.memory_space<vmem>>)
    %add3A_136 = arith.addi %select_n3A_34, %add3A_129 : i32
    %dma_wait3A_137 = arith.constant 0 : i32
    %dma_wait3A_138 = arith.constant 0 : i32
    %dma_wait3A_139 = tpu.memref_slice %arg8[%dma_wait3A_137, %dma_wait3A_138] : memref<1x128xi32, #tpu.memory_space<vmem>> -> memref<1x128xi32, #tpu.memory_space<vmem>>
    %dma_wait3A_140 = tpu.memref_squeeze %dma_wait3A_139 : memref<1x128xi32, #tpu.memory_space<vmem>> -> memref<128xi32, #tpu.memory_space<vmem>>
    %dma_wait3A_141 = arith.constant 0 : i32
    %dma_wait3A_142 = tpu.memref_slice %arg4[%add3A_136, %dma_wait3A_141] : memref<2560x128xi32, #tpu.memory_space<hbm>> -> memref<1x128xi32, #tpu.memory_space<hbm>>
    %dma_wait3A_143 = tpu.memref_squeeze %dma_wait3A_142 : memref<1x128xi32, #tpu.memory_space<hbm>> -> memref<128xi32, #tpu.memory_space<hbm>>
    %dma_wait3A_144 = arith.constant 0 : i32
    %dma_wait3A_145 = tpu.memref_slice %arg8[%dma_wait3A_137, %dma_wait3A_144] : memref<1x128xi32, #tpu.memory_space<vmem>> -> memref<1x128xi32, #tpu.memory_space<vmem>>
    %dma_wait3A_146 = tpu.memref_squeeze %dma_wait3A_145 : memref<1x128xi32, #tpu.memory_space<vmem>> -> memref<128xi32, #tpu.memory_space<vmem>>
    %dma_wait3A_147 = arith.constant 0 : i32
    %dma_wait3A_148 = tpu.memref_slice %arg4[%add3A_136, %dma_wait3A_147] : memref<2560x128xi32, #tpu.memory_space<hbm>> -> memref<1x128xi32, #tpu.memory_space<hbm>>
    %dma_wait3A_149 = tpu.memref_squeeze %dma_wait3A_148 : memref<1x128xi32, #tpu.memory_space<hbm>> -> memref<128xi32, #tpu.memory_space<hbm>>
    tpu.wait_dma2 semaphore(%arg15 : memref<!tpu.dma_semaphore, #tpu.memory_space<semaphore_mem>>) src(%dma_wait3A_149 : memref<128xi32, #tpu.memory_space<hbm>>) dst(%dma_wait3A_146 : memref<128xi32, #tpu.memory_space<vmem>>)
    %run_scoped3A_150 = arith.constant 0 : i32
    "tpu.region"() ({
      %run_scoped3A_152 = tpu.sem_alloc : memref<!tpu.dma_semaphore, #tpu.memory_space<semaphore_mem>>
      %dma_start3A_153 = arith.constant 0 : i32
      %dma_start3A_154 = tpu.memref_slice %arg8[%run_scoped3A_150, %dma_start3A_153] : memref<1x128xi32, #tpu.memory_space<vmem>> -> memref<1x128xi32, #tpu.memory_space<vmem>>
      %dma_start3A_155 = tpu.memref_squeeze %dma_start3A_154 : memref<1x128xi32, #tpu.memory_space<vmem>> -> memref<128xi32, #tpu.memory_space<vmem>>
      %dma_start3A_156 = arith.constant 0 : i32
      %dma_start3A_157 = arith.constant 0 : i32
      %dma_start3A_158 = tpu.memref_slice %arg11[%dma_start3A_156, %dma_start3A_157] : memref<10240x128xf32, #tpu.memory_space<vmem_shared>> -> memref<10240x128xf32, #tpu.memory_space<vmem_shared>>
      tpu.enqueue_indirect_dma source(%arg10 : memref<128x128xf32, #tpu.memory_space<vmem>>) target(%dma_start3A_158 : memref<10240x128xf32, #tpu.memory_space<vmem_shared>>) offsets(%dma_start3A_155 : memref<128xi32, #tpu.memory_space<vmem>>) semaphore(%run_scoped3A_152 : memref<!tpu.dma_semaphore, #tpu.memory_space<semaphore_mem>>) {add = true}
      %dma_wait3A_159 = arith.constant 0 : i32
      %dma_wait3A_160 = tpu.memref_slice %arg8[%run_scoped3A_150, %dma_wait3A_159] : memref<1x128xi32, #tpu.memory_space<vmem>> -> memref<1x128xi32, #tpu.memory_space<vmem>>
      %dma_wait3A_161 = tpu.memref_squeeze %dma_wait3A_160 : memref<1x128xi32, #tpu.memory_space<vmem>> -> memref<128xi32, #tpu.memory_space<vmem>>
      %dma_wait3A_162 = arith.constant 0 : i32
      %dma_wait3A_163 = arith.constant 0 : i32
      %dma_wait3A_164 = tpu.memref_slice %arg11[%dma_wait3A_162, %dma_wait3A_163] : memref<10240x128xf32, #tpu.memory_space<vmem_shared>> -> memref<10240x128xf32, #tpu.memory_space<vmem_shared>>
      tpu.wait_indirect_dma semaphore(%run_scoped3A_152 : memref<!tpu.dma_semaphore, #tpu.memory_space<semaphore_mem>>) src(%arg10 : memref<128x128xf32, #tpu.memory_space<vmem>>) dst(%dma_wait3A_164 : memref<10240x128xf32, #tpu.memory_space<vmem_shared>>)
      tpu.yield
    }) : () -> ()
    %barrier3A_151 = arith.constant 0 : index
    tpu.barrier barrier_id(%barrier3A_151)
    "tpu.region"() ({
      %run_scoped3A_152 = tpu.sem_alloc : memref<!tpu.dma_semaphore, #tpu.memory_space<semaphore_mem>>
      %dma_start3A_153 = arith.constant 0 : i32
      %dma_start3A_154 = tpu.memref_slice %arg5[%arg0, %mul3A_6, %dma_start3A_153] : memref<2x10240x128xf32, #tpu.memory_space<hbm>> -> memref<1x640x128xf32, #tpu.memory_space<hbm>>
      %dma_start3A_155 = tpu.memref_squeeze %dma_start3A_154 : memref<1x640x128xf32, #tpu.memory_space<hbm>> -> memref<640x128xf32, #tpu.memory_space<hbm>>
      %dma_start3A_156 = arith.constant 0 : i32
      %dma_start3A_157 = tpu.memref_slice %arg11[%mul3A_6, %dma_start3A_156] : memref<10240x128xf32, #tpu.memory_space<vmem_shared>> -> memref<640x128xf32, #tpu.memory_space<vmem_shared>>
      tpu.enqueue_dma source(%dma_start3A_157 : memref<640x128xf32, #tpu.memory_space<vmem_shared>>) target(%dma_start3A_155 : memref<640x128xf32, #tpu.memory_space<hbm>>) target_semaphore(%run_scoped3A_152 : memref<!tpu.dma_semaphore, #tpu.memory_space<semaphore_mem>>)
      %dma_wait3A_158 = arith.constant 0 : i32
      %dma_wait3A_159 = tpu.memref_slice %arg5[%arg0, %mul3A_6, %dma_wait3A_158] : memref<2x10240x128xf32, #tpu.memory_space<hbm>> -> memref<1x640x128xf32, #tpu.memory_space<hbm>>
      %dma_wait3A_160 = tpu.memref_squeeze %dma_wait3A_159 : memref<1x640x128xf32, #tpu.memory_space<hbm>> -> memref<640x128xf32, #tpu.memory_space<hbm>>
      %dma_wait3A_161 = arith.constant 0 : i32
      %dma_wait3A_162 = tpu.memref_slice %arg11[%mul3A_6, %dma_wait3A_161] : memref<10240x128xf32, #tpu.memory_space<vmem_shared>> -> memref<640x128xf32, #tpu.memory_space<vmem_shared>>
      tpu.wait_dma2 semaphore(%run_scoped3A_152 : memref<!tpu.dma_semaphore, #tpu.memory_space<semaphore_mem>>) src(%dma_wait3A_162 : memref<640x128xf32, #tpu.memory_space<vmem_shared>>) dst(%dma_wait3A_160 : memref<640x128xf32, #tpu.memory_space<hbm>>)
      tpu.yield
    }) : () -> ()
    return
  }
}

module attributes {stable_mosaic.version = 14 : i64} {
  func.func @_tc1_body(%arg0: i32, %arg1: memref<1000x128xf32, #tpu.memory_space<vmem>>, %arg2: memref<128x128xf32, #tpu.memory_space<vmem>>, %arg3: memref<2x1000x16xf32, #tpu.memory_space<vmem>>, %arg4: memref<1000x128xf32, #tpu.memory_space<vmem>>) attributes {dimension_semantics = [#tpu.dimension_semantics<arbitrary>], iteration_bounds = array<i64: 10>, scalar_prefetch = 0 : i64, scratch_operands = 0 : i64, tpu.core_type = #tpu.core_type<tc>, window_params = [{transform_indices = @transform_0, window_bounds = array<i64: 1000, 128>}, {pipeline_mode = #tpu.pipeline_mode<synchronous>, transform_indices = @transform_1, window_bounds = array<i64: 128, 128>}, {transform_indices = @transform_2, window_bounds = array<i64: 2, 1000, 16>}, {transform_indices = @transform_3, window_bounds = array<i64: 1000, 128>}]} {
    %get3A = arith.constant 0 : index
    %get3A_0 = arith.constant 0 : index
    %get3A_1 = arith.constant 0 : index
    %get3A_2 = vector.load %arg3[%get3A, %get3A_0, %get3A_1] : memref<2x1000x16xf32, #tpu.memory_space<vmem>>, vector<1x1000x1xf32>
    %get3A_3 = vector.shape_cast %get3A_2 : vector<1x1000x1xf32> to vector<1000x1xf32>
    %get3A_4 = arith.constant 1 : index
    %get3A_5 = arith.constant 0 : index
    %get3A_6 = arith.constant 0 : index
    %get3A_7 = vector.load %arg3[%get3A_4, %get3A_5, %get3A_6] : memref<2x1000x16xf32, #tpu.memory_space<vmem>>, vector<1x1000x1xf32>
    %get3A_8 = vector.shape_cast %get3A_7 : vector<1x1000x1xf32> to vector<1000x1xf32>
    %add3A = arith.addf %get3A_3, %get3A_8 : vector<1000x1xf32>
    %add3A_9 = arith.constant 1.000000e+00 : f32
    %add3A_10 = vector.broadcast %add3A_9 : f32 to vector<1000x1xf32>
    %add3A_11 = arith.addf %add3A, %add3A_10 : vector<1000x1xf32>
    %rsqrt3A = math.rsqrt %add3A_11 : vector<1000x1xf32>
    %get3A_12 = arith.constant 0 : index
    %get3A_13 = arith.constant 0 : index
    %get3A_14 = vector.load %arg1[%get3A_12, %get3A_13] : memref<1000x128xf32, #tpu.memory_space<vmem>>, vector<1000x128xf32>
    %get3A_15 = arith.constant 0 : index
    %get3A_16 = arith.constant 0 : index
    %get3A_17 = vector.load %arg2[%get3A_15, %get3A_16] : memref<128x128xf32, #tpu.memory_space<vmem>>, vector<128x128xf32>
    %dot_general3A = arith.constant dense<0.000000e+00> : vector<1000x128xf32>
    %dot_general3A_18 = tpu.matmul %get3A_14, %get3A_17, %dot_general3A {dimension_numbers = #tpu.dot_dimension_numbers<[1], [0], [0], [1], [0, 0, 1, 1], [], []>, transpose_lhs_hint = false} : vector<1000x128xf32>, vector<128x128xf32>, vector<1000x128xf32> -> vector<1000x128xf32>
    %mul3A = vector.broadcast %rsqrt3A : vector<1000x1xf32> to vector<1000x128xf32>
    %mul3A_19 = arith.mulf %dot_general3A_18, %mul3A : vector<1000x128xf32>
    %swap3A = arith.constant 0 : index
    %swap3A_20 = arith.constant 0 : index
    %swap3A_21 = vector.load %arg4[%swap3A, %swap3A_20] : memref<1000x128xf32, #tpu.memory_space<vmem>>, vector<1000x128xf32>
    tpu.vector_store %arg4[%swap3A, %swap3A_20], %mul3A_19 {strides = array<i32>} : memref<1000x128xf32, #tpu.memory_space<vmem>>, vector<1000x128xf32>,
    return
  }
  func.func @transform_0(%arg0: i32) -> (i32, i32) {
    %c0_i32 = arith.constant 0 : i32
    %c0_i32_0 = arith.constant 0 : i32
    return %arg0, %c0_i32 : i32, i32
  }
  func.func @transform_1(%arg0: i32) -> (i32, i32) {
    %c0_i32 = arith.constant 0 : i32
    %c0_i32_0 = arith.constant 0 : i32
    %c0_i32_1 = arith.constant 0 : i32
    return %c0_i32, %c0_i32_0 : i32, i32
  }
  func.func @transform_2(%arg0: i32) -> (i32, i32, i32) {
    %c0_i32 = arith.constant 0 : i32
    %c0_i32_0 = arith.constant 0 : i32
    %c0_i32_1 = arith.constant 0 : i32
    return %c0_i32, %arg0, %c0_i32_0 : i32, i32, i32
  }
  func.func @transform_3(%arg0: i32) -> (i32, i32) {
    %c0_i32 = arith.constant 0 : i32
    %c0_i32_0 = arith.constant 0 : i32
    return %arg0, %c0_i32 : i32, i32
  }
}

module attributes {stable_mosaic.version = 14 : i64} {
  func.func @_tc2_body(%arg0: i32, %arg1: memref<2x1000x128xf32, #tpu.memory_space<vmem>>, %arg2: memref<1000x128xf32, #tpu.memory_space<vmem>>, %arg3: memref<2x1000x16xf32, #tpu.memory_space<vmem>>, %arg4: memref<128x128xf32, #tpu.memory_space<vmem>>, %arg5: memref<1x128xf32, #tpu.memory_space<vmem>>, %arg6: memref<1000x128xf32, #tpu.memory_space<vmem>>) attributes {dimension_semantics = [#tpu.dimension_semantics<arbitrary>], iteration_bounds = array<i64: 10>, scalar_prefetch = 0 : i64, scratch_operands = 0 : i64, tpu.core_type = #tpu.core_type<tc>, window_params = [{transform_indices = @transform_0, window_bounds = array<i64: 2, 1000, 128>}, {transform_indices = @transform_1, window_bounds = array<i64: 1000, 128>}, {transform_indices = @transform_2, window_bounds = array<i64: 2, 1000, 16>}, {pipeline_mode = #tpu.pipeline_mode<synchronous>, transform_indices = @transform_3, window_bounds = array<i64: 128, 128>}, {pipeline_mode = #tpu.pipeline_mode<synchronous>, transform_indices = @transform_4, window_bounds = array<i64: 1, 128>}, {transform_indices = @transform_5, window_bounds = array<i64: 1000, 128>}]} {
    %get3A = arith.constant 0 : index
    %get3A_0 = arith.constant 0 : index
    %get3A_1 = arith.constant 0 : index
    %get3A_2 = vector.load %arg3[%get3A, %get3A_0, %get3A_1] : memref<2x1000x16xf32, #tpu.memory_space<vmem>>, vector<1x1000x1xf32>
    %get3A_3 = vector.shape_cast %get3A_2 : vector<1x1000x1xf32> to vector<1000x1xf32>
    %get3A_4 = arith.constant 1 : index
    %get3A_5 = arith.constant 0 : index
    %get3A_6 = arith.constant 0 : index
    %get3A_7 = vector.load %arg3[%get3A_4, %get3A_5, %get3A_6] : memref<2x1000x16xf32, #tpu.memory_space<vmem>>, vector<1x1000x1xf32>
    %get3A_8 = vector.shape_cast %get3A_7 : vector<1x1000x1xf32> to vector<1000x1xf32>
    %add3A = arith.addf %get3A_3, %get3A_8 : vector<1000x1xf32>
    %add3A_9 = arith.constant 1.000000e+00 : f32
    %add3A_10 = vector.broadcast %add3A_9 : f32 to vector<1000x1xf32>
    %add3A_11 = arith.addf %add3A, %add3A_10 : vector<1000x1xf32>
    %rsqrt3A = math.rsqrt %add3A_11 : vector<1000x1xf32>
    %get3A_12 = arith.constant 0 : index
    %get3A_13 = arith.constant 0 : index
    %get3A_14 = arith.constant 0 : index
    %get3A_15 = vector.load %arg1[%get3A_12, %get3A_13, %get3A_14] : memref<2x1000x128xf32, #tpu.memory_space<vmem>>, vector<1x1000x128xf32>
    %get3A_16 = vector.shape_cast %get3A_15 : vector<1x1000x128xf32> to vector<1000x128xf32>
    %get3A_17 = arith.constant 1 : index
    %get3A_18 = arith.constant 0 : index
    %get3A_19 = arith.constant 0 : index
    %get3A_20 = vector.load %arg1[%get3A_17, %get3A_18, %get3A_19] : memref<2x1000x128xf32, #tpu.memory_space<vmem>>, vector<1x1000x128xf32>
    %get3A_21 = vector.shape_cast %get3A_20 : vector<1x1000x128xf32> to vector<1000x128xf32>
    %add3A_22 = arith.addf %get3A_16, %get3A_21 : vector<1000x128xf32>
    %get3A_23 = arith.constant 0 : index
    %get3A_24 = arith.constant 0 : index
    %get3A_25 = vector.load %arg2[%get3A_23, %get3A_24] : memref<1000x128xf32, #tpu.memory_space<vmem>>, vector<1000x128xf32>
    %add3A_26 = arith.addf %add3A_22, %get3A_25 : vector<1000x128xf32>
    %mul3A = vector.broadcast %rsqrt3A : vector<1000x1xf32> to vector<1000x128xf32>
    %mul3A_27 = arith.mulf %add3A_26, %mul3A : vector<1000x128xf32>
    %get3A_28 = arith.constant 0 : index
    %get3A_29 = arith.constant 0 : index
    %get3A_30 = vector.load %arg5[%get3A_28, %get3A_29] : memref<1x128xf32, #tpu.memory_space<vmem>>, vector<1x128xf32>
    %add3A_31 = vector.broadcast %get3A_30 : vector<1x128xf32> to vector<1000x128xf32>
    %add3A_32 = arith.addf %mul3A_27, %add3A_31 : vector<1000x128xf32>
    %max3A = arith.constant 0.000000e+00 : f32
    %max3A_33 = vector.broadcast %max3A : f32 to vector<1000x128xf32>
    %max3A_34 = arith.maximumf %add3A_32, %max3A_33 : vector<1000x128xf32>
    %get3A_35 = arith.constant 0 : index
    %get3A_36 = arith.constant 0 : index
    %get3A_37 = vector.load %arg4[%get3A_35, %get3A_36] : memref<128x128xf32, #tpu.memory_space<vmem>>, vector<128x128xf32>
    %dot_general3A = arith.constant dense<0.000000e+00> : vector<1000x128xf32>
    %dot_general3A_38 = tpu.matmul %max3A_34, %get3A_37, %dot_general3A {dimension_numbers = #tpu.dot_dimension_numbers<[1], [0], [0], [1], [0, 0, 1, 1], [], []>, transpose_lhs_hint = false} : vector<1000x128xf32>, vector<128x128xf32>, vector<1000x128xf32> -> vector<1000x128xf32>
    %mul3A_39 = vector.broadcast %rsqrt3A : vector<1000x1xf32> to vector<1000x128xf32>
    %mul3A_40 = arith.mulf %dot_general3A_38, %mul3A_39 : vector<1000x128xf32>
    %swap3A = arith.constant 0 : index
    %swap3A_41 = arith.constant 0 : index
    %swap3A_42 = vector.load %arg6[%swap3A, %swap3A_41] : memref<1000x128xf32, #tpu.memory_space<vmem>>, vector<1000x128xf32>
    tpu.vector_store %arg6[%swap3A, %swap3A_41], %mul3A_40 {strides = array<i32>} : memref<1000x128xf32, #tpu.memory_space<vmem>>, vector<1000x128xf32>,
    return
  }
  func.func @transform_0(%arg0: i32) -> (i32, i32, i32) {
    %c0_i32 = arith.constant 0 : i32
    %c0_i32_0 = arith.constant 0 : i32
    %c0_i32_1 = arith.constant 0 : i32
    return %c0_i32, %arg0, %c0_i32_0 : i32, i32, i32
  }
  func.func @transform_1(%arg0: i32) -> (i32, i32) {
    %c0_i32 = arith.constant 0 : i32
    %c0_i32_0 = arith.constant 0 : i32
    return %arg0, %c0_i32 : i32, i32
  }
  func.func @transform_2(%arg0: i32) -> (i32, i32, i32) {
    %c0_i32 = arith.constant 0 : i32
    %c0_i32_0 = arith.constant 0 : i32
    %c0_i32_1 = arith.constant 0 : i32
    return %c0_i32, %arg0, %c0_i32_0 : i32, i32, i32
  }
  func.func @transform_3(%arg0: i32) -> (i32, i32) {
    %c0_i32 = arith.constant 0 : i32
    %c0_i32_0 = arith.constant 0 : i32
    %c0_i32_1 = arith.constant 0 : i32
    return %c0_i32, %c0_i32_0 : i32, i32
  }
  func.func @transform_4(%arg0: i32) -> (i32, i32) {
    %c0_i32 = arith.constant 0 : i32
    %c0_i32_0 = arith.constant 0 : i32
    %c0_i32_1 = arith.constant 0 : i32
    return %c0_i32, %c0_i32_0 : i32, i32
  }
  func.func @transform_5(%arg0: i32) -> (i32, i32) {
    %c0_i32 = arith.constant 0 : i32
    %c0_i32_0 = arith.constant 0 : i32
    return %arg0, %c0_i32 : i32, i32
  }
}

module attributes {stable_mosaic.version = 14 : i64} {
  func.func @_tc3_body(%arg0: i32, %arg1: memref<2x1000x128xf32, #tpu.memory_space<vmem>>, %arg2: memref<1000x128xf32, #tpu.memory_space<vmem>>, %arg3: memref<2x1000x16xf32, #tpu.memory_space<vmem>>, %arg4: memref<1x128xf32, #tpu.memory_space<vmem>>, %arg5: memref<1000x128xf32, #tpu.memory_space<vmem>>) attributes {dimension_semantics = [#tpu.dimension_semantics<arbitrary>], iteration_bounds = array<i64: 10>, scalar_prefetch = 0 : i64, scratch_operands = 0 : i64, tpu.core_type = #tpu.core_type<tc>, window_params = [{transform_indices = @transform_0, window_bounds = array<i64: 2, 1000, 128>}, {transform_indices = @transform_1, window_bounds = array<i64: 1000, 128>}, {transform_indices = @transform_2, window_bounds = array<i64: 2, 1000, 16>}, {pipeline_mode = #tpu.pipeline_mode<synchronous>, transform_indices = @transform_3, window_bounds = array<i64: 1, 128>}, {transform_indices = @transform_4, window_bounds = array<i64: 1000, 128>}]} {
    %get3A = arith.constant 0 : index
    %get3A_0 = arith.constant 0 : index
    %get3A_1 = arith.constant 0 : index
    %get3A_2 = vector.load %arg3[%get3A, %get3A_0, %get3A_1] : memref<2x1000x16xf32, #tpu.memory_space<vmem>>, vector<1x1000x1xf32>
    %get3A_3 = vector.shape_cast %get3A_2 : vector<1x1000x1xf32> to vector<1000x1xf32>
    %get3A_4 = arith.constant 1 : index
    %get3A_5 = arith.constant 0 : index
    %get3A_6 = arith.constant 0 : index
    %get3A_7 = vector.load %arg3[%get3A_4, %get3A_5, %get3A_6] : memref<2x1000x16xf32, #tpu.memory_space<vmem>>, vector<1x1000x1xf32>
    %get3A_8 = vector.shape_cast %get3A_7 : vector<1x1000x1xf32> to vector<1000x1xf32>
    %add3A = arith.addf %get3A_3, %get3A_8 : vector<1000x1xf32>
    %add3A_9 = arith.constant 1.000000e+00 : f32
    %add3A_10 = vector.broadcast %add3A_9 : f32 to vector<1000x1xf32>
    %add3A_11 = arith.addf %add3A, %add3A_10 : vector<1000x1xf32>
    %rsqrt3A = math.rsqrt %add3A_11 : vector<1000x1xf32>
    %get3A_12 = arith.constant 0 : index
    %get3A_13 = arith.constant 0 : index
    %get3A_14 = arith.constant 0 : index
    %get3A_15 = vector.load %arg1[%get3A_12, %get3A_13, %get3A_14] : memref<2x1000x128xf32, #tpu.memory_space<vmem>>, vector<1x1000x128xf32>
    %get3A_16 = vector.shape_cast %get3A_15 : vector<1x1000x128xf32> to vector<1000x128xf32>
    %get3A_17 = arith.constant 1 : index
    %get3A_18 = arith.constant 0 : index
    %get3A_19 = arith.constant 0 : index
    %get3A_20 = vector.load %arg1[%get3A_17, %get3A_18, %get3A_19] : memref<2x1000x128xf32, #tpu.memory_space<vmem>>, vector<1x1000x128xf32>
    %get3A_21 = vector.shape_cast %get3A_20 : vector<1x1000x128xf32> to vector<1000x128xf32>
    %add3A_22 = arith.addf %get3A_16, %get3A_21 : vector<1000x128xf32>
    %get3A_23 = arith.constant 0 : index
    %get3A_24 = arith.constant 0 : index
    %get3A_25 = vector.load %arg2[%get3A_23, %get3A_24] : memref<1000x128xf32, #tpu.memory_space<vmem>>, vector<1000x128xf32>
    %add3A_26 = arith.addf %add3A_22, %get3A_25 : vector<1000x128xf32>
    %mul3A = vector.broadcast %rsqrt3A : vector<1000x1xf32> to vector<1000x128xf32>
    %mul3A_27 = arith.mulf %add3A_26, %mul3A : vector<1000x128xf32>
    %get3A_28 = arith.constant 0 : index
    %get3A_29 = arith.constant 0 : index
    %get3A_30 = vector.load %arg4[%get3A_28, %get3A_29] : memref<1x128xf32, #tpu.memory_space<vmem>>, vector<1x128xf32>
    %add3A_31 = vector.broadcast %get3A_30 : vector<1x128xf32> to vector<1000x128xf32>
    %add3A_32 = arith.addf %mul3A_27, %add3A_31 : vector<1000x128xf32>
    %swap3A = arith.constant 0 : index
    %swap3A_33 = arith.constant 0 : index
    %swap3A_34 = vector.load %arg5[%swap3A, %swap3A_33] : memref<1000x128xf32, #tpu.memory_space<vmem>>, vector<1000x128xf32>
    tpu.vector_store %arg5[%swap3A, %swap3A_33], %add3A_32 {strides = array<i32>} : memref<1000x128xf32, #tpu.memory_space<vmem>>, vector<1000x128xf32>,
    return
  }
  func.func @transform_0(%arg0: i32) -> (i32, i32, i32) {
    %c0_i32 = arith.constant 0 : i32
    %c0_i32_0 = arith.constant 0 : i32
    %c0_i32_1 = arith.constant 0 : i32
    return %c0_i32, %arg0, %c0_i32_0 : i32, i32, i32
  }
  func.func @transform_1(%arg0: i32) -> (i32, i32) {
    %c0_i32 = arith.constant 0 : i32
    %c0_i32_0 = arith.constant 0 : i32
    return %arg0, %c0_i32 : i32, i32
  }
  func.func @transform_2(%arg0: i32) -> (i32, i32, i32) {
    %c0_i32 = arith.constant 0 : i32
    %c0_i32_0 = arith.constant 0 : i32
    %c0_i32_1 = arith.constant 0 : i32
    return %c0_i32, %arg0, %c0_i32_0 : i32, i32, i32
  }
  func.func @transform_3(%arg0: i32) -> (i32, i32) {
    %c0_i32 = arith.constant 0 : i32
    %c0_i32_0 = arith.constant 0 : i32
    %c0_i32_1 = arith.constant 0 : i32
    return %c0_i32, %c0_i32_0 : i32, i32
  }
  func.func @transform_4(%arg0: i32) -> (i32, i32) {
    %c0_i32 = arith.constant 0 : i32
    %c0_i32_0 = arith.constant 0 : i32
    return %arg0, %c0_i32 : i32, i32
  }
}

</mosaic_0001>

<sc_bundles>
// kernel: kernel.11.cloned.1.call-start
scs
__scs_entry_jumppad:
0x0: {  	(pc) =	sbr.rel $0x88, $3  }
0x1: {  	(tag) =	ssettag $0x0;
	lr =	simm.s32 $0x1  }
0x2: {  	[smem:$0x3F9B] =	sst lr;
	_ =	strace $0xD0000000  }
0x3: {  	_ = 	snop  }
0x4: {  	_ = 	snop  }
0x5: {  	_ = 	snop  }
0x6: {  	_ = 	snop  }
0x7: {  	_ = 	snop  }
__scs_overlays_trampoline_lowered:
0x8: {  	[smem:$0x3FAA] =	sst s0  }
0x9: {  	[smem:$0x3FAB] =	sst s1  }
0xa: {  	[smem:$0x3FAC] =	sst s2  }
0xb: {  	[smem:$0x3FAD] =	sst s3  }
0xc: {  	[smem:$0x3FAE] =	sst s4  }
0xd: {  	[smem:$0x3FAF] =	sst s5  }
0xe: {  	[smem:$0x3FB0] =	sst s6  }
0xf: {  	[smem:$0x3FB1] =	sst s7  }
0x10: {  	[smem:$0x3FB2] =	sst s8  }
0x11: {  	[smem:$0x3FB3] =	sst s9;
	s0 =	simm.s32 @!p0 $0x0  }
0x12: {  	s1 =	sld [smem:$0x3F99];
	s0 =	simm.s32 @p0 $0x1  }
0x13: {  	[smem:$0x3FB4] =	sst s0;
	s0 =	simm.s32 @!p1 $0x0  }
0x14: {  	s2 =	sld [smem:$0x3F98];
	s0 =	simm.s32 @p1 $0x1  }
0x15: {  	[smem:$0x3FB5] =	sst s0;
	s0 =	simm.s32 @!p2 $0x0  }
0x16: {  	s3 =	sld [smem:$0x3FDB];
	s0 =	simm.s32 @p2 $0x1  }
0x17: {  	s4 =	simm.s32 $0x1BF5;
	[smem:$0x3FB7] =	sst s0  }
0x18: {  	s0 =	sld [smem:$0x3F9A];
	_ =	swait.ge [sflag:s4], $0x0  }
0x19: {  	s7 =	sld [smem:$0x3F9B]  }
0x1a: {  	s8 =	sadd.s32 $0xFFFFE003, lr  }
0x1b: {  	s9 =	sadd.s32 $0xFFFFFEF7, lr;
	s5 =	simm.s32 $0xFFFFFFFF;
	p2 =	slt.u32 s8, $0xFFFFF086  }
0x1c: {  	p1 =	slt.u32 s9, $0xF7A;
	s5 =	simm.s32 @!p2 $0x0  }
0x1d: {  	s5 =	simm.s32 @p1 $0x1;
	p0 =	seq.s32 s7, s2  }
0x1e: {  	s7 =	smul.u32 @!p0 $0xF7A, s2;
	p2 =	seq.s32 @!p0 s5, $0x0  }
0x1f: {  	s9 =	smul.u32 $0xF7A, s1;
	s8 =	simm.s32 @!p0 $0x1BF5;
	p2 =	por !p2, p0  }
0x20: {  	[sflag:s8] =	ssyncset.s32 @!p0 $0xFFFFF086;
	s6 =	sadd.s32 @!p0 s3, s7;
	s7 =	simm.s32 @!p0 $0x108  }
0x21: {  	s3 =	sadd.s32 s3, s9;
	s6 =	sadd.s32 @!p0 $0x88, s6;
	s7 =	simm.s32 @p2 $0x1082  }
0x22: {  	[simem:s7], [sflag:s8] =	dma.local @!p0 [hbm:s6], $0xF7A  }
0x23: {  	s9 =	sor.u32 $0xD0000000, s2;
	s6 =	simm.s32 $0x108;
	_ =	swait.ge @!p0 [sflag:s8], $0x0  }
0x24: {  	s3 =	sadd.s32 $0x88, s3;
	s6 =	simm.s32 @!p1 $0x1082;
	[sflag:s4] =	ssyncset.s32 $0xFFFFF086  }
0x25: {  	[simem:s6], [sflag:s4] =	dma.local [hbm:s3], $0xF7A  }
0x26: {  	[smem:$0x3F9B] =	sst s1;
	(tag) =	ssettag s2;
	_ =	strace s9  }
0x27: {  	s1 =	sld [smem:$0x3FAB]  }
0x28: {  	s2 =	sld [smem:$0x3FAC]  }
0x29: {  	s4 =	sld [smem:$0x3FAE]  }
0x2a: {  	p0 =	seq.s32 s5, $0x0;
	s5 =	sld [smem:$0x3FAF]  }
0x2b: {  	s6 =	sld [smem:$0x3FB0]  }
0x2c: {  	s7 =	sld [smem:$0x3FB1]  }
0x2d: {  	s3 =	simm.s32 $0x108;
	s8 =	sld [smem:$0x3FB2]  }
0x2e: {  	s3 =	simm.s32 @!p0 $0x1082;
	s9 =	sld [smem:$0x3FB3]  }
0x2f: {  	lr =	sadd.s32 s0, s3;
	s0 =	sld [smem:$0x3FAA]  }
0x30: {  	s3 =	sld [smem:$0x3FAD]  }
0x31: {  	[smem:$0x3FB6] =	sst s10  }
0x32: {  	s10 =	sld [smem:$0x3FB4];
	_ =	sdelay $0x3  }
0x33: {  	p0 =	seq.s32 s10, $0x1;
	s10 =	sld [smem:$0x3FB6];
	_ =	sdelay $0x3  }
0x34: {  	[smem:$0x3FB6] =	sst s10  }
0x35: {  	s10 =	sld [smem:$0x3FB5];
	_ =	sdelay $0x3  }
0x36: {  	p1 =	seq.s32 s10, $0x1;
	s10 =	sld [smem:$0x3FB6];
	_ =	sdelay $0x3  }
0x37: {  	[smem:$0x3FB6] =	sst s10  }
0x38: {  	s10 =	sld [smem:$0x3FB7]  }
0x39: {  	_ = 	snop;
	(pc) =	sbr.ind lr, $3  }
0x3a: {  	_ = 	snop  }
0x3b: {  	_ = 	snop  }
0x3c: {  	p2 =	seq.s32 s10, $0x1;
	s10 =	sld [smem:$0x3FB6]  }
0x3d: {  	_ =	shalt  }
0x3e: {  	_ =	shalt  }
0x3f: {  	_ =	shalt  }
0x40: {  	_ =	shalt  }
0x41: {  	_ =	shalt  }
0x42: {  	_ =	shalt  }
0x43: {  	_ =	shalt  }
0x44: {  	_ =	shalt  }
0x45: {  	_ =	shalt  }
0x46: {  	_ =	shalt  }
0x47: {  	_ =	shalt  }
0x48: {  	_ =	shalt  }
0x49: {  	_ =	shalt  }
0x4a: {  	_ =	shalt  }
0x4b: {  	_ =	shalt  }
0x4c: {  	_ =	shalt  }
0x4d: {  	_ =	shalt  }
0x4e: {  	_ =	shalt  }
0x4f: {  	_ =	shalt  }
0x50: {  	_ =	shalt  }
0x51: {  	_ =	shalt  }
0x52: {  	_ =	shalt  }
0x53: {  	_ =	shalt  }
0x54: {  	_ =	shalt  }
0x55: {  	_ =	shalt  }
0x56: {  	_ =	shalt  }
0x57: {  	_ =	shalt  }
0x58: {  	_ =	shalt  }
0x59: {  	_ =	shalt  }
0x5a: {  	_ =	shalt  }
0x5b: {  	_ =	shalt  }
0x5c: {  	_ =	shalt  }
0x5d: {  	_ =	shalt  }
0x5e: {  	_ =	shalt  }
0x5f: {  	_ =	shalt  }
0x60: {  	_ =	shalt  }
0x61: {  	_ =	shalt  }
0x62: {  	_ =	shalt  }
0x63: {  	_ =	shalt  }
0x64: {  	_ =	shalt  }
0x65: {  	_ =	shalt  }
0x66: {  	_ =	shalt  }
0x67: {  	_ =	shalt  }
0x68: {  	_ =	shalt  }
0x69: {  	_ =	shalt  }
0x6a: {  	_ =	shalt  }
0x6b: {  	_ =	shalt  }
0x6c: {  	_ =	shalt  }
0x6d: {  	_ =	shalt  }
0x6e: {  	_ =	shalt  }
0x6f: {  	_ =	shalt  }
0x70: {  	_ =	shalt  }
0x71: {  	_ =	shalt  }
0x72: {  	_ =	shalt  }
0x73: {  	_ =	shalt  }
0x74: {  	_ =	shalt  }
0x75: {  	_ =	shalt  }
0x76: {  	_ =	shalt  }
0x77: {  	_ =	shalt  }
0x78: {  	_ =	shalt  }
0x79: {  	_ =	shalt  }
0x7a: {  	_ =	shalt  }
0x7b: {  	_ =	shalt  }
0x7c: {  	_ =	shalt  }
0x7d: {  	_ =	shalt  }
0x7e: {  	_ =	shalt  }
0x7f: {  	_ =	shalt  }
0x80: {  	_ =	shalt  }
0x81: {  	_ =	shalt  }
0x82: {  	_ =	shalt  }
0x83: {  	_ =	shalt  }
0x84: {  	_ =	shalt  }
0x85: {  	_ =	shalt  }
0x86: {  	_ =	shalt  }
0x87: {  	_ =	shalt  }
.Lfunc_end0:
.L_simem_size_0:
called_computation.1_lowered:
.L_overlay_start_0:
0x88: {  	s2 =	sld [smem:$0x3FD9]  }
0x89: {  	s3 =	sld [smem:$0x3FFE];
	_ =	sdelay $0x1  }
0x8a: {  	s1 =	srdreg.scid  }
0x8b: {  	s0 =	sand.u32 $0x1, s1  }
0x8c: {  	s17 =	sshll.u32 s0, $0xA;
	s2 =	sadd.s32 s3, s2  }
0x8d: {  	s2 =	sadd.s32 s2, s17  }
0x8e: {  	[smem:$0x3FC2] =	sst s2  }
0x8f: {  	_ = 	snop  }
0x90: {  	s2 =	sld [smem:$0x3FD0];
	(tm) =	ssettm $0x1  }
0x91: {  	s18 =	sld [smem:$0x3FFB];
	_ =	sdelay $0x3  }
0x92: {  	_ =	strace s18  }
0x93: {  	s3 =	sld [smem:$0x3FFC];
	_ =	sdelay $0x3  }
0x94: {  	_ =	strace s3  }
0x95: {  	s3 =	sld [smem:$0x3FFD];
	_ =	sdelay $0x3  }
0x96: {  	_ =	strace s3  }
0x97: {  	_ =	strace $0x8FFFFFFF  }
0x98: {  	s19 =	sld [smem:$0x3FDB];
	_ =	sdelay $0x1  }
0x99: {  	s4 =	simm.s32 $_scs_section_size  }
0x9a: {  	s5 =	simm.s32 $_size__tile_overlayer_lowered;
	s6 =	simm.s32 $_tile_overlayer_lowered  }
0x9b: {  	s22 =	simm.s32 $0x1BFF;
	s21 =	sshll.u32 s6, $0x1;
	s3 =	sadd.s32 s4, s19  }
0x9c: {  	s7 =	simm.s32 $0x0;
	s20 =	sshll.u32 s5, $0x1;
	s5 =	sadd.s32 s21, s3  }
0x9d: {  	[timem:s7], [sflag:s22] =	dma.local [hbm:s5], s20  }
0x9e: {  	_ =	swait.ge [sflag:s22], s20  }
0x9f: {  	s4 =	ssub.s32 $0x0, s20;
	[sflag:s22] =	ssyncset.done $0x0  }
0xa0: {  	[sflag:s22] =	ssyncadd.s32 s4;
	_ =	sdelay $0x1  }
0xa1: {  	s23 =	simm.s32 $0x1B8B  }
0xa2: {  	_ =	swait.ge [sflag:s23], $0x1  }
0xa3: {  	[sflag:s23] =	ssyncset.done $0x0  }
0xa4: {  	s25 =	simm.s32 $0x1B8E;
	s24 =	sld [smem:$0x3FFE];
	[sflag:s23] =	ssyncadd.s32 $0xFFFFFFFF  }
0xa5: {  	s26 =	simm.s32 $execute0_lowered;
	[smem:$0x3FD2] =	sst s25  }
0xa6: {  	s5 =	sshll.u32 s26, $0x1;
	_ =	strace $0x80000049;
	[dreg:$0x1] =	wrdreg $0xFFFFFFFF  }
0xa7: {  	s28 =	simm.s32 $_size_execute0_lowered;
	s3 =	sadd.s32 s3, s5;
	[dreg:$0x0] =	wrdreg $0x0  }
0xa8: {  	s5 =	sshll.u32 s28, $0x1;
	[dreg:$0x2] =	wrdreg s3  }
0xa9: {  	[dreg:$0x3] =	wrdreg s5  }
0xaa: {  	[dreg:$0x4] =	wrdreg $0xC0  }
0xab: {  	_ =	task [dreg:s7], $0x5FFFF  }
0xac: {  	[dreg:$0x1] =	wrdreg $0xFFFFFFFF  }
0xad: {  	[dreg:$0x0] =	wrdreg $0x60  }
0xae: {  	[dreg:$0x2] =	wrdreg s2  }
0xaf: {  	[dreg:$0x3] =	wrdreg s24  }
0xb0: {  	[dreg:$0x4] =	wrdreg $0xBF000  }
0xb1: {  	[dreg:$0x5] =	wrdreg $0x9  }
0xb2: {  	_ =	task.clear_ibuf [dreg:s7], $0x6FFFF;
	_ =	strace $0x90000049  }
0xb3: {  	s29 =	simm.s32 $0x9;
	_ =	strace $0x8000004B  }
0xb4: {  	_ =	swait.ge [sflag:s29], $0x1  }
0xb5: {  	[sflag:s29] =	ssyncadd.s32 $0xFFFFFFFF  }
0xb6: {  	_ =	strace $0x9000004B  }
0xb7: {  	_ =	sfence  }
0xb8: {  	s30 =	sld [smem:$0x0];
	_ =	sdelay $0x2  }
0xb9: {  	s31 =	sshll.u32 s1, $0xD;
	s1 =	sshrl.u32 s1, $0x2  }
0xba: {  	s3 =	sand.u32 $0x4000, s31;
	s1 =	sadd.s32 s1, s30  }
0xbb: {  	s0 =	sor.u32 s3, s0;
	s1 =	sshll.u32 s1, $0x11  }
0xbc: {  	s0 =	sor.u32 s1, s0  }
0xbd: {  	s0 =	sadd.s32 $0x8F2B, s0  }
0xbe: {  	[sflag:s0] =	ssyncadd.remote.s32 $0x1  }
0xbf: {  	_ =	sfence.sel $0xFFFF  }
0xc0: {  	[dreg:$0x0] =	wrdreg $0xFFFFFFFF;
	(pc) =	sbr.abs _section_cstart, $3  }
0xc1: {  	[dreg:$0x1] =	wrdreg $0xFFFFFFFF  }
0xc2: {  	_ =	task.clear_ibuf [dreg:s7], $0x2FFFF;
	_ =	strace $0x9FFFFFFF  }
0xc3: {  	(tm) =	ssettm $0x7FFFFFFF  }
tec
execute0_lowered:
.L_overlay_start_1:
0x0: {  	(tag) =	ssettag $0x1  }
0x1: {  	s2 =	rddreg [dreg:$0x0]  }
0x2: {  	s0 =	rddreg [dreg:$0x1];
	s1 =	stileid.u32  }
0x3: {  	s3 =	rddreg [dreg:$0x2];
	s5 =	smul.u32 $0x7C, s1  }
0x4: {  	s4 =	simm.s32 $0x0;
	s6 =	srdreg.scid;
	s7 =	smul.u32 $0x24, s1  }
0x5: {  	s18 =	simm.s32 $0x5;
	s19 =	simm.s32 $0x3E00;
	s23 =	smul.u32 $0x14000, s1  }
0x6: {  	s20 =	simm.s32 $0x80;
	s21 =	simm.s32 $0x3E80;
	s25 =	smul.u32 $0x50000, s1  }
0x7: {  	s22 =	simm.s32 $0x7F00;
	s28 =	simm.s32 $0x0;
	s10 =	smul.u32 $0x1200, s1  }
0x8: {  	[smem:$0x7FF] =	sst s4;
	s17 =	sand.u32 $0x1, s6;
	s12 =	smul.u32 $0x7C0, s1  }
0x9: {  	s11 =	sadd.s32 $0xD200, s0;
	p0 =	seq.s32 s17, $0x0;
	s8 =	smul.u32 $0x140000, s17  }
0xa: {  	_ =	strace $0x8000004A;
	s29 =	ssub.s32 $0x2, s17;
	s7 =	sadd.s32 $0x7C0, s7  }
0xb: {  	s9 =	sshrl.u32 s29, $0x1;
	s31 =	sshrl.u32 s10, $0x3;
	s7 =	smov.u32 @p0 s5  }
0xc: {  	s24 =	sadd.s32 s23, s8;
	s8 =	sshrl.u32 s25, $0x2;
	s15 =	ssub.s32 s29, s9  }
0xd: {  	s10 =	sadd.s32 s11, s31;
	s11 =	sadd.s32 s11, s12;
	p0 =	sne.s32 s17, $0x0  }
0xe: {  	s17 =	simm.s32 $0x3F00;
	s25 =	simm.s32 $0x2;
	s5 =	sshll.u32 s7, $0x4  }
0xf: {  	s26 =	sshrl.u32 s24, $0x3;
	s30 =	sadd.s32 s8, s3;
	s10 =	sadd.s32 $0x7C00, s10  }
0x10: {  	s15 =	smax.u32 s15, $0x1;
	s24 =	simm.s32 $0x3;
	s16 =	sadd.s32 s5, s0  }
0x11: {  	s0 =	sadd.s32 s26, s0;
	s5 =	sadd.s32 s23, s3;
	s6 =	sadd.s32 $0x4000, s30  }
0x12: {  	s7 =	sadd.s32 $0x8000, s30;
	s8 =	sadd.s32 $0xC000, s30;
	s9 =	sadd.s32 $0x10000, s30  }
0x13: {  	s23 =	simm.s32 $0x1;
	s26 =	simm.s32 $0x4;
	s12 =	sadd.s32 $0x3200, s16  }
0x14: {  	v0 =	vimm.f32 $0.0e+00;
	s13 =	sadd.s32 $0x3210, s16;
	s14 =	sadd.s32 $0x67200, s0;
	s16 =	sadd.s32 $0x3220, s16  }
.LBB2_1:
0x15: {  	s29 =	simm.s32 $0x0;
	s30 =	simm.s32 $0x200  }
.LBB2_2:
0x16: {  	p1 =	sne.s32 s30, $0xFE00;
	[tilespmem:s29+$0x3F70] =	vst v0  }
0x17: {  	[tilespmem:s29+$0x3F00] =	vst v0  }
0x18: {  	[tilespmem:s29+$0x3F10] =	vst v0  }
.Ltmp0:
0x19: {  	[tilespmem:s29+$0x3F20] =	vst v0;
	(pc) =	sbr.rel @p1 .LBB2_2-.Ltmp0, $4  }
0x1a: {  	[tilespmem:s29+$0x3F30] =	vst v0  }
0x1b: {  	[tilespmem:s29+$0x3F40] =	vst v0  }
0x1c: {  	[tilespmem:s29+$0x3F50] =	vst v0  }
0x1d: {  	[tilespmem:s29+$0x3F60] =	vst v0;
	s29 =	sshra.s32 s30, $0x2;
	s30 =	sadd.s32 $0x200, s30  }
0x1e: {  	[tilespmem:s29+$0x3F70] =	vst v0  }
0x1f: {  	[tilespmem:s29+$0x3F00] =	vst v0  }
0x20: {  	[tilespmem:s29+$0x3F10] =	vst v0  }
0x21: {  	[tilespmem:s29+$0x3F20] =	vst v0  }
0x22: {  	[tilespmem:s29+$0x3F30] =	vst v0  }
0x23: {  	[tilespmem:s29+$0x3F40] =	vst v0  }
0x24: {  	[tilespmem:s29+$0x3F50] =	vst v0  }
0x25: {  	[tilespmem:s29+$0x3F60] =	vst v0  }
0x26: {  	[spmem:s5] =	stream.linear.scatter [tilespmem:s17], [sflag:$0x5], $0x4000, $0x38;
	[tilespmem:$0x1FF00] =	vst v63  }
0x27: {  	_ =	swait.ge [sflag:s18], $0x4000  }
0x28: {  	[sflag:s18] =	ssyncset.done $0x0  }
0x29: {  	[sflag:s18] =	ssyncadd.s32 $0xFFFFC000  }
0x2a: {  	[spmem:s6] =	stream.linear.scatter [tilespmem:s17], [sflag:$0x5], $0x4000, $0x38;
	[tilespmem:$0x1FF00] =	vst v63  }
0x2b: {  	_ =	swait.ge [sflag:s18], $0x4000  }
0x2c: {  	[sflag:s18] =	ssyncset.done $0x0  }
0x2d: {  	[sflag:s18] =	ssyncadd.s32 $0xFFFFC000  }
0x2e: {  	[spmem:s7] =	stream.linear.scatter [tilespmem:s17], [sflag:$0x5], $0x4000, $0x38;
	[tilespmem:$0x1FF00] =	vst v63  }
0x2f: {  	_ =	swait.ge [sflag:s18], $0x4000  }
0x30: {  	[sflag:s18] =	ssyncset.done $0x0  }
0x31: {  	[sflag:s18] =	ssyncadd.s32 $0xFFFFC000  }
0x32: {  	[spmem:s8] =	stream.linear.scatter [tilespmem:s17], [sflag:$0x5], $0x4000, $0x38;
	[tilespmem:$0x1FF00] =	vst v63  }
0x33: {  	_ =	swait.ge [sflag:s18], $0x4000  }
0x34: {  	[sflag:s18] =	ssyncset.done $0x0  }
0x35: {  	[sflag:s18] =	ssyncadd.s32 $0xFFFFC000  }
0x36: {  	[spmem:s9] =	stream.linear.scatter [tilespmem:s17], [sflag:$0x5], $0x4000, $0x38;
	[tilespmem:$0x1FF00] =	vst v63  }
0x37: {  	_ =	swait.ge [sflag:s18], $0x4000  }
0x38: {  	[sflag:s18] =	ssyncset.done $0x0  }
0x39: {  	s0 =	simm.s32 @p0 $0x0;
	[sflag:s18] =	ssyncadd.s32 $0xFFFFC000  }
0x3a: {  	[tilespmem:s0], [sflag:$0x5] =	stream.linear.gather @p0 [hbm4b:s10+s0], $0x1200, $0x38;
	[tilespmem:$0x1FF00] =	vst v63  }
0x3b: {  	s0 =	simm.s32 @p0 $0x5  }
0x3c: {  	_ =	swait.ge @p0 [sflag:s0], $0x1200  }
0x3d: {  	[sflag:s0] =	ssyncset.done @p0 $0x0  }
0x3e: {  	[sflag:s0] =	ssyncadd.s32 @p0 $0xFFFFEE00;
	s0 =	simm.s32 @!p0 $0x0  }
0x3f: {  	[tilespmem:s0], [sflag:$0x5] =	stream.linear.gather @!p0 [hbm4b:s11+s0], $0x3E00, $0x38;
	[tilespmem:$0x1FF00] =	vst v63  }
0x40: {  	s0 =	simm.s32 @!p0 $0x5  }
0x41: {  	_ =	swait.ge @!p0 [sflag:s0], $0x3E00  }
0x42: {  	[sflag:s0] =	ssyncset.done @!p0 $0x0  }
0x43: {  	[sflag:s0] =	ssyncadd.s32 @!p0 $0xFFFFC200  }
0x44: {  	[bflag:$0x0] =	sbarrier.arrive $0xFFFF  }
0x45: {  	[tilespmem:s19], [sflag:$0x3] =	stream.linear.gather [hbm4b:s12+s4], $0x80, $0x38;
	[tilespmem:$0x1FF00] =	vst v63  }
0x46: {  	_ = 	snop  }
0x47: {  	[tilespmem:s17], [sflag:$0x1] =	stream.indirect.gather [hbm4b:s2+s20], $0x80, s4, s20, $0xb8;
	[tilespmem:$0x1FF00] =	vst v63  }
0x48: {  	_ = 	snop  }
0x49: {  	[tilespmem:s21], [sflag:$0x4] =	stream.linear.gather [hbm4b:s13+s4], $0x80, $0x38;
	[tilespmem:$0x1FF00] =	vst v63  }
0x4a: {  	_ = 	snop  }
0x4b: {  	[tilespmem:s22], [sflag:$0x2] =	stream.indirect.gather [hbm4b:s2+s20], $0x80, s20, s20, $0xb8;
	[tilespmem:$0x1FF00] =	vst v63  }
0x4c: {  	_ =	swait.ge [sflag:s23], $0x4000  }
0x4d: {  	[sflag:s23] =	ssyncset.done $0x0  }
0x4e: {  	[sflag:s23] =	ssyncadd.s32 $0xFFFFC000  }
0x4f: {  	_ =	swait.ge [sflag:s24], $0x80  }
0x50: {  	[sflag:s24] =	ssyncset.done $0x0  }
0x51: {  	[sflag:s24] =	ssyncadd.s32 $0xFFFFFF80  }
0x52: {  	[spmem:s3] =	stream.indirect.scatter.add.f32 [tilespmem:s17], [sflag:$0x5], $0x80, s19, s20, $0xb8;
	[tilespmem:$0x1FF00] =	vst v63  }
0x53: {  	_ =	swait.ge [sflag:s18], $0x4000  }
0x54: {  	[sflag:s18] =	ssyncset.done $0x0  }
0x55: {  	[sflag:s18] =	ssyncadd.s32 $0xFFFFC000  }
0x56: {  	[tilespmem:s19], [sflag:$0x3] =	stream.linear.gather [hbm4b:s16+s4], $0x80, $0x38;
	[tilespmem:$0x1FF00] =	vst v63  }
0x57: {  	s0 =	simm.s32 $0x100  }
0x58: {  	[tilespmem:s17], [sflag:$0x1] =	stream.indirect.gather [hbm4b:s2+s20], $0x80, s0, s20, $0xb8;
	[tilespmem:$0x1FF00] =	vst v63  }
0x59: {  	_ =	swait.ge [sflag:s25], $0x4000  }
0x5a: {  	[sflag:s25] =	ssyncset.done $0x0  }
0x5b: {  	[sflag:s25] =	ssyncadd.s32 $0xFFFFC000  }
0x5c: {  	s0 =	simm.s32 @!p0 $0x3D;
	_ =	swait.ge [sflag:s26], $0x80  }
0x5d: {  	s0 =	simm.s32 @p0 $0x11;
	[sflag:s26] =	ssyncset.done $0x0  }
0x5e: {  	p1 =	sne.s32 s0, $0x1;
	[sflag:s26] =	ssyncadd.s32 $0xFFFFFF80  }
0x5f: {  	[spmem:s3] =	stream.indirect.scatter.add.f32 [tilespmem:s22], [sflag:$0x5], $0x80, s21, s20, $0xb8;
	[tilespmem:$0x1FF00] =	vst v63  }
.Ltmp1:
0x60: {  	_ =	swait.ge [sflag:s18], $0x4000;
	(pc) =	sbr.rel @!p1 .LBB2_5-.Ltmp1, $4  }
0x61: {  	[sflag:s18] =	ssyncset.done $0x0  }
0x62: {  	s29 =	sadd.s32 $0x10, s16;
	s30 =	simm.s32 $0x200;
	[sflag:s18] =	ssyncadd.s32 $0xFFFFC000  }
0x63: {  	[tilespmem:s21], [sflag:$0x4] =	stream.linear.gather [hbm4b:s29+s4], $0x80, $0x38;
	[tilespmem:$0x1FF00] =	vst v63  }
0x64: {  	s31 =	sadd.s32 $0x20, s16;
	s29 =	sadd.s32 $0xFFFFFFFF, s0;
	s0 =	simm.s32 $0x180  }
.LBB2_4:
0x65: {  	[tilespmem:s22], [sflag:$0x2] =	stream.indirect.gather [hbm4b:s2+s20], $0x80, s0, s20, $0xb8;
	[tilespmem:$0x1FF00] =	vst v63  }
0x66: {  	p1 =	sne.s32 s29, $0x1;
	s29 =	sadd.s32 $0xFFFFFFFF, s29;
	_ =	swait.ge [sflag:s23], $0x4000  }
0x67: {  	[sflag:s23] =	ssyncset.done $0x0  }
0x68: {  	[sflag:s23] =	ssyncadd.s32 $0xFFFFC000  }
0x69: {  	_ =	swait.ge [sflag:s24], $0x80  }
0x6a: {  	[sflag:s24] =	ssyncset.done $0x0  }
0x6b: {  	[sflag:s24] =	ssyncadd.s32 $0xFFFFFF80  }
0x6c: {  	[spmem:s3] =	stream.indirect.scatter.add.f32 [tilespmem:s17], [sflag:$0x5], $0x80, s19, s20, $0xb8;
	[tilespmem:$0x1FF00] =	vst v63  }
0x6d: {  	_ =	swait.ge [sflag:s18], $0x4000  }
0x6e: {  	[sflag:s18] =	ssyncset.done $0x0  }
0x6f: {  	[sflag:s18] =	ssyncadd.s32 $0xFFFFC000  }
0x70: {  	[tilespmem:s19], [sflag:$0x3] =	stream.linear.gather [hbm4b:s31+s4], $0x80, $0x38;
	[tilespmem:$0x1FF00] =	vst v63  }
0x71: {  	_ = 	snop  }
0x72: {  	[tilespmem:s17], [sflag:$0x1] =	stream.indirect.gather [hbm4b:s2+s20], $0x80, s30, s20, $0xb8;
	[tilespmem:$0x1FF00] =	vst v63  }
0x73: {  	_ =	swait.ge [sflag:s25], $0x4000  }
0x74: {  	[sflag:s25] =	ssyncset.done $0x0  }
0x75: {  	[sflag:s25] =	ssyncadd.s32 $0xFFFFC000  }
0x76: {  	_ =	swait.ge [sflag:s26], $0x80  }
0x77: {  	[sflag:s26] =	ssyncset.done $0x0  }
0x78: {  	[sflag:s26] =	ssyncadd.s32 $0xFFFFFF80  }
0x79: {  	[spmem:s3] =	stream.indirect.scatter.add.f32 [tilespmem:s22], [sflag:$0x5], $0x80, s21, s20, $0xb8;
	[tilespmem:$0x1FF00] =	vst v63  }
.Ltmp2:
0x7a: {  	_ =	swait.ge [sflag:s18], $0x4000;
	(pc) =	sbr.rel @p1 .LBB2_4-.Ltmp2, $4  }
0x7b: {  	[sflag:s18] =	ssyncset.done $0x0  }
0x7c: {  	s0 =	sadd.s32 $0x10, s31;
	[sflag:s18] =	ssyncadd.s32 $0xFFFFC000  }
0x7d: {  	[tilespmem:s21], [sflag:$0x4] =	stream.linear.gather [hbm4b:s0+s4], $0x80, $0x38;
	[tilespmem:$0x1FF00] =	vst v63  }
0x7e: {  	s31 =	sadd.s32 $0x20, s31;
	s0 =	sadd.s32 $0x80, s30;
	s30 =	sadd.s32 $0x100, s30  }
.LBB2_5:
0x7f: {  	[tilespmem:s22], [sflag:$0x2] =	stream.indirect.gather [hbm4b:s2+s20], $0x80, s0, s20, $0xb8;
	[tilespmem:$0x1FF00] =	vst v63  }
0x80: {  	_ =	swait.ge [sflag:s23], $0x4000  }
0x81: {  	[sflag:s23] =	ssyncset.done $0x0  }
0x82: {  	[sflag:s23] =	ssyncadd.s32 $0xFFFFC000  }
0x83: {  	_ =	swait.ge [sflag:s24], $0x80  }
0x84: {  	[sflag:s24] =	ssyncset.done $0x0  }
0x85: {  	[sflag:s24] =	ssyncadd.s32 $0xFFFFFF80  }
0x86: {  	[spmem:s3] =	stream.indirect.scatter.add.f32 [tilespmem:s17], [sflag:$0x5], $0x80, s19, s20, $0xb8;
	[tilespmem:$0x1FF00] =	vst v63  }
0x87: {  	_ =	swait.ge [sflag:s18], $0x4000  }
0x88: {  	[sflag:s18] =	ssyncset.done $0x0  }
0x89: {  	[sflag:s18] =	ssyncadd.s32 $0xFFFFC000  }
0x8a: {  	_ =	swait.ge [sflag:s25], $0x4000  }
0x8b: {  	[sflag:s25] =	ssyncset.done $0x0  }
0x8c: {  	[sflag:s25] =	ssyncadd.s32 $0xFFFFC000  }
0x8d: {  	_ =	swait.ge [sflag:s26], $0x80  }
0x8e: {  	[sflag:s26] =	ssyncset.done $0x0  }
0x8f: {  	[sflag:s26] =	ssyncadd.s32 $0xFFFFFF80  }
0x90: {  	[spmem:s3] =	stream.indirect.scatter.add.f32 [tilespmem:s22], [sflag:$0x5], $0x80, s21, s20, $0xb8;
	[tilespmem:$0x1FF00] =	vst v63  }
0x91: {  	_ =	swait.ge [sflag:s18], $0x4000  }
0x92: {  	s31 =	sshll.u32 s1, $0x6;
	s28 =	sadd.s32 $0x1, s28;
	[sflag:s18] =	ssyncset.done $0x0  }
0x93: {  	s29 =	sshrl.u32 s5, $0x3;
	p1 =	sne.s32 s28, s15;
	[sflag:s18] =	ssyncadd.s32 $0xFFFFC000  }
.Ltmp3:
0x94: {  	s0 =	sor.u32 $0x1C05, s31;
	[bflag:$0x0] =	sbarrier.arrive $0xFFFF;
	(pc) =	sbr.rel @p1 .LBB2_1-.Ltmp3, $4  }
0x95: {  	[hbm:s14], [sflag:s0] =	dma.local [spmem:s29], $0x2800  }
0x96: {  	_ =	swait.ge [sflag:s18], $0x2800  }
0x97: {  	[sflag:s18] =	ssyncset.done $0x0  }
0x98: {  	[sflag:s18] =	ssyncadd.s32 $0xFFFFD800  }
0x99: {  	_ =	sfence.sel $0x180000  }
0x9a: {  	[bflag:$0x0] =	sbarrier.arrive $0xFFFF  }
0x9b: {  	_ =	strace $0x9000004A  }
0x9c: {  	[bflag:$0x2] =	sbarrier.arrive $0xFFFF  }
0x9d: {  	p0 =	sne.s32 s1, $0x0;
	s0 =	rddreg [dreg:$0x3]  }
0x9e: {  	s0 =	sadd.s32 @!p0 $0x100000, s0  }
0x9f: {  	[sflag:s0] =	ssyncadd.tile.s32 @!p0 $0x1;
	_ =	shalt  }
.Lfunc_end2:
_tile_overlayer_lowered:
.L_overlay_start_2:
0xa0: {  	(tag) =	ssettag $0x2  }
0xa1: {  	s0 =	rddreg [dreg:$0x0];
	s2 =	stileid.u32  }
0xa2: {  	s1 =	rddreg [dreg:$0x1];
	p0 =	sne.s32 s2, $0x0  }
0xa3: {  	s3 =	rddreg [dreg:$0x2];
	[bflag:$0x3] =	sbarrier.arrive $0xFFFF;
	s2 =	simm.s32 @!p0 $0x1C05  }
0xa4: {  	[timem:s3], [sflag:s2] =	dma.local @!p0 [hbm:s0], s1  }
0xa5: {  	s0 =	simm.s32 @!p0 $0x5  }
0xa6: {  	_ =	swait.ge @!p0 [sflag:s0], s1  }
0xa7: {  	s1 =	ssub.s32 @!p0 $0x0, s1;
	[sflag:s0] =	ssyncset.done @!p0 $0x0  }
0xa8: {  	[sflag:s0] =	ssyncadd.s32 @!p0 s1  }
0xa9: {  	[bflag:$0x3] =	sbarrier.arrive $0xFFFF  }
0xaa: {  	_ =	shalt  }

// kernel: kernel.14.cloned.1.call-start
scs
__scs_entry_jumppad:
0x0: {  	(pc) =	sbr.rel $0x88, $3  }
0x1: {  	(tag) =	ssettag $0x0;
	lr =	simm.s32 $0x1  }
0x2: {  	[smem:$0x3F9B] =	sst lr;
	_ =	strace $0xD0000000  }
0x3: {  	_ = 	snop  }
0x4: {  	_ = 	snop  }
0x5: {  	_ = 	snop  }
0x6: {  	_ = 	snop  }
0x7: {  	_ = 	snop  }
__scs_overlays_trampoline_lowered:
0x8: {  	[smem:$0x3FAA] =	sst s0  }
0x9: {  	[smem:$0x3FAB] =	sst s1  }
0xa: {  	[smem:$0x3FAC] =	sst s2  }
0xb: {  	[smem:$0x3FAD] =	sst s3  }
0xc: {  	[smem:$0x3FAE] =	sst s4  }
0xd: {  	[smem:$0x3FAF] =	sst s5  }
0xe: {  	[smem:$0x3FB0] =	sst s6  }
0xf: {  	[smem:$0x3FB1] =	sst s7  }
0x10: {  	[smem:$0x3FB2] =	sst s8  }
0x11: {  	[smem:$0x3FB3] =	sst s9;
	s0 =	simm.s32 @!p0 $0x0  }
0x12: {  	s1 =	sld [smem:$0x3F99];
	s0 =	simm.s32 @p0 $0x1  }
0x13: {  	[smem:$0x3FB4] =	sst s0;
	s0 =	simm.s32 @!p1 $0x0  }
0x14: {  	s2 =	sld [smem:$0x3F98];
	s0 =	simm.s32 @p1 $0x1  }
0x15: {  	[smem:$0x3FB5] =	sst s0;
	s0 =	simm.s32 @!p2 $0x0  }
0x16: {  	s3 =	sld [smem:$0x3FDB];
	s0 =	simm.s32 @p2 $0x1  }
0x17: {  	s4 =	simm.s32 $0x1BF5;
	[smem:$0x3FB7] =	sst s0  }
0x18: {  	s0 =	sld [smem:$0x3F9A];
	_ =	swait.ge [sflag:s4], $0x0  }
0x19: {  	s7 =	sld [smem:$0x3F9B]  }
0x1a: {  	s8 =	sadd.s32 $0xFFFFE003, lr  }
0x1b: {  	s9 =	sadd.s32 $0xFFFFFEF7, lr;
	s5 =	simm.s32 $0xFFFFFFFF;
	p2 =	slt.u32 s8, $0xFFFFF086  }
0x1c: {  	p1 =	slt.u32 s9, $0xF7A;
	s5 =	simm.s32 @!p2 $0x0  }
0x1d: {  	s5 =	simm.s32 @p1 $0x1;
	p0 =	seq.s32 s7, s2  }
0x1e: {  	s7 =	smul.u32 @!p0 $0xF7A, s2;
	p2 =	seq.s32 @!p0 s5, $0x0  }
0x1f: {  	s9 =	smul.u32 $0xF7A, s1;
	s8 =	simm.s32 @!p0 $0x1BF5;
	p2 =	por !p2, p0  }
0x20: {  	[sflag:s8] =	ssyncset.s32 @!p0 $0xFFFFF086;
	s6 =	sadd.s32 @!p0 s3, s7;
	s7 =	simm.s32 @!p0 $0x108  }
0x21: {  	s3 =	sadd.s32 s3, s9;
	s6 =	sadd.s32 @!p0 $0x88, s6;
	s7 =	simm.s32 @p2 $0x1082  }
0x22: {  	[simem:s7], [sflag:s8] =	dma.local @!p0 [hbm:s6], $0xF7A  }
0x23: {  	s9 =	sor.u32 $0xD0000000, s2;
	s6 =	simm.s32 $0x108;
	_ =	swait.ge @!p0 [sflag:s8], $0x0  }
0x24: {  	s3 =	sadd.s32 $0x88, s3;
	s6 =	simm.s32 @!p1 $0x1082;
	[sflag:s4] =	ssyncset.s32 $0xFFFFF086  }
0x25: {  	[simem:s6], [sflag:s4] =	dma.local [hbm:s3], $0xF7A  }
0x26: {  	[smem:$0x3F9B] =	sst s1;
	(tag) =	ssettag s2;
	_ =	strace s9  }
0x27: {  	s1 =	sld [smem:$0x3FAB]  }
0x28: {  	s2 =	sld [smem:$0x3FAC]  }
0x29: {  	s4 =	sld [smem:$0x3FAE]  }
0x2a: {  	p0 =	seq.s32 s5, $0x0;
	s5 =	sld [smem:$0x3FAF]  }
0x2b: {  	s6 =	sld [smem:$0x3FB0]  }
0x2c: {  	s7 =	sld [smem:$0x3FB1]  }
0x2d: {  	s3 =	simm.s32 $0x108;
	s8 =	sld [smem:$0x3FB2]  }
0x2e: {  	s3 =	simm.s32 @!p0 $0x1082;
	s9 =	sld [smem:$0x3FB3]  }
0x2f: {  	lr =	sadd.s32 s0, s3;
	s0 =	sld [smem:$0x3FAA]  }
0x30: {  	s3 =	sld [smem:$0x3FAD]  }
0x31: {  	[smem:$0x3FB6] =	sst s10  }
0x32: {  	s10 =	sld [smem:$0x3FB4];
	_ =	sdelay $0x3  }
0x33: {  	p0 =	seq.s32 s10, $0x1;
	s10 =	sld [smem:$0x3FB6];
	_ =	sdelay $0x3  }
0x34: {  	[smem:$0x3FB6] =	sst s10  }
0x35: {  	s10 =	sld [smem:$0x3FB5];
	_ =	sdelay $0x3  }
0x36: {  	p1 =	seq.s32 s10, $0x1;
	s10 =	sld [smem:$0x3FB6];
	_ =	sdelay $0x3  }
0x37: {  	[smem:$0x3FB6] =	sst s10  }
0x38: {  	s10 =	sld [smem:$0x3FB7]  }
0x39: {  	_ = 	snop;
	(pc) =	sbr.ind lr, $3  }
0x3a: {  	_ = 	snop  }
0x3b: {  	_ = 	snop  }
0x3c: {  	p2 =	seq.s32 s10, $0x1;
	s10 =	sld [smem:$0x3FB6]  }
0x3d: {  	_ =	shalt  }
0x3e: {  	_ =	shalt  }
0x3f: {  	_ =	shalt  }
0x40: {  	_ =	shalt  }
0x41: {  	_ =	shalt  }
0x42: {  	_ =	shalt  }
0x43: {  	_ =	shalt  }
0x44: {  	_ =	shalt  }
0x45: {  	_ =	shalt  }
0x46: {  	_ =	shalt  }
0x47: {  	_ =	shalt  }
0x48: {  	_ =	shalt  }
0x49: {  	_ =	shalt  }
0x4a: {  	_ =	shalt  }
0x4b: {  	_ =	shalt  }
0x4c: {  	_ =	shalt  }
0x4d: {  	_ =	shalt  }
0x4e: {  	_ =	shalt  }
0x4f: {  	_ =	shalt  }
0x50: {  	_ =	shalt  }
0x51: {  	_ =	shalt  }
0x52: {  	_ =	shalt  }
0x53: {  	_ =	shalt  }
0x54: {  	_ =	shalt  }
0x55: {  	_ =	shalt  }
0x56: {  	_ =	shalt  }
0x57: {  	_ =	shalt  }
0x58: {  	_ =	shalt  }
0x59: {  	_ =	shalt  }
0x5a: {  	_ =	shalt  }
0x5b: {  	_ =	shalt  }
0x5c: {  	_ =	shalt  }
0x5d: {  	_ =	shalt  }
0x5e: {  	_ =	shalt  }
0x5f: {  	_ =	shalt  }
0x60: {  	_ =	shalt  }
0x61: {  	_ =	shalt  }
0x62: {  	_ =	shalt  }
0x63: {  	_ =	shalt  }
0x64: {  	_ =	shalt  }
0x65: {  	_ =	shalt  }
0x66: {  	_ =	shalt  }
0x67: {  	_ =	shalt  }
0x68: {  	_ =	shalt  }
0x69: {  	_ =	shalt  }
0x6a: {  	_ =	shalt  }
0x6b: {  	_ =	shalt  }
0x6c: {  	_ =	shalt  }
0x6d: {  	_ =	shalt  }
0x6e: {  	_ =	shalt  }
0x6f: {  	_ =	shalt  }
0x70: {  	_ =	shalt  }
0x71: {  	_ =	shalt  }
0x72: {  	_ =	shalt  }
0x73: {  	_ =	shalt  }
0x74: {  	_ =	shalt  }
0x75: {  	_ =	shalt  }
0x76: {  	_ =	shalt  }
0x77: {  	_ =	shalt  }
0x78: {  	_ =	shalt  }
0x79: {  	_ =	shalt  }
0x7a: {  	_ =	shalt  }
0x7b: {  	_ =	shalt  }
0x7c: {  	_ =	shalt  }
0x7d: {  	_ =	shalt  }
0x7e: {  	_ =	shalt  }
0x7f: {  	_ =	shalt  }
0x80: {  	_ =	shalt  }
0x81: {  	_ =	shalt  }
0x82: {  	_ =	shalt  }
0x83: {  	_ =	shalt  }
0x84: {  	_ =	shalt  }
0x85: {  	_ =	shalt  }
0x86: {  	_ =	shalt  }
0x87: {  	_ =	shalt  }
.Lfunc_end0:
.L_simem_size_0:
called_computation.2_lowered:
.L_overlay_start_0:
0x88: {  	s2 =	sld [smem:$0x3FD9]  }
0x89: {  	s3 =	sld [smem:$0x3FFE];
	_ =	sdelay $0x1  }
0x8a: {  	s1 =	srdreg.scid  }
0x8b: {  	s0 =	sand.u32 $0x1, s1  }
0x8c: {  	s17 =	sshll.u32 s0, $0xA;
	s2 =	sadd.s32 s3, s2  }
0x8d: {  	s2 =	sadd.s32 s2, s17  }
0x8e: {  	[smem:$0x3FC2] =	sst s2  }
0x8f: {  	_ = 	snop  }
0x90: {  	s2 =	sld [smem:$0x3FD0];
	(tm) =	ssettm $0x1  }
0x91: {  	s18 =	sld [smem:$0x3FFB];
	_ =	sdelay $0x3  }
0x92: {  	_ =	strace s18  }
0x93: {  	s3 =	sld [smem:$0x3FFC];
	_ =	sdelay $0x3  }
0x94: {  	_ =	strace s3  }
0x95: {  	s3 =	sld [smem:$0x3FFD];
	_ =	sdelay $0x3  }
0x96: {  	_ =	strace s3  }
0x97: {  	_ =	strace $0x8FFFFFFF  }
0x98: {  	s19 =	sld [smem:$0x3FDB];
	_ =	sdelay $0x1  }
0x99: {  	s4 =	simm.s32 $_scs_section_size  }
0x9a: {  	s5 =	simm.s32 $_size__tile_overlayer_lowered;
	s6 =	simm.s32 $_tile_overlayer_lowered  }
0x9b: {  	s22 =	simm.s32 $0x1BFF;
	s21 =	sshll.u32 s6, $0x1;
	s3 =	sadd.s32 s4, s19  }
0x9c: {  	s7 =	simm.s32 $0x0;
	s20 =	sshll.u32 s5, $0x1;
	s5 =	sadd.s32 s21, s3  }
0x9d: {  	[timem:s7], [sflag:s22] =	dma.local [hbm:s5], s20  }
0x9e: {  	_ =	swait.ge [sflag:s22], s20  }
0x9f: {  	s4 =	ssub.s32 $0x0, s20;
	[sflag:s22] =	ssyncset.done $0x0  }
0xa0: {  	[sflag:s22] =	ssyncadd.s32 s4;
	_ =	sdelay $0x1  }
0xa1: {  	s23 =	simm.s32 $0x1B8B  }
0xa2: {  	_ =	swait.ge [sflag:s23], $0x1  }
0xa3: {  	[sflag:s23] =	ssyncset.done $0x0  }
0xa4: {  	s25 =	simm.s32 $0x1B8E;
	s24 =	sld [smem:$0x3FFE];
	[sflag:s23] =	ssyncadd.s32 $0xFFFFFFFF  }
0xa5: {  	s26 =	simm.s32 $execute0_lowered;
	[smem:$0x3FD2] =	sst s25  }
0xa6: {  	s5 =	sshll.u32 s26, $0x1;
	_ =	strace $0x8000004C;
	[dreg:$0x1] =	wrdreg $0xFFFFFFFF  }
0xa7: {  	s28 =	simm.s32 $_size_execute0_lowered;
	s3 =	sadd.s32 s3, s5;
	[dreg:$0x0] =	wrdreg $0x0  }
0xa8: {  	s5 =	sshll.u32 s28, $0x1;
	[dreg:$0x2] =	wrdreg s3  }
0xa9: {  	[dreg:$0x3] =	wrdreg s5  }
0xaa: {  	[dreg:$0x4] =	wrdreg $0xC0  }
0xab: {  	_ =	task [dreg:s7], $0x5FFFF  }
0xac: {  	[dreg:$0x1] =	wrdreg $0xFFFFFFFF  }
0xad: {  	[dreg:$0x0] =	wrdreg $0x60  }
0xae: {  	[dreg:$0x2] =	wrdreg s2  }
0xaf: {  	[dreg:$0x3] =	wrdreg s24  }
0xb0: {  	[dreg:$0x4] =	wrdreg $0xBF000  }
0xb1: {  	[dreg:$0x5] =	wrdreg $0x9  }
0xb2: {  	_ =	task.clear_ibuf [dreg:s7], $0x6FFFF;
	_ =	strace $0x9000004C  }
0xb3: {  	s29 =	simm.s32 $0x9;
	_ =	strace $0x8000004E  }
0xb4: {  	_ =	swait.ge [sflag:s29], $0x1  }
0xb5: {  	[sflag:s29] =	ssyncadd.s32 $0xFFFFFFFF  }
0xb6: {  	_ =	strace $0x9000004E  }
0xb7: {  	_ =	sfence  }
0xb8: {  	s30 =	sld [smem:$0x0];
	_ =	sdelay $0x2  }
0xb9: {  	s31 =	sshll.u32 s1, $0xD;
	s1 =	sshrl.u32 s1, $0x2  }
0xba: {  	s3 =	sand.u32 $0x4000, s31;
	s1 =	sadd.s32 s1, s30  }
0xbb: {  	s0 =	sor.u32 s3, s0;
	s1 =	sshll.u32 s1, $0x11  }
0xbc: {  	s0 =	sor.u32 s1, s0  }
0xbd: {  	s0 =	sadd.s32 $0x8F2B, s0  }
0xbe: {  	[sflag:s0] =	ssyncadd.remote.s32 $0x1  }
0xbf: {  	_ =	sfence.sel $0xFFFF  }
0xc0: {  	[dreg:$0x0] =	wrdreg $0xFFFFFFFF;
	(pc) =	sbr.abs _section_cstart, $3  }
0xc1: {  	[dreg:$0x1] =	wrdreg $0xFFFFFFFF  }
0xc2: {  	_ =	task.clear_ibuf [dreg:s7], $0x2FFFF;
	_ =	strace $0x9FFFFFFF  }
0xc3: {  	(tm) =	ssettm $0x7FFFFFFF  }
tec
execute0_lowered:
.L_overlay_start_1:
0x0: {  	(tag) =	ssettag $0x1  }
0x1: {  	s2 =	rddreg [dreg:$0x0]  }
0x2: {  	s0 =	rddreg [dreg:$0x1];
	s1 =	stileid.u32  }
0x3: {  	s3 =	rddreg [dreg:$0x2];
	s5 =	smul.u32 $0x7C, s1  }
0x4: {  	s4 =	simm.s32 $0x0;
	s6 =	srdreg.scid;
	s7 =	smul.u32 $0x24, s1  }
0x5: {  	s18 =	simm.s32 $0x5;
	s19 =	simm.s32 $0x3E00;
	s23 =	smul.u32 $0x14000, s1  }
0x6: {  	s20 =	simm.s32 $0x80;
	s21 =	simm.s32 $0x3E80;
	s25 =	smul.u32 $0x50000, s1  }
0x7: {  	s22 =	simm.s32 $0x7F00;
	s28 =	simm.s32 $0x0;
	s10 =	smul.u32 $0x1200, s1  }
0x8: {  	[smem:$0x7FF] =	sst s4;
	s17 =	sand.u32 $0x1, s6;
	s12 =	smul.u32 $0x7C0, s1  }
0x9: {  	s11 =	sadd.s32 $0xD200, s0;
	p0 =	seq.s32 s17, $0x0;
	s8 =	smul.u32 $0x140000, s17  }
0xa: {  	_ =	strace $0x8000004D;
	s29 =	ssub.s32 $0x2, s17;
	s7 =	sadd.s32 $0x7C0, s7  }
0xb: {  	s9 =	sshrl.u32 s29, $0x1;
	s31 =	sshrl.u32 s10, $0x3;
	s7 =	smov.u32 @p0 s5  }
0xc: {  	s24 =	sadd.s32 s23, s8;
	s8 =	sshrl.u32 s25, $0x2;
	s15 =	ssub.s32 s29, s9  }
0xd: {  	s10 =	sadd.s32 s11, s31;
	s11 =	sadd.s32 s11, s12;
	p0 =	sne.s32 s17, $0x0  }
0xe: {  	s17 =	simm.s32 $0x3F00;
	s25 =	simm.s32 $0x2;
	s5 =	sshll.u32 s7, $0x4  }
0xf: {  	s26 =	sshrl.u32 s24, $0x3;
	s30 =	sadd.s32 s8, s3;
	s10 =	sadd.s32 $0x7C00, s10  }
0x10: {  	s15 =	smax.u32 s15, $0x1;
	s24 =	simm.s32 $0x3;
	s16 =	sadd.s32 s5, s0  }
0x11: {  	s0 =	sadd.s32 s26, s0;
	s5 =	sadd.s32 s23, s3;
	s6 =	sadd.s32 $0x4000, s30  }
0x12: {  	s7 =	sadd.s32 $0x8000, s30;
	s8 =	sadd.s32 $0xC000, s30;
	s9 =	sadd.s32 $0x10000, s30  }
0x13: {  	s23 =	simm.s32 $0x1;
	s26 =	simm.s32 $0x4;
	s12 =	sadd.s32 $0x3200, s16  }
0x14: {  	v0 =	vimm.f32 $0.0e+00;
	s13 =	sadd.s32 $0x3210, s16;
	s14 =	sadd.s32 $0x67200, s0;
	s16 =	sadd.s32 $0x3220, s16  }
.LBB2_1:
0x15: {  	s29 =	simm.s32 $0x0;
	s30 =	simm.s32 $0x200  }
.LBB2_2:
0x16: {  	p1 =	sne.s32 s30, $0xFE00;
	[tilespmem:s29+$0x3F70] =	vst v0  }
0x17: {  	[tilespmem:s29+$0x3F00] =	vst v0  }
0x18: {  	[tilespmem:s29+$0x3F10] =	vst v0  }
.Ltmp0:
0x19: {  	[tilespmem:s29+$0x3F20] =	vst v0;
	(pc) =	sbr.rel @p1 .LBB2_2-.Ltmp0, $4  }
0x1a: {  	[tilespmem:s29+$0x3F30] =	vst v0  }
0x1b: {  	[tilespmem:s29+$0x3F40] =	vst v0  }
0x1c: {  	[tilespmem:s29+$0x3F50] =	vst v0  }
0x1d: {  	[tilespmem:s29+$0x3F60] =	vst v0;
	s29 =	sshra.s32 s30, $0x2;
	s30 =	sadd.s32 $0x200, s30  }
0x1e: {  	[tilespmem:s29+$0x3F70] =	vst v0  }
0x1f: {  	[tilespmem:s29+$0x3F00] =	vst v0  }
0x20: {  	[tilespmem:s29+$0x3F10] =	vst v0  }
0x21: {  	[tilespmem:s29+$0x3F20] =	vst v0  }
0x22: {  	[tilespmem:s29+$0x3F30] =	vst v0  }
0x23: {  	[tilespmem:s29+$0x3F40] =	vst v0  }
0x24: {  	[tilespmem:s29+$0x3F50] =	vst v0  }
0x25: {  	[tilespmem:s29+$0x3F60] =	vst v0  }
0x26: {  	[spmem:s5] =	stream.linear.scatter [tilespmem:s17], [sflag:$0x5], $0x4000, $0x38;
	[tilespmem:$0x1FF00] =	vst v63  }
0x27: {  	_ =	swait.ge [sflag:s18], $0x4000  }
0x28: {  	[sflag:s18] =	ssyncset.done $0x0  }
0x29: {  	[sflag:s18] =	ssyncadd.s32 $0xFFFFC000  }
0x2a: {  	[spmem:s6] =	stream.linear.scatter [tilespmem:s17], [sflag:$0x5], $0x4000, $0x38;
	[tilespmem:$0x1FF00] =	vst v63  }
0x2b: {  	_ =	swait.ge [sflag:s18], $0x4000  }
0x2c: {  	[sflag:s18] =	ssyncset.done $0x0  }
0x2d: {  	[sflag:s18] =	ssyncadd.s32 $0xFFFFC000  }
0x2e: {  	[spmem:s7] =	stream.linear.scatter [tilespmem:s17], [sflag:$0x5], $0x4000, $0x38;
	[tilespmem:$0x1FF00] =	vst v63  }
0x2f: {  	_ =	swait.ge [sflag:s18], $0x4000  }
0x30: {  	[sflag:s18] =	ssyncset.done $0x0  }
0x31: {  	[sflag:s18] =	ssyncadd.s32 $0xFFFFC000  }
0x32: {  	[spmem:s8] =	stream.linear.scatter [tilespmem:s17], [sflag:$0x5], $0x4000, $0x38;
	[tilespmem:$0x1FF00] =	vst v63  }
0x33: {  	_ =	swait.ge [sflag:s18], $0x4000  }
0x34: {  	[sflag:s18] =	ssyncset.done $0x0  }
0x35: {  	[sflag:s18] =	ssyncadd.s32 $0xFFFFC000  }
0x36: {  	[spmem:s9] =	stream.linear.scatter [tilespmem:s17], [sflag:$0x5], $0x4000, $0x38;
	[tilespmem:$0x1FF00] =	vst v63  }
0x37: {  	_ =	swait.ge [sflag:s18], $0x4000  }
0x38: {  	[sflag:s18] =	ssyncset.done $0x0  }
0x39: {  	s0 =	simm.s32 @p0 $0x0;
	[sflag:s18] =	ssyncadd.s32 $0xFFFFC000  }
0x3a: {  	[tilespmem:s0], [sflag:$0x5] =	stream.linear.gather @p0 [hbm4b:s10+s0], $0x1200, $0x38;
	[tilespmem:$0x1FF00] =	vst v63  }
0x3b: {  	s0 =	simm.s32 @p0 $0x5  }
0x3c: {  	_ =	swait.ge @p0 [sflag:s0], $0x1200  }
0x3d: {  	[sflag:s0] =	ssyncset.done @p0 $0x0  }
0x3e: {  	[sflag:s0] =	ssyncadd.s32 @p0 $0xFFFFEE00;
	s0 =	simm.s32 @!p0 $0x0  }
0x3f: {  	[tilespmem:s0], [sflag:$0x5] =	stream.linear.gather @!p0 [hbm4b:s11+s0], $0x3E00, $0x38;
	[tilespmem:$0x1FF00] =	vst v63  }
0x40: {  	s0 =	simm.s32 @!p0 $0x5  }
0x41: {  	_ =	swait.ge @!p0 [sflag:s0], $0x3E00  }
0x42: {  	[sflag:s0] =	ssyncset.done @!p0 $0x0  }
0x43: {  	[sflag:s0] =	ssyncadd.s32 @!p0 $0xFFFFC200  }
0x44: {  	[bflag:$0x0] =	sbarrier.arrive $0xFFFF  }
0x45: {  	[tilespmem:s19], [sflag:$0x3] =	stream.linear.gather [hbm4b:s12+s4], $0x80, $0x38;
	[tilespmem:$0x1FF00] =	vst v63  }
0x46: {  	_ = 	snop  }
0x47: {  	[tilespmem:s17], [sflag:$0x1] =	stream.indirect.gather [hbm4b:s2+s20], $0x80, s4, s20, $0xb8;
	[tilespmem:$0x1FF00] =	vst v63  }
0x48: {  	_ = 	snop  }
0x49: {  	[tilespmem:s21], [sflag:$0x4] =	stream.linear.gather [hbm4b:s13+s4], $0x80, $0x38;
	[tilespmem:$0x1FF00] =	vst v63  }
0x4a: {  	_ = 	snop  }
0x4b: {  	[tilespmem:s22], [sflag:$0x2] =	stream.indirect.gather [hbm4b:s2+s20], $0x80, s20, s20, $0xb8;
	[tilespmem:$0x1FF00] =	vst v63  }
0x4c: {  	_ =	swait.ge [sflag:s23], $0x4000  }
0x4d: {  	[sflag:s23] =	ssyncset.done $0x0  }
0x4e: {  	[sflag:s23] =	ssyncadd.s32 $0xFFFFC000  }
0x4f: {  	_ =	swait.ge [sflag:s24], $0x80  }
0x50: {  	[sflag:s24] =	ssyncset.done $0x0  }
0x51: {  	[sflag:s24] =	ssyncadd.s32 $0xFFFFFF80  }
0x52: {  	[spmem:s3] =	stream.indirect.scatter.add.f32 [tilespmem:s17], [sflag:$0x5], $0x80, s19, s20, $0xb8;
	[tilespmem:$0x1FF00] =	vst v63  }
0x53: {  	_ =	swait.ge [sflag:s18], $0x4000  }
0x54: {  	[sflag:s18] =	ssyncset.done $0x0  }
0x55: {  	[sflag:s18] =	ssyncadd.s32 $0xFFFFC000  }
0x56: {  	[tilespmem:s19], [sflag:$0x3] =	stream.linear.gather [hbm4b:s16+s4], $0x80, $0x38;
	[tilespmem:$0x1FF00] =	vst v63  }
0x57: {  	s0 =	simm.s32 $0x100  }
0x58: {  	[tilespmem:s17], [sflag:$0x1] =	stream.indirect.gather [hbm4b:s2+s20], $0x80, s0, s20, $0xb8;
	[tilespmem:$0x1FF00] =	vst v63  }
0x59: {  	_ =	swait.ge [sflag:s25], $0x4000  }
0x5a: {  	[sflag:s25] =	ssyncset.done $0x0  }
0x5b: {  	[sflag:s25] =	ssyncadd.s32 $0xFFFFC000  }
0x5c: {  	s0 =	simm.s32 @!p0 $0x3D;
	_ =	swait.ge [sflag:s26], $0x80  }
0x5d: {  	s0 =	simm.s32 @p0 $0x11;
	[sflag:s26] =	ssyncset.done $0x0  }
0x5e: {  	p1 =	sne.s32 s0, $0x1;
	[sflag:s26] =	ssyncadd.s32 $0xFFFFFF80  }
0x5f: {  	[spmem:s3] =	stream.indirect.scatter.add.f32 [tilespmem:s22], [sflag:$0x5], $0x80, s21, s20, $0xb8;
	[tilespmem:$0x1FF00] =	vst v63  }
.Ltmp1:
0x60: {  	_ =	swait.ge [sflag:s18], $0x4000;
	(pc) =	sbr.rel @!p1 .LBB2_5-.Ltmp1, $4  }
0x61: {  	[sflag:s18] =	ssyncset.done $0x0  }
0x62: {  	s29 =	sadd.s32 $0x10, s16;
	s30 =	simm.s32 $0x200;
	[sflag:s18] =	ssyncadd.s32 $0xFFFFC000  }
0x63: {  	[tilespmem:s21], [sflag:$0x4] =	stream.linear.gather [hbm4b:s29+s4], $0x80, $0x38;
	[tilespmem:$0x1FF00] =	vst v63  }
0x64: {  	s31 =	sadd.s32 $0x20, s16;
	s29 =	sadd.s32 $0xFFFFFFFF, s0;
	s0 =	simm.s32 $0x180  }
.LBB2_4:
0x65: {  	[tilespmem:s22], [sflag:$0x2] =	stream.indirect.gather [hbm4b:s2+s20], $0x80, s0, s20, $0xb8;
	[tilespmem:$0x1FF00] =	vst v63  }
0x66: {  	p1 =	sne.s32 s29, $0x1;
	s29 =	sadd.s32 $0xFFFFFFFF, s29;
	_ =	swait.ge [sflag:s23], $0x4000  }
0x67: {  	[sflag:s23] =	ssyncset.done $0x0  }
0x68: {  	[sflag:s23] =	ssyncadd.s32 $0xFFFFC000  }
0x69: {  	_ =	swait.ge [sflag:s24], $0x80  }
0x6a: {  	[sflag:s24] =	ssyncset.done $0x0  }
0x6b: {  	[sflag:s24] =	ssyncadd.s32 $0xFFFFFF80  }
0x6c: {  	[spmem:s3] =	stream.indirect.scatter.add.f32 [tilespmem:s17], [sflag:$0x5], $0x80, s19, s20, $0xb8;
	[tilespmem:$0x1FF00] =	vst v63  }
0x6d: {  	_ =	swait.ge [sflag:s18], $0x4000  }
0x6e: {  	[sflag:s18] =	ssyncset.done $0x0  }
0x6f: {  	[sflag:s18] =	ssyncadd.s32 $0xFFFFC000  }
0x70: {  	[tilespmem:s19], [sflag:$0x3] =	stream.linear.gather [hbm4b:s31+s4], $0x80, $0x38;
	[tilespmem:$0x1FF00] =	vst v63  }
0x71: {  	_ = 	snop  }
0x72: {  	[tilespmem:s17], [sflag:$0x1] =	stream.indirect.gather [hbm4b:s2+s20], $0x80, s30, s20, $0xb8;
	[tilespmem:$0x1FF00] =	vst v63  }
0x73: {  	_ =	swait.ge [sflag:s25], $0x4000  }
0x74: {  	[sflag:s25] =	ssyncset.done $0x0  }
0x75: {  	[sflag:s25] =	ssyncadd.s32 $0xFFFFC000  }
0x76: {  	_ =	swait.ge [sflag:s26], $0x80  }
0x77: {  	[sflag:s26] =	ssyncset.done $0x0  }
0x78: {  	[sflag:s26] =	ssyncadd.s32 $0xFFFFFF80  }
0x79: {  	[spmem:s3] =	stream.indirect.scatter.add.f32 [tilespmem:s22], [sflag:$0x5], $0x80, s21, s20, $0xb8;
	[tilespmem:$0x1FF00] =	vst v63  }
.Ltmp2:
0x7a: {  	_ =	swait.ge [sflag:s18], $0x4000;
	(pc) =	sbr.rel @p1 .LBB2_4-.Ltmp2, $4  }
0x7b: {  	[sflag:s18] =	ssyncset.done $0x0  }
0x7c: {  	s0 =	sadd.s32 $0x10, s31;
	[sflag:s18] =	ssyncadd.s32 $0xFFFFC000  }
0x7d: {  	[tilespmem:s21], [sflag:$0x4] =	stream.linear.gather [hbm4b:s0+s4], $0x80, $0x38;
	[tilespmem:$0x1FF00] =	vst v63  }
0x7e: {  	s31 =	sadd.s32 $0x20, s31;
	s0 =	sadd.s32 $0x80, s30;
	s30 =	sadd.s32 $0x100, s30  }
.LBB2_5:
0x7f: {  	[tilespmem:s22], [sflag:$0x2] =	stream.indirect.gather [hbm4b:s2+s20], $0x80, s0, s20, $0xb8;
	[tilespmem:$0x1FF00] =	vst v63  }
0x80: {  	_ =	swait.ge [sflag:s23], $0x4000  }
0x81: {  	[sflag:s23] =	ssyncset.done $0x0  }
0x82: {  	[sflag:s23] =	ssyncadd.s32 $0xFFFFC000  }
0x83: {  	_ =	swait.ge [sflag:s24], $0x80  }
0x84: {  	[sflag:s24] =	ssyncset.done $0x0  }
0x85: {  	[sflag:s24] =	ssyncadd.s32 $0xFFFFFF80  }
0x86: {  	[spmem:s3] =	stream.indirect.scatter.add.f32 [tilespmem:s17], [sflag:$0x5], $0x80, s19, s20, $0xb8;
	[tilespmem:$0x1FF00] =	vst v63  }
0x87: {  	_ =	swait.ge [sflag:s18], $0x4000  }
0x88: {  	[sflag:s18] =	ssyncset.done $0x0  }
0x89: {  	[sflag:s18] =	ssyncadd.s32 $0xFFFFC000  }
0x8a: {  	_ =	swait.ge [sflag:s25], $0x4000  }
0x8b: {  	[sflag:s25] =	ssyncset.done $0x0  }
0x8c: {  	[sflag:s25] =	ssyncadd.s32 $0xFFFFC000  }
0x8d: {  	_ =	swait.ge [sflag:s26], $0x80  }
0x8e: {  	[sflag:s26] =	ssyncset.done $0x0  }
0x8f: {  	[sflag:s26] =	ssyncadd.s32 $0xFFFFFF80  }
0x90: {  	[spmem:s3] =	stream.indirect.scatter.add.f32 [tilespmem:s22], [sflag:$0x5], $0x80, s21, s20, $0xb8;
	[tilespmem:$0x1FF00] =	vst v63  }
0x91: {  	_ =	swait.ge [sflag:s18], $0x4000  }
0x92: {  	s31 =	sshll.u32 s1, $0x6;
	s28 =	sadd.s32 $0x1, s28;
	[sflag:s18] =	ssyncset.done $0x0  }
0x93: {  	s29 =	sshrl.u32 s5, $0x3;
	p1 =	sne.s32 s28, s15;
	[sflag:s18] =	ssyncadd.s32 $0xFFFFC000  }
.Ltmp3:
0x94: {  	s0 =	sor.u32 $0x1C05, s31;
	[bflag:$0x0] =	sbarrier.arrive $0xFFFF;
	(pc) =	sbr.rel @p1 .LBB2_1-.Ltmp3, $4  }
0x95: {  	[hbm:s14], [sflag:s0] =	dma.local [spmem:s29], $0x2800  }
0x96: {  	_ =	swait.ge [sflag:s18], $0x2800  }
0x97: {  	[sflag:s18] =	ssyncset.done $0x0  }
0x98: {  	[sflag:s18] =	ssyncadd.s32 $0xFFFFD800  }
0x99: {  	_ =	sfence.sel $0x180000  }
0x9a: {  	[bflag:$0x0] =	sbarrier.arrive $0xFFFF  }
0x9b: {  	_ =	strace $0x9000004D  }
0x9c: {  	[bflag:$0x2] =	sbarrier.arrive $0xFFFF  }
0x9d: {  	p0 =	sne.s32 s1, $0x0;
	s0 =	rddreg [dreg:$0x3]  }
0x9e: {  	s0 =	sadd.s32 @!p0 $0x100000, s0  }
0x9f: {  	[sflag:s0] =	ssyncadd.tile.s32 @!p0 $0x1;
	_ =	shalt  }
.Lfunc_end2:
_tile_overlayer_lowered:
.L_overlay_start_2:
0xa0: {  	(tag) =	ssettag $0x2  }
0xa1: {  	s0 =	rddreg [dreg:$0x0];
	s2 =	stileid.u32  }
0xa2: {  	s1 =	rddreg [dreg:$0x1];
	p0 =	sne.s32 s2, $0x0  }
0xa3: {  	s3 =	rddreg [dreg:$0x2];
	[bflag:$0x3] =	sbarrier.arrive $0xFFFF;
	s2 =	simm.s32 @!p0 $0x1C05  }
0xa4: {  	[timem:s3], [sflag:s2] =	dma.local @!p0 [hbm:s0], s1  }
0xa5: {  	s0 =	simm.s32 @!p0 $0x5  }
0xa6: {  	_ =	swait.ge @!p0 [sflag:s0], s1  }
0xa7: {  	s1 =	ssub.s32 @!p0 $0x0, s1;
	[sflag:s0] =	ssyncset.done @!p0 $0x0  }
0xa8: {  	[sflag:s0] =	ssyncadd.s32 @!p0 s1  }
0xa9: {  	[bflag:$0x3] =	sbarrier.arrive $0xFFFF  }
0xaa: {  	_ =	shalt  }

// kernel: kernel.8.cloned.1.call-start
scs
__scs_entry_jumppad:
0x0: {  	(pc) =	sbr.rel $0x88, $3  }
0x1: {  	(tag) =	ssettag $0x0;
	lr =	simm.s32 $0x1  }
0x2: {  	[smem:$0x3F9B] =	sst lr;
	_ =	strace $0xD0000000  }
0x3: {  	_ = 	snop  }
0x4: {  	_ = 	snop  }
0x5: {  	_ = 	snop  }
0x6: {  	_ = 	snop  }
0x7: {  	_ = 	snop  }
__scs_overlays_trampoline_lowered:
0x8: {  	[smem:$0x3FAA] =	sst s0  }
0x9: {  	[smem:$0x3FAB] =	sst s1  }
0xa: {  	[smem:$0x3FAC] =	sst s2  }
0xb: {  	[smem:$0x3FAD] =	sst s3  }
0xc: {  	[smem:$0x3FAE] =	sst s4  }
0xd: {  	[smem:$0x3FAF] =	sst s5  }
0xe: {  	[smem:$0x3FB0] =	sst s6  }
0xf: {  	[smem:$0x3FB1] =	sst s7  }
0x10: {  	[smem:$0x3FB2] =	sst s8  }
0x11: {  	[smem:$0x3FB3] =	sst s9;
	s0 =	simm.s32 @!p0 $0x0  }
0x12: {  	s1 =	sld [smem:$0x3F99];
	s0 =	simm.s32 @p0 $0x1  }
0x13: {  	[smem:$0x3FB4] =	sst s0;
	s0 =	simm.s32 @!p1 $0x0  }
0x14: {  	s2 =	sld [smem:$0x3F98];
	s0 =	simm.s32 @p1 $0x1  }
0x15: {  	[smem:$0x3FB5] =	sst s0;
	s0 =	simm.s32 @!p2 $0x0  }
0x16: {  	s3 =	sld [smem:$0x3FDB];
	s0 =	simm.s32 @p2 $0x1  }
0x17: {  	s4 =	simm.s32 $0x1BF5;
	[smem:$0x3FB7] =	sst s0  }
0x18: {  	s0 =	sld [smem:$0x3F9A];
	_ =	swait.ge [sflag:s4], $0x0  }
0x19: {  	s7 =	sld [smem:$0x3F9B]  }
0x1a: {  	s8 =	sadd.s32 $0xFFFFE003, lr  }
0x1b: {  	s9 =	sadd.s32 $0xFFFFFEF7, lr;
	s5 =	simm.s32 $0xFFFFFFFF;
	p2 =	slt.u32 s8, $0xFFFFF086  }
0x1c: {  	p1 =	slt.u32 s9, $0xF7A;
	s5 =	simm.s32 @!p2 $0x0  }
0x1d: {  	s5 =	simm.s32 @p1 $0x1;
	p0 =	seq.s32 s7, s2  }
0x1e: {  	s7 =	smul.u32 @!p0 $0xF7A, s2;
	p2 =	seq.s32 @!p0 s5, $0x0  }
0x1f: {  	s9 =	smul.u32 $0xF7A, s1;
	s8 =	simm.s32 @!p0 $0x1BF5;
	p2 =	por !p2, p0  }
0x20: {  	[sflag:s8] =	ssyncset.s32 @!p0 $0xFFFFF086;
	s6 =	sadd.s32 @!p0 s3, s7;
	s7 =	simm.s32 @!p0 $0x108  }
0x21: {  	s3 =	sadd.s32 s3, s9;
	s6 =	sadd.s32 @!p0 $0x88, s6;
	s7 =	simm.s32 @p2 $0x1082  }
0x22: {  	[simem:s7], [sflag:s8] =	dma.local @!p0 [hbm:s6], $0xF7A  }
0x23: {  	s9 =	sor.u32 $0xD0000000, s2;
	s6 =	simm.s32 $0x108;
	_ =	swait.ge @!p0 [sflag:s8], $0x0  }
0x24: {  	s3 =	sadd.s32 $0x88, s3;
	s6 =	simm.s32 @!p1 $0x1082;
	[sflag:s4] =	ssyncset.s32 $0xFFFFF086  }
0x25: {  	[simem:s6], [sflag:s4] =	dma.local [hbm:s3], $0xF7A  }
0x26: {  	[smem:$0x3F9B] =	sst s1;
	(tag) =	ssettag s2;
	_ =	strace s9  }
0x27: {  	s1 =	sld [smem:$0x3FAB]  }
0x28: {  	s2 =	sld [smem:$0x3FAC]  }
0x29: {  	s4 =	sld [smem:$0x3FAE]  }
0x2a: {  	p0 =	seq.s32 s5, $0x0;
	s5 =	sld [smem:$0x3FAF]  }
0x2b: {  	s6 =	sld [smem:$0x3FB0]  }
0x2c: {  	s7 =	sld [smem:$0x3FB1]  }
0x2d: {  	s3 =	simm.s32 $0x108;
	s8 =	sld [smem:$0x3FB2]  }
0x2e: {  	s3 =	simm.s32 @!p0 $0x1082;
	s9 =	sld [smem:$0x3FB3]  }
0x2f: {  	lr =	sadd.s32 s0, s3;
	s0 =	sld [smem:$0x3FAA]  }
0x30: {  	s3 =	sld [smem:$0x3FAD]  }
0x31: {  	[smem:$0x3FB6] =	sst s10  }
0x32: {  	s10 =	sld [smem:$0x3FB4];
	_ =	sdelay $0x3  }
0x33: {  	p0 =	seq.s32 s10, $0x1;
	s10 =	sld [smem:$0x3FB6];
	_ =	sdelay $0x3  }
0x34: {  	[smem:$0x3FB6] =	sst s10  }
0x35: {  	s10 =	sld [smem:$0x3FB5];
	_ =	sdelay $0x3  }
0x36: {  	p1 =	seq.s32 s10, $0x1;
	s10 =	sld [smem:$0x3FB6];
	_ =	sdelay $0x3  }
0x37: {  	[smem:$0x3FB6] =	sst s10  }
0x38: {  	s10 =	sld [smem:$0x3FB7]  }
0x39: {  	_ = 	snop;
	(pc) =	sbr.ind lr, $3  }
0x3a: {  	_ = 	snop  }
0x3b: {  	_ = 	snop  }
0x3c: {  	p2 =	seq.s32 s10, $0x1;
	s10 =	sld [smem:$0x3FB6]  }
0x3d: {  	_ =	shalt  }
0x3e: {  	_ =	shalt  }
0x3f: {  	_ =	shalt  }
0x40: {  	_ =	shalt  }
0x41: {  	_ =	shalt  }
0x42: {  	_ =	shalt  }
0x43: {  	_ =	shalt  }
0x44: {  	_ =	shalt  }
0x45: {  	_ =	shalt  }
0x46: {  	_ =	shalt  }
0x47: {  	_ =	shalt  }
0x48: {  	_ =	shalt  }
0x49: {  	_ =	shalt  }
0x4a: {  	_ =	shalt  }
0x4b: {  	_ =	shalt  }
0x4c: {  	_ =	shalt  }
0x4d: {  	_ =	shalt  }
0x4e: {  	_ =	shalt  }
0x4f: {  	_ =	shalt  }
0x50: {  	_ =	shalt  }
0x51: {  	_ =	shalt  }
0x52: {  	_ =	shalt  }
0x53: {  	_ =	shalt  }
0x54: {  	_ =	shalt  }
0x55: {  	_ =	shalt  }
0x56: {  	_ =	shalt  }
0x57: {  	_ =	shalt  }
0x58: {  	_ =	shalt  }
0x59: {  	_ =	shalt  }
0x5a: {  	_ =	shalt  }
0x5b: {  	_ =	shalt  }
0x5c: {  	_ =	shalt  }
0x5d: {  	_ =	shalt  }
0x5e: {  	_ =	shalt  }
0x5f: {  	_ =	shalt  }
0x60: {  	_ =	shalt  }
0x61: {  	_ =	shalt  }
0x62: {  	_ =	shalt  }
0x63: {  	_ =	shalt  }
0x64: {  	_ =	shalt  }
0x65: {  	_ =	shalt  }
0x66: {  	_ =	shalt  }
0x67: {  	_ =	shalt  }
0x68: {  	_ =	shalt  }
0x69: {  	_ =	shalt  }
0x6a: {  	_ =	shalt  }
0x6b: {  	_ =	shalt  }
0x6c: {  	_ =	shalt  }
0x6d: {  	_ =	shalt  }
0x6e: {  	_ =	shalt  }
0x6f: {  	_ =	shalt  }
0x70: {  	_ =	shalt  }
0x71: {  	_ =	shalt  }
0x72: {  	_ =	shalt  }
0x73: {  	_ =	shalt  }
0x74: {  	_ =	shalt  }
0x75: {  	_ =	shalt  }
0x76: {  	_ =	shalt  }
0x77: {  	_ =	shalt  }
0x78: {  	_ =	shalt  }
0x79: {  	_ =	shalt  }
0x7a: {  	_ =	shalt  }
0x7b: {  	_ =	shalt  }
0x7c: {  	_ =	shalt  }
0x7d: {  	_ =	shalt  }
0x7e: {  	_ =	shalt  }
0x7f: {  	_ =	shalt  }
0x80: {  	_ =	shalt  }
0x81: {  	_ =	shalt  }
0x82: {  	_ =	shalt  }
0x83: {  	_ =	shalt  }
0x84: {  	_ =	shalt  }
0x85: {  	_ =	shalt  }
0x86: {  	_ =	shalt  }
0x87: {  	_ =	shalt  }
.Lfunc_end0:
.L_simem_size_0:
called_computation_lowered:
.L_overlay_start_0:
0x88: {  	s2 =	sld [smem:$0x3FD9]  }
0x89: {  	s3 =	sld [smem:$0x3FFE];
	_ =	sdelay $0x1  }
0x8a: {  	s1 =	srdreg.scid  }
0x8b: {  	s0 =	sand.u32 $0x1, s1  }
0x8c: {  	s17 =	sshll.u32 s0, $0xA;
	s2 =	sadd.s32 s3, s2  }
0x8d: {  	s2 =	sadd.s32 s2, s17  }
0x8e: {  	[smem:$0x3FC2] =	sst s2  }
0x8f: {  	_ = 	snop  }
0x90: {  	s2 =	sld [smem:$0x3FD0];
	(tm) =	ssettm $0x1  }
0x91: {  	s18 =	sld [smem:$0x3FFB];
	_ =	sdelay $0x3  }
0x92: {  	_ =	strace s18  }
0x93: {  	s3 =	sld [smem:$0x3FFC];
	_ =	sdelay $0x3  }
0x94: {  	_ =	strace s3  }
0x95: {  	s3 =	sld [smem:$0x3FFD];
	_ =	sdelay $0x3  }
0x96: {  	_ =	strace s3  }
0x97: {  	_ =	strace $0x8FFFFFFF  }
0x98: {  	s19 =	sld [smem:$0x3FDB];
	_ =	sdelay $0x1  }
0x99: {  	s4 =	simm.s32 $_scs_section_size  }
0x9a: {  	s5 =	simm.s32 $_size__tile_overlayer_lowered;
	s6 =	simm.s32 $_tile_overlayer_lowered  }
0x9b: {  	s22 =	simm.s32 $0x1BFF;
	s21 =	sshll.u32 s6, $0x1;
	s3 =	sadd.s32 s4, s19  }
0x9c: {  	s7 =	simm.s32 $0x0;
	s20 =	sshll.u32 s5, $0x1;
	s5 =	sadd.s32 s21, s3  }
0x9d: {  	[timem:s7], [sflag:s22] =	dma.local [hbm:s5], s20  }
0x9e: {  	_ =	swait.ge [sflag:s22], s20  }
0x9f: {  	s4 =	ssub.s32 $0x0, s20;
	[sflag:s22] =	ssyncset.done $0x0  }
0xa0: {  	[sflag:s22] =	ssyncadd.s32 s4;
	_ =	sdelay $0x1  }
0xa1: {  	s23 =	simm.s32 $0x1B8B  }
0xa2: {  	_ =	swait.ge [sflag:s23], $0x1  }
0xa3: {  	[sflag:s23] =	ssyncset.done $0x0  }
0xa4: {  	s25 =	simm.s32 $0x1B8E;
	s24 =	sld [smem:$0x3FFE];
	[sflag:s23] =	ssyncadd.s32 $0xFFFFFFFF  }
0xa5: {  	s26 =	simm.s32 $execute0_lowered;
	[smem:$0x3FD2] =	sst s25  }
0xa6: {  	s5 =	sshll.u32 s26, $0x1;
	_ =	strace $0x80000046;
	[dreg:$0x1] =	wrdreg $0xFFFFFFFF  }
0xa7: {  	s28 =	simm.s32 $_size_execute0_lowered;
	s3 =	sadd.s32 s3, s5;
	[dreg:$0x0] =	wrdreg $0x0  }
0xa8: {  	s5 =	sshll.u32 s28, $0x1;
	[dreg:$0x2] =	wrdreg s3  }
0xa9: {  	[dreg:$0x3] =	wrdreg s5  }
0xaa: {  	[dreg:$0x4] =	wrdreg $0xC0  }
0xab: {  	_ =	task [dreg:s7], $0x5FFFF  }
0xac: {  	[dreg:$0x1] =	wrdreg $0xFFFFFFFF  }
0xad: {  	[dreg:$0x0] =	wrdreg $0x60  }
0xae: {  	[dreg:$0x2] =	wrdreg s24  }
0xaf: {  	[dreg:$0x3] =	wrdreg s2  }
0xb0: {  	[dreg:$0x4] =	wrdreg $0x30000  }
0xb1: {  	[dreg:$0x5] =	wrdreg $0x9  }
0xb2: {  	_ =	task.clear_ibuf [dreg:s7], $0x6FFFF;
	_ =	strace $0x90000046  }
0xb3: {  	s29 =	simm.s32 $0x9;
	_ =	strace $0x80000048  }
0xb4: {  	_ =	swait.ge [sflag:s29], $0x1  }
0xb5: {  	[sflag:s29] =	ssyncadd.s32 $0xFFFFFFFF  }
0xb6: {  	_ =	strace $0x90000048  }
0xb7: {  	_ =	sfence  }
0xb8: {  	s30 =	sld [smem:$0x0];
	_ =	sdelay $0x2  }
0xb9: {  	s31 =	sshll.u32 s1, $0xD;
	s1 =	sshrl.u32 s1, $0x2  }
0xba: {  	s3 =	sand.u32 $0x4000, s31;
	s1 =	sadd.s32 s1, s30  }
0xbb: {  	s0 =	sor.u32 s3, s0;
	s1 =	sshll.u32 s1, $0x11  }
0xbc: {  	s0 =	sor.u32 s1, s0  }
0xbd: {  	s0 =	sadd.s32 $0x8F2B, s0  }
0xbe: {  	[sflag:s0] =	ssyncadd.remote.s32 $0x1  }
0xbf: {  	_ =	sfence.sel $0xFFFF  }
0xc0: {  	[dreg:$0x0] =	wrdreg $0xFFFFFFFF;
	(pc) =	sbr.abs _section_cstart, $3  }
0xc1: {  	[dreg:$0x1] =	wrdreg $0xFFFFFFFF  }
0xc2: {  	_ =	task.clear_ibuf [dreg:s7], $0x2FFFF;
	_ =	strace $0x9FFFFFFF  }
0xc3: {  	(tm) =	ssettm $0x7FFFFFFF  }
tec
execute0_lowered:
.L_overlay_start_1:
0x0: {  	(tag) =	ssettag $0x1  }
0x1: {  	s4 =	rddreg [dreg:$0x0]  }
0x2: {  	s0 =	srdreg.scid;
	s10 =	rddreg [dreg:$0x1]  }
0x3: {  	s2 =	rddreg [dreg:$0x2];
	s1 =	stileid.u32  }
0x4: {  	s3 =	simm.s32 $0x0;
	s5 =	sand.u32 $0x1, s0;
	s0 =	rddreg [dreg:$0x3]  }
0x5: {  	s14 =	simm.s32 $0x80;
	[smem:$0x7FF] =	sst s3;
	s7 =	smul.u32 $0xA000, s1  }
0x6: {  	s8 =	smul.u32 $0x2800, s1;
	s15 =	sshll.u32 s1, $0x6;
	s6 =	sshll.u32 s5, $0x4  }
0x7: {  	_ =	strace $0x80000047;
	s30 =	ssub.s32 $0x2, s5;
	s11 =	smul.u32 $0x28000, s5  }
0x8: {  	s15 =	sor.u32 $0x1C01, s15;
	s6 =	sor.u32 s1, s6;
	s7 =	sshrl.u32 s7, $0x2  }
0x9: {  	s31 =	sshrl.u32 s30, $0x1;
	s6 =	smul.u32 $0x500, s6;
	s13 =	sadd.s32 s7, s2  }
0xa: {  	s12 =	ssub.s32 s30, s31;
	s11 =	sadd.s32 s8, s11;
	s5 =	sadd.s32 $0x800, s13  }
0xb: {  	s7 =	sadd.s32 $0x1800, s13;
	s11 =	sshrl.u32 s11, $0x3;
	s9 =	sadd.s32 s6, s4  }
0xc: {  	s4 =	sadd.s32 s8, s2;
	s6 =	sadd.s32 $0x1000, s13;
	s8 =	sadd.s32 $0x2000, s13  }
0xd: {  	s10 =	sadd.s32 s10, s11;
	s11 =	smax.u32 s12, $0x1;
	s12 =	simm.s32 $0x2800  }
0xe: {  	v0 =	vimm.f32 $0.0e+00;
	v1 =	vimm.f32 $1.000000000e+00;
	s13 =	simm.s32 $0x1;
	s9 =	sadd.s32 $0x3200, s9;
	s16 =	sshrl.u32 s4, $0x3  }
.LBB2_1:
0xf: {  	s17 =	simm.s32 $0x40;
	s18 =	simm.s32 $0x0  }
.LBB2_2:
0x10: {  	p0 =	sne.s32 s17, $0x1FC0;
	[tilespmem:s18+$0x2800] =	vst v0;
	s18 =	smov.u32 s17;
	s17 =	sadd.s32 $0x40, s17  }
.Ltmp0:
0x11: {  	(pc) =	sbr.rel @p0 .LBB2_2-.Ltmp0, $2  }
0x12: {  	_ =	sdelay $0x2  }
0x13: {  	s18 =	sshra.s32 s18, $0x2  }
0x14: {  	[tilespmem:s18+$0x2800] =	vst v0  }
0x15: {  	[spmem:s4] =	stream.linear.scatter [tilespmem:s12], [sflag:$0x1], $0x800, $0x38;
	[tilespmem:$0x5800] =	vst v63  }
0x16: {  	_ =	swait.ge [sflag:s13], $0x800  }
0x17: {  	[sflag:s13] =	ssyncset.done $0x0  }
0x18: {  	[sflag:s13] =	ssyncadd.s32 $0xFFFFF800  }
0x19: {  	[spmem:s5] =	stream.linear.scatter [tilespmem:s12], [sflag:$0x1], $0x800, $0x38;
	[tilespmem:$0x5800] =	vst v63  }
0x1a: {  	_ =	swait.ge [sflag:s13], $0x800  }
0x1b: {  	[sflag:s13] =	ssyncset.done $0x0  }
0x1c: {  	[sflag:s13] =	ssyncadd.s32 $0xFFFFF800  }
0x1d: {  	[spmem:s6] =	stream.linear.scatter [tilespmem:s12], [sflag:$0x1], $0x800, $0x38;
	[tilespmem:$0x5800] =	vst v63  }
0x1e: {  	_ =	swait.ge [sflag:s13], $0x800  }
0x1f: {  	[sflag:s13] =	ssyncset.done $0x0  }
0x20: {  	[sflag:s13] =	ssyncadd.s32 $0xFFFFF800  }
0x21: {  	[spmem:s7] =	stream.linear.scatter [tilespmem:s12], [sflag:$0x1], $0x800, $0x38;
	[tilespmem:$0x5800] =	vst v63  }
0x22: {  	_ =	swait.ge [sflag:s13], $0x800  }
0x23: {  	[sflag:s13] =	ssyncset.done $0x0  }
0x24: {  	[sflag:s13] =	ssyncadd.s32 $0xFFFFF800  }
0x25: {  	[spmem:s8] =	stream.linear.scatter [tilespmem:s12], [sflag:$0x1], $0x800, $0x38;
	[tilespmem:$0x5800] =	vst v63  }
0x26: {  	_ =	swait.ge [sflag:s13], $0x800  }
0x27: {  	[sflag:s13] =	ssyncset.done $0x0  }
0x28: {  	s17 =	simm.s32 $0x40;
	s18 =	simm.s32 $0x0;
	[sflag:s13] =	ssyncadd.s32 $0xFFFFF800  }
.LBB2_4:
0x29: {  	p0 =	sne.s32 s17, $0x1FC0;
	[tilespmem:s18+$0x2800] =	vst v1;
	s18 =	smov.u32 s17;
	s17 =	sadd.s32 $0x40, s17  }
.Ltmp1:
0x2a: {  	(pc) =	sbr.rel @p0 .LBB2_4-.Ltmp1, $2  }
0x2b: {  	_ =	sdelay $0x2  }
0x2c: {  	s18 =	sshra.s32 s18, $0x2  }
0x2d: {  	[tilespmem:s18+$0x2800] =	vst v1;
	s17 =	simm.s32 $0x0  }
0x2e: {  	[tilespmem:s17], [sflag:$0x1] =	stream.linear.gather [hbm4b:s9+s17], $0x2800, $0x38;
	[tilespmem:$0x5800] =	vst v63  }
0x2f: {  	_ =	swait.ge [sflag:s13], $0x2800  }
0x30: {  	[sflag:s13] =	ssyncset.done $0x0  }
0x31: {  	[sflag:s13] =	ssyncadd.s32 $0xFFFFD800  }
0x32: {  	s31 =	simm.s32 $0x0;
	[bflag:$0x0] =	sbarrier.arrive $0xFFFF  }
0x33: {  	[spmem:s2] =	stream.indirect.scatter.add.f32 [tilespmem:s12], [sflag:$0x1], $0x10, s31, s14, $0xb8;
	[tilespmem:$0x5800] =	vst v63  }
0x34: {  	_ =	swait.ge [sflag:s13], $0x800  }
0x35: {  	s17 =	simm.s32 $0x200;
	[sflag:s13] =	ssyncset.done $0x0  }
.LBB2_6:
0x36: {  	s18 =	sshra.s32 s17, $0x2;
	[sflag:s13] =	ssyncadd.s32 $0xFFFFF800;
	p0 =	sne.s32 s17, $0x9E00  }
0x37: {  	[spmem:s2] =	stream.indirect.scatter.add.f32 [tilespmem:s12], [sflag:$0x1], $0x10, s18, s14, $0xb8;
	[tilespmem:$0x5800] =	vst v63  }
.Ltmp2:
0x38: {  	_ = 	snop;
	(pc) =	sbr.rel @p0 .LBB2_6-.Ltmp2, $4  }
0x39: {  	_ = 	snop  }
0x3a: {  	s17 =	sadd.s32 $0x200, s17  }
0x3b: {  	_ =	swait.ge [sflag:s13], $0x800  }
0x3c: {  	[sflag:s13] =	ssyncset.done $0x0  }
0x3d: {  	s3 =	sadd.s32 $0x1, s3  }
0x3e: {  	[sflag:s13] =	ssyncadd.s32 $0xFFFFF800;
	p0 =	sne.s32 s3, s11  }
.Ltmp3:
0x3f: {  	[bflag:$0x0] =	sbarrier.arrive $0xFFFF;
	(pc) =	sbr.rel @p0 .LBB2_1-.Ltmp3, $4  }
0x40: {  	[hbm:s10], [sflag:s15] =	dma.local [spmem:s16], $0x500  }
0x41: {  	_ =	swait.ge [sflag:s13], $0x500  }
0x42: {  	[sflag:s13] =	ssyncset.done $0x0  }
0x43: {  	[sflag:s13] =	ssyncadd.s32 $0xFFFFFB00  }
0x44: {  	_ =	sfence.sel $0x180000  }
0x45: {  	[bflag:$0x0] =	sbarrier.arrive $0xFFFF  }
0x46: {  	p0 =	sne.s32 s1, $0x0;
	_ =	strace $0x90000047  }
0x47: {  	s0 =	sadd.s32 @!p0 $0x100000, s0;
	[bflag:$0x2] =	sbarrier.arrive $0xFFFF  }
0x48: {  	[sflag:s0] =	ssyncadd.tile.s32 @!p0 $0x1;
	_ =	shalt  }
.Lfunc_end2:
_tile_overlayer_lowered:
.L_overlay_start_2:
0x49: {  	(tag) =	ssettag $0x2  }
0x4a: {  	s0 =	rddreg [dreg:$0x0];
	s2 =	stileid.u32  }
0x4b: {  	s1 =	rddreg [dreg:$0x1];
	p0 =	sne.s32 s2, $0x0  }
0x4c: {  	s3 =	rddreg [dreg:$0x2];
	[bflag:$0x3] =	sbarrier.arrive $0xFFFF;
	s2 =	simm.s32 @!p0 $0x1C01  }
0x4d: {  	[timem:s3], [sflag:s2] =	dma.local @!p0 [hbm:s0], s1  }
0x4e: {  	s0 =	simm.s32 @!p0 $0x1  }
0x4f: {  	_ =	swait.ge @!p0 [sflag:s0], s1  }
0x50: {  	s1 =	ssub.s32 @!p0 $0x0, s1;
	[sflag:s0] =	ssyncset.done @!p0 $0x0  }
0x51: {  	[sflag:s0] =	ssyncadd.s32 @!p0 s1  }
0x52: {  	[bflag:$0x3] =	sbarrier.arrive $0xFFFF  }
0x53: {  	_ =	shalt  }

</sc_bundles>
